<compile_context>
chip_gen: v7x
topology: tpu7x:2x2x1
jax: 0.10.2.dev20260603
libtpu: 0.0.44.dev20260713+nightly
codegen_flags: <defaults>
</compile_context>

<pallas_src>
import jax, jax.numpy as jnp
import numpy as np
from functools import partial
from jax.experimental import pallas as pl
from jax.experimental.pallas import tpu as pltpu

NPOINT = 2048
RADIUS = 0.2
NSAMPLE = 32
EPS = 1e-5
B, N, D = 4, 8192, 32
NR, NL = 64, 128
SG = 8


def _fps_body(xp_ref, yp_ref, zp_ref, idx_ref, nx_ref, dist_ref):
    dist_ref[...] = jnp.full((B, NR, NL), 1e10, jnp.float32)
    X = xp_ref[...]
    Y = yp_ref[...]
    Z = zp_ref[...]
    lane = jax.lax.broadcasted_iota(jnp.int32, (B, 128), 1)
    bidx = jax.lax.broadcasted_iota(jnp.int32, (B, 128), 0)
    masks = [(lane == 3 * bidx + c).astype(jnp.float32) for c in range(3)]
    flat_iota = (
        jax.lax.broadcasted_iota(jnp.int32, (B, NR, NL), 1) * NL
        + jax.lax.broadcasted_iota(jnp.int32, (B, NR, NL), 2)
    )

    def body(i, far):
        idx_ref[pl.ds(i, 1), :] = far.reshape(1, B)
        onehot = (flat_iota == far.reshape(B, 1, 1)).astype(jnp.float32)
        cx = jnp.sum(X * onehot, axis=(1, 2)).reshape(B, 1, 1)
        cy = jnp.sum(Y * onehot, axis=(1, 2)).reshape(B, 1, 1)
        cz = jnp.sum(Z * onehot, axis=(1, 2)).reshape(B, 1, 1)
        nx_ref[pl.ds(i, 1), :] = jnp.sum(
            cx.reshape(B, 1) * masks[0]
            + cy.reshape(B, 1) * masks[1]
            + cz.reshape(B, 1) * masks[2],
            axis=0,
            keepdims=True,
        )
        dx = X - cx
        dy = Y - cy
        dz = Z - cz
        d = dx * dx + dy * dy + dz * dz
        dist = jnp.minimum(dist_ref[...], d)
        dist_ref[...] = dist
        m = jnp.max(dist, axis=(1, 2), keepdims=True)
        far_new = jnp.min(
            jnp.where(dist == m, flat_iota, N), axis=(1, 2)
        ).astype(jnp.int32)
        return far_new

    jax.lax.fori_loop(0, NPOINT, body, jnp.zeros((B,), jnp.int32), unroll=False)


def _run_fps(xp, yp, zp):
    return pl.pallas_call(
        _fps_body,
        out_shape=(
            jax.ShapeDtypeStruct((NPOINT, B), jnp.int32),
            jax.ShapeDtypeStruct((NPOINT, 128), jnp.float32),
        ),
        scratch_shapes=[pltpu.VMEM((B, NR, NL), jnp.float32)],
    )(xp, yp, zp)


NROW, NLANE = 64, 128


def _ball_body(xb_ref, yb_ref, zb_ref, cx_ref, cy_ref, cz_ref, idx_ref):
    X = xb_ref[0]
    Y = yb_ref[0]
    Z = zb_ref[0]
    cx = cx_ref[0, 0].reshape(SG, 1, 1)
    cy = cy_ref[0, 0].reshape(SG, 1, 1)
    cz = cz_ref[0, 0].reshape(SG, 1, 1)
    dxx = cx - X[None]
    dyy = cy - Y[None]
    dzz = cz - Z[None]
    d = dxx * dxx + dyy * dyy + dzz * dzz
    BIG = jnp.float32(jnp.inf)
    r2 = jnp.float32(RADIUS * RADIUS)

    m = d
    for sh in (1, 2, 4, 8, 16):
        m = jnp.minimum(m, jnp.roll(m, -sh, axis=2))
    parts = [m[:, :, 32 * q : 32 * q + 1] for q in range(4)]
    cm = jnp.concatenate(parts, axis=2).reshape(SG, 256)

    chunk_iota = jax.lax.broadcasted_iota(jnp.int32, (SG, 256), 1)
    sels = []
    for _ in range(NSAMPLE):
        gmin = jnp.min(cm, axis=1, keepdims=True)
        gid = jnp.min(jnp.where(cm == gmin, chunk_iota, 256), axis=1, keepdims=True)
        sels.append(gid)
        cm = jnp.where(chunk_iota == gid, BIG, cm)
    sel = jnp.concatenate(sels, axis=1)

    row = sel // 4
    q = sel % 4
    iota64 = jax.lax.broadcasted_iota(jnp.int32, (SG, NSAMPLE, NROW), 2)
    R = (row[:, :, None] == iota64).astype(jnp.float32)
    rowg = jnp.stack([
        jax.lax.dot_general(
            R[b], d[b], (((1,), (0,)), ((), ())),
            preferred_element_type=jnp.float32,
            precision=jax.lax.Precision.HIGHEST,
        )
        for b in range(SG)
    ])
    cand = rowg[:, :, 0:32]
    for qq in range(1, 4):
        cand = jnp.where(q[:, :, None] == qq, rowg[:, :, 32 * qq : 32 * (qq + 1)], cand)
    lane32 = jax.lax.broadcasted_iota(jnp.int32, (SG, NSAMPLE, 32), 2)
    cand_idx = sel[:, :, None] * 32 + lane32

    vals = cand.reshape(SG, NSAMPLE * 32)
    cidx = cand_idx.reshape(SG, NSAMPLE * 32)
    Vs, Is = [], []
    for _ in range(NSAMPLE):
        gmin = jnp.min(vals, axis=1, keepdims=True)
        gidx = jnp.min(jnp.where(vals == gmin, cidx, N), axis=1, keepdims=True)
        Vs.append(gmin)
        Is.append(gidx)
        vals = jnp.where(cidx == gidx, BIG, vals)
    V = jnp.concatenate(Vs, axis=1)
    I = jnp.concatenate(Is, axis=1)
    I = jnp.where(V > r2, I[:, 0:1], I)
    idx_ref[0, 0] = I


def _run_ball(xb, yb, zb, cx, cy, cz):
    ns = NPOINT // SG
    grid = (B, ns)
    out = pl.pallas_call(
        _ball_body,
        grid=grid,
        in_specs=[
            pl.BlockSpec((1, NROW, NLANE), lambda b, s: (b, 0, 0)),
            pl.BlockSpec((1, NROW, NLANE), lambda b, s: (b, 0, 0)),
            pl.BlockSpec((1, NROW, NLANE), lambda b, s: (b, 0, 0)),
            pl.BlockSpec((1, 1, SG, 1), lambda b, s: (b, s, 0, 0)),
            pl.BlockSpec((1, 1, SG, 1), lambda b, s: (b, s, 0, 0)),
            pl.BlockSpec((1, 1, SG, 1), lambda b, s: (b, s, 0, 0)),
        ],
        out_specs=pl.BlockSpec((1, 1, SG, NSAMPLE), lambda b, s: (b, s, 0, 0)),
        out_shape=jax.ShapeDtypeStruct((B, ns, SG, NSAMPLE), jnp.int32),
    )(
        xb.reshape(B, NROW, NLANE),
        yb.reshape(B, NROW, NLANE),
        zb.reshape(B, NROW, NLANE),
        cx, cy, cz,
    )
    return out.reshape(B, NPOINT, NSAMPLE)


TW = 48
M_ALL = B * NSAMPLE * NPOINT + B * NPOINT
SC_NW = 32
SC_CH = 128
SC_K = 11
SC_SUPER = M_ALL // (SC_NW * SC_CH * SC_K)
assert SC_NW * SC_CH * SC_K * SC_SUPER == M_ALL


def _make_sc_gather():
    from jax import lax
    from jax.experimental.pallas import tpu_sc as plsc

    mesh = plsc.VectorSubcoreMesh(core_axis_name="c", subcore_axis_name="s")

    @partial(
        pl.kernel,
        mesh=mesh,
        out_type=jax.ShapeDtypeStruct((M_ALL, TW), jnp.float32),
        scratch_types=[
            pltpu.VMEM((SC_K, SC_CH), jnp.int32),
            pltpu.VMEM((SC_K * SC_CH, TW), jnp.float32),
            pltpu.SemaphoreType.DMA,
        ],
        compiler_params=pltpu.CompilerParams(use_tc_tiling_on_sc=False),
    )
    def sc_gather(table_hbm, idx_hbm, out_hbm, idx_v, rows_v, sem):
        wid = lax.axis_index("s") * 2 + lax.axis_index("c")

        def one_super(t, carry):
            sup = wid * SC_SUPER + t
            row0 = sup * (SC_K * SC_CH)
            pltpu.sync_copy(idx_hbm.at[sup], idx_v)
            handles = []
            for k in range(SC_K):
                handles.append(
                    pltpu.async_copy(
                        table_hbm.at[idx_v.at[k]],
                        rows_v.at[pl.ds(k * SC_CH, SC_CH), :],
                        sem,
                    )
                )
            for h in handles:
                h.wait()
            pltpu.sync_copy(rows_v, out_hbm.at[pl.ds(row0, SC_K * SC_CH), :])
            return carry

        jax.lax.fori_loop(0, SC_SUPER, one_super, 0)

    return sc_gather


_sc_gather_cache = []


def _sc_gather(T, idx_all):
    if not _sc_gather_cache:
        _sc_gather_cache.append(_make_sc_gather())
    return _sc_gather_cache[0](T, idx_all)


PPOS = B * NSAMPLE * NPOINT


def _mm(a, b):
    return jax.lax.dot_general(
        a, b, (((1,), (0,)), ((), ())), preferred_element_type=jnp.float32
    )


def _stats_a_body(g_ref, nf_ref, A_ref, C_ref, s_ref, q_ref):
    b = pl.program_id(0)
    n = pl.program_id(1)
    y0 = _mm(g_ref[...], A_ref[...]) + _mm(nf_ref[...], C_ref[...])

    @pl.when(jnp.logical_and(b == 0, n == 0))
    def _():
        s_ref[...] = jnp.zeros_like(s_ref)
        q_ref[...] = jnp.zeros_like(q_ref)

    s_ref[...] += jnp.sum(y0, axis=0, keepdims=True)
    q_ref[...] += jnp.sum(y0 * y0, axis=0, keepdims=True)


def _stats_b_body(g_ref, nf_ref, A_ref, C_ref, a0_ref, c0_ref, W1_ref, s_ref, q_ref):
    b = pl.program_id(0)
    n = pl.program_id(1)
    y0 = _mm(g_ref[...], A_ref[...]) + _mm(nf_ref[...], C_ref[...])
    x1 = jax.nn.relu(y0 * a0_ref[...] + c0_ref[...])
    y1 = _mm(x1, W1_ref[...])

    @pl.when(jnp.logical_and(b == 0, n == 0))
    def _():
        s_ref[...] = jnp.zeros_like(s_ref)
        q_ref[...] = jnp.zeros_like(q_ref)

    s_ref[...] += jnp.sum(y1, axis=0, keepdims=True)
    q_ref[...] += jnp.sum(y1 * y1, axis=0, keepdims=True)


def _stats_c_body(g_ref, nf_ref, A_ref, C_ref, a0_ref, c0_ref, W1_ref,
                  a1_ref, c1_ref, W2_ref, s_ref, q_ref):
    b = pl.program_id(0)
    n = pl.program_id(1)
    y0 = _mm(g_ref[...], A_ref[...]) + _mm(nf_ref[...], C_ref[...])
    x1 = jax.nn.relu(y0 * a0_ref[...] + c0_ref[...])
    y1 = _mm(x1, W1_ref[...])
    x2 = jax.nn.relu(y1 * a1_ref[...] + c1_ref[...])
    y2 = _mm(x2, W2_ref[...])

    @pl.when(jnp.logical_and(b == 0, n == 0))
    def _():
        s_ref[...] = jnp.zeros_like(s_ref)
        q_ref[...] = jnp.zeros_like(q_ref)

    s_ref[...] += jnp.sum(y2, axis=0, keepdims=True)
    q_ref[...] += jnp.sum(y2 * y2, axis=0, keepdims=True)


def _final_body(g_ref, nf_ref, A_ref, C_ref, a0_ref, c0_ref, W1_ref,
                a1_ref, c1_ref, W2_ref, a2_ref, c2_ref, out_ref):
    n = pl.program_id(1)
    y0 = _mm(g_ref[...], A_ref[...]) + _mm(nf_ref[...], C_ref[...])
    x1 = jax.nn.relu(y0 * a0_ref[...] + c0_ref[...])
    y1 = _mm(x1, W1_ref[...])
    x2 = jax.nn.relu(y1 * a1_ref[...] + c1_ref[...])
    y2 = _mm(x2, W2_ref[...])
    x3 = jax.nn.relu(y2 * a2_ref[...] + c2_ref[...])[None, :, :]

    @pl.when(n == 0)
    def _():
        out_ref[...] = x3

    @pl.when(n != 0)
    def _():
        out_ref[...] = jnp.maximum(out_ref[...], x3)


def _g_specs():
    return [
        pl.BlockSpec((NPOINT, TW), lambda b, n: (b * NSAMPLE + n, 0)),
        pl.BlockSpec((NPOINT, TW), lambda b, n: (B * NSAMPLE + b, 0)),
    ]


def _w_spec(shape):
    return pl.BlockSpec(shape, lambda b, n: tuple(0 for _ in shape))


def _run_mlp(G_all, A, C, W1T, W2T, g0, b0, g1, b1, g2, b2):
    grid = (B, NSAMPLE)

    def affine(s, q, g, b):
        mean = s / PPOS
        var = q / PPOS - mean * mean
        a = g[None, :] * jax.lax.rsqrt(var + EPS)
        c = b[None, :] - mean * a
        return a, c

    s0, q0 = pl.pallas_call(
        _stats_a_body,
        grid=grid,
        in_specs=_g_specs() + [_w_spec((TW, D)), _w_spec((TW, D))],
        out_specs=(_w_spec((1, D)), _w_spec((1, D))),
        out_shape=(jax.ShapeDtypeStruct((1, D), jnp.float32),) * 2,
    )(G_all, G_all, A, C)
    a0, c0 = affine(s0, q0, g0, b0)

    s1, q1 = pl.pallas_call(
        _stats_b_body,
        grid=grid,
        in_specs=_g_specs()
        + [_w_spec((TW, D)), _w_spec((TW, D)), _w_spec((1, D)), _w_spec((1, D)),
           _w_spec((D, D))],
        out_specs=(_w_spec((1, D)), _w_spec((1, D))),
        out_shape=(jax.ShapeDtypeStruct((1, D), jnp.float32),) * 2,
    )(G_all, G_all, A, C, a0, c0, W1T)
    a1, c1 = affine(s1, q1, g1, b1)

    s2, q2 = pl.pallas_call(
        _stats_c_body,
        grid=grid,
        in_specs=_g_specs()
        + [_w_spec((TW, D)), _w_spec((TW, D)), _w_spec((1, D)), _w_spec((1, D)),
           _w_spec((D, D)), _w_spec((1, D)), _w_spec((1, D)), _w_spec((D, 2 * D))],
        out_specs=(_w_spec((1, 2 * D)), _w_spec((1, 2 * D))),
        out_shape=(jax.ShapeDtypeStruct((1, 2 * D), jnp.float32),) * 2,
    )(G_all, G_all, A, C, a0, c0, W1T, a1, c1, W2T)
    a2, c2 = affine(s2, q2, g2, b2)

    pooled_t = pl.pallas_call(
        _final_body,
        grid=grid,
        in_specs=_g_specs()
        + [_w_spec((TW, D)), _w_spec((TW, D)), _w_spec((1, D)), _w_spec((1, D)),
           _w_spec((D, D)), _w_spec((1, D)), _w_spec((1, D)), _w_spec((D, 2 * D)),
           _w_spec((1, 2 * D)), _w_spec((1, 2 * D))],
        out_specs=pl.BlockSpec((1, NPOINT, 2 * D), lambda b, n: (b, 0, 0)),
        out_shape=jax.ShapeDtypeStruct((B, NPOINT, 2 * D), jnp.float32),
    )(G_all, G_all, A, C, a0, c0, W1T, a1, c1, W2T, a2, c2)
    return pooled_t


def kernel(xyz, points, W0, g0, b0, W1, g1, b1, W2, g2, b2):
    xb = xyz[:, 0, :]
    yb = xyz[:, 1, :]
    zb = xyz[:, 2, :]
    xp = xb.reshape(B, NR, NL)
    yp = yb.reshape(B, NR, NL)
    zp = zb.reshape(B, NR, NL)

    idx_t, nx = _run_fps(xp, yp, zp)
    fps_idx = idx_t.T
    new_xyz_t = nx[:, :12].reshape(NPOINT, B, 3).transpose(1, 0, 2)

    ns = NPOINT // SG
    cx = new_xyz_t[:, :, 0].reshape(B, ns, SG, 1)
    cy = new_xyz_t[:, :, 1].reshape(B, ns, SG, 1)
    cz = new_xyz_t[:, :, 2].reshape(B, ns, SG, 1)
    idx = _run_ball(xb, yb, zb, cx, cy, cz)

    xyz_t = jnp.transpose(xyz, (0, 2, 1))
    points_t = jnp.transpose(points, (0, 2, 1))
    T = jnp.concatenate(
        [xyz_t, points_t, jnp.zeros((B, N, TW - 3 - D), jnp.float32)], axis=-1
    ).reshape(B * N, TW)
    boff = (jnp.arange(B, dtype=jnp.int32) * N)
    idx_all = jnp.concatenate(
        [
            (idx.transpose(0, 2, 1) + boff[:, None, None]).reshape(-1),
            (fps_idx + boff[:, None]).reshape(-1),
        ]
    ).reshape(SC_NW * SC_SUPER, SC_K, SC_CH)

    G_all = _sc_gather(T, idx_all)

    A = jnp.concatenate(
        [W0[:, 0:3].T, W0[:, 3 : 3 + D].T, jnp.zeros((TW - 3 - D, D), jnp.float32)],
        axis=0,
    )
    C = jnp.concatenate(
        [-W0[:, 0:3].T, W0[:, 3 + D : 3 + 2 * D].T,
         jnp.zeros((TW - 3 - D, D), jnp.float32)],
        axis=0,
    )
    W1T = W1.T
    W2T = W2.T

    pooled_t = _run_mlp(G_all, A, C, W1T, W2T, g0, b0, g1, b1, g2, b2)
    pooled = jnp.transpose(pooled_t, (0, 2, 1))
    new_xyz = jnp.transpose(new_xyz_t, (0, 2, 1))
    return (new_xyz, new_xyz, pooled, fps_idx)

# --- scband reference (transcript-rebuilt; emitter-appended) ---
"""Pipeline reference for scband-spatial-abstraction-4398046511722 (READ-ONLY COPY).

The authoritative reference and input builder live on the scoring server;
editing this copy changes nothing except your own understanding.
"""

import jax, jax.numpy as jnp
import numpy as np

NPOINT = 2048
RADIUS = 0.2
NSAMPLE = 32
EPS = 1e-5


def fps(xyz_t, npoint):
    B, N, _ = xyz_t.shape
    bar = jnp.arange(B)

    def body(i, carry):
        dist, farthest, idxs = carry
        idxs = idxs.at[:, i].set(farthest)
        centroid = xyz_t[bar, farthest][:, None, :]
        d = jnp.sum((xyz_t - centroid) ** 2, axis=-1)
        dist = jnp.minimum(dist, d)
        farthest = jnp.argmax(dist, axis=-1).astype(jnp.int32)
        return (dist, farthest, idxs)

    dist0 = jnp.full((B, N), 1e10, dtype=jnp.float32)
    far0 = jnp.zeros((B,), dtype=jnp.int32)
    idxs0 = jnp.zeros((B, npoint), dtype=jnp.int32)
    _, _, idxs = jax.lax.fori_loop(0, npoint, body, (dist0, far0, idxs0))
    return idxs


def ball_group_idx(xyz_t, new_xyz_t, radius, nsample):
    sqr = jnp.sum((new_xyz_t[:, :, None, :] - xyz_t[:, None, :, :]) ** 2, axis=-1)
    negd, idx = jax.lax.top_k(-sqr, nsample)
    idx = jnp.where(-negd > radius * radius, idx[:, :, :1], idx)
    return idx


def setup_inputs(seed: int = 0):
    key = jax.random.key(seed)
    ks = jax.random.split(key, 16)
    B, N, D = 4, 8192, 32
    xyz = jax.random.uniform(ks[0], (B, 3, N), dtype=jnp.float32)
    points = jax.random.normal(ks[1], (B, D, N), dtype=jnp.float32)
    chans = [2 * D + 3, 32, 32, 64]
    inp = {"xyz": xyz, "points": points}
    for i in range(3):
        inp[f"W{i}"] = jax.random.normal(ks[2 + i], (chans[i + 1], chans[i]), dtype=jnp.float32) * (1.0 / np.sqrt(chans[i]))
        inp[f"g{i}"] = jnp.ones((chans[i + 1],), jnp.float32)
        inp[f"b{i}"] = jnp.zeros((chans[i + 1],), jnp.float32)
    return inp


def reference(xyz, points, W0, g0, b0, W1, g1, b1, W2, g2, b2):
    B, _, N = xyz.shape
    xyz_t = jnp.transpose(xyz, (0, 2, 1))
    points_t = jnp.transpose(points, (0, 2, 1))
    fps_idx = fps(xyz_t, NPOINT)
    bar1 = jnp.arange(B)[:, None]
    bar2 = jnp.arange(B)[:, None, None]
    new_xyz_t = xyz_t[bar1, fps_idx]
    new_feature = points_t[bar1, fps_idx]
    idx = ball_group_idx(xyz_t, new_xyz_t, RADIUS, NSAMPLE)
    grouped_xyz = xyz_t[bar2, idx]
    grouped_xyz_rel = grouped_xyz - new_xyz_t[:, :, None, :]
    grouped_pts = points_t[bar2, idx]
    nf = jnp.broadcast_to(new_feature[:, :, None, :], grouped_pts.shape)
    feat = jnp.concatenate([grouped_xyz_rel, grouped_pts, nf], axis=-1)
    x = jnp.transpose(feat, (0, 3, 1, 2))

    def mlp(x, W, g, b):
        y = jnp.einsum('oc,bcsn->bosn', W, x)
        mean = jnp.mean(y, axis=(0, 2, 3), keepdims=True)
        var = jnp.var(y, axis=(0, 2, 3), keepdims=True)
        y = (y - mean) / jnp.sqrt(var + EPS) * g[None, :, None, None] + b[None, :, None, None]
        return jax.nn.relu(y)

    for W, g, b in ((W0, g0, b0), (W1, g1, b1), (W2, g2, b2)):
        x = mlp(x, W, g, b)
    pooled = jnp.max(x, axis=-1)
    new_xyz = jnp.transpose(new_xyz_t, (0, 2, 1))
    return (new_xyz, new_xyz, pooled, fps_idx)

if __name__ == "__main__":
    import jax
    _d = setup_inputs()
    print(jax.jit(kernel)(*tuple(_d.values())))

</pallas_src>

<mosaic_0001>
#map = affine_map<(d0, d1) -> (0, 0)>
#map1 = affine_map<(d0, d1) -> (0, 0, 0)>
module attributes {stable_mosaic.version = 14 : i64} {
  func.func @sc_gather(%arg0: i32, %arg1: i32, %arg2: memref<32768x48xf32, #tpu.memory_space<hbm>>, %arg3: memref<192x11x128xi32, #tpu.memory_space<hbm>>, %arg4: memref<270336x48xf32, #tpu.memory_space<hbm>>, %arg5: memref<11x128xi32, #tpu.memory_space<vmem>>, %arg6: memref<1408x48xf32, #tpu.memory_space<vmem>>, %arg7: memref<!tpu.dma_semaphore, #tpu.memory_space<semaphore_mem>>) attributes {dimension_semantics = [#tpu.dimension_semantics<core_parallel>, #tpu.dimension_semantics<subcore_parallel>], iteration_bounds = array<i64: 2, 16>, scalar_prefetch = 0 : i64, scratch_operands = 3 : i64, tpu.core_type = #tpu.core_type<sc_vector_subcore>, window_params = [{transform_indices = #map}, {transform_indices = #map1}, {transform_indices = #map}]} {
    %mul3A = arith.constant 2 : i32
    %mul3A_0 = arith.muli %arg1, %mul3A : i32
    %add3A = arith.addi %mul3A_0, %arg0 : i32
    %scan3A = arith.constant 0 : i32
    %scan3A_1 = arith.constant 0 : i32
    %scan3A_2 = arith.constant 6 : i32
    %scan3A_3 = arith.addi %scan3A_1, %scan3A_2 : i32
    %scan3A_4 = arith.constant 1 : i32
    scf.for %scan3A_6 = %scan3A_1 to %scan3A_3 step %scan3A_4  : i32 {
      %mul3A_7 = arith.constant 6 : i32
      %mul3A_8 = arith.muli %add3A, %mul3A_7 : i32
      %add3A_9 = arith.addi %mul3A_8, %scan3A_6 : i32
      %mul3A_10 = arith.constant 1408 : i32
      %mul3A_11 = arith.muli %add3A_9, %mul3A_10 : i32
      "tpu.region"() ({
        %run_scoped3A = tpu.sem_alloc : memref<!tpu.dma_semaphore, #tpu.memory_space<semaphore_mem>>
        %dma_start3A_230 = arith.constant 0 : i32
        %dma_start3A_231 = arith.constant 0 : i32
        %dma_start3A_232 = tpu.memref_slice %arg3[%add3A_9, %dma_start3A_230, %dma_start3A_231] : memref<192x11x128xi32, #tpu.memory_space<hbm>> -> memref<1x11x128xi32, #tpu.memory_space<hbm>>
        %dma_start3A_233 = tpu.memref_squeeze %dma_start3A_232 : memref<1x11x128xi32, #tpu.memory_space<hbm>> -> memref<11x128xi32, #tpu.memory_space<hbm>>
        %dma_start3A_234 = arith.constant 0 : i32
        %dma_start3A_235 = arith.constant 0 : i32
        %dma_start3A_236 = tpu.memref_slice %arg3[%add3A_9, %dma_start3A_234, %dma_start3A_235] : memref<192x11x128xi32, #tpu.memory_space<hbm>> -> memref<1x11x128xi32, #tpu.memory_space<hbm>>
        %dma_start3A_237 = tpu.memref_squeeze %dma_start3A_236 : memref<1x11x128xi32, #tpu.memory_space<hbm>> -> memref<11x128xi32, #tpu.memory_space<hbm>>
        tpu.enqueue_dma source(%dma_start3A_237 : memref<11x128xi32, #tpu.memory_space<hbm>>) target(%arg5 : memref<11x128xi32, #tpu.memory_space<vmem>>) target_semaphore(%run_scoped3A : memref<!tpu.dma_semaphore, #tpu.memory_space<semaphore_mem>>)
        %dma_wait3A_238 = arith.constant 0 : i32
        %dma_wait3A_239 = arith.constant 0 : i32
        %dma_wait3A_240 = tpu.memref_slice %arg3[%add3A_9, %dma_wait3A_238, %dma_wait3A_239] : memref<192x11x128xi32, #tpu.memory_space<hbm>> -> memref<1x11x128xi32, #tpu.memory_space<hbm>>
        %dma_wait3A_241 = tpu.memref_squeeze %dma_wait3A_240 : memref<1x11x128xi32, #tpu.memory_space<hbm>> -> memref<11x128xi32, #tpu.memory_space<hbm>>
        %dma_wait3A_242 = arith.constant 0 : i32
        %dma_wait3A_243 = arith.constant 0 : i32
        %dma_wait3A_244 = tpu.memref_slice %arg3[%add3A_9, %dma_wait3A_242, %dma_wait3A_243] : memref<192x11x128xi32, #tpu.memory_space<hbm>> -> memref<1x11x128xi32, #tpu.memory_space<hbm>>
        %dma_wait3A_245 = tpu.memref_squeeze %dma_wait3A_244 : memref<1x11x128xi32, #tpu.memory_space<hbm>> -> memref<11x128xi32, #tpu.memory_space<hbm>>
        tpu.wait_dma2 semaphore(%run_scoped3A : memref<!tpu.dma_semaphore, #tpu.memory_space<semaphore_mem>>) src(%dma_wait3A_245 : memref<11x128xi32, #tpu.memory_space<hbm>>) dst(%arg5 : memref<11x128xi32, #tpu.memory_space<vmem>>)
        tpu.yield
      }) : () -> ()
      %dma_start3A = arith.constant 0 : i32
      %dma_start3A_12 = arith.constant 0 : i32
      %dma_start3A_13 = arith.constant 0 : i32
      %dma_start3A_14 = tpu.memref_slice %arg6[%dma_start3A_12, %dma_start3A_13] : memref<1408x48xf32, #tpu.memory_space<vmem>> -> memref<128x48xf32, #tpu.memory_space<vmem>>
      %dma_start3A_15 = arith.constant 0 : i32
      %dma_start3A_16 = tpu.memref_slice %arg5[%dma_start3A, %dma_start3A_15] : memref<11x128xi32, #tpu.memory_space<vmem>> -> memref<1x128xi32, #tpu.memory_space<vmem>>
      %dma_start3A_17 = tpu.memref_squeeze %dma_start3A_16 : memref<1x128xi32, #tpu.memory_space<vmem>> -> memref<128xi32, #tpu.memory_space<vmem>>
      %dma_start3A_18 = arith.constant 0 : i32
      %dma_start3A_19 = arith.constant 0 : i32
      %dma_start3A_20 = tpu.memref_slice %arg2[%dma_start3A_18, %dma_start3A_19] : memref<32768x48xf32, #tpu.memory_space<hbm>> -> memref<32768x48xf32, #tpu.memory_space<hbm>>
      tpu.enqueue_indirect_dma source(%dma_start3A_20 : memref<32768x48xf32, #tpu.memory_space<hbm>>) target(%dma_start3A_14 : memref<128x48xf32, #tpu.memory_space<vmem>>) offsets(%dma_start3A_17 : memref<128xi32, #tpu.memory_space<vmem>>) semaphore(%arg7 : memref<!tpu.dma_semaphore, #tpu.memory_space<semaphore_mem>>)
      %dma_start3A_21 = arith.constant 1 : i32
      %dma_start3A_22 = arith.constant 128 : i32
      %dma_start3A_23 = arith.constant 0 : i32
      %dma_start3A_24 = tpu.memref_slice %arg6[%dma_start3A_22, %dma_start3A_23] : memref<1408x48xf32, #tpu.memory_space<vmem>> -> memref<128x48xf32, #tpu.memory_space<vmem>>
      %dma_start3A_25 = arith.constant 0 : i32
      %dma_start3A_26 = tpu.memref_slice %arg5[%dma_start3A_21, %dma_start3A_25] : memref<11x128xi32, #tpu.memory_space<vmem>> -> memref<1x128xi32, #tpu.memory_space<vmem>>
      %dma_start3A_27 = tpu.memref_squeeze %dma_start3A_26 : memref<1x128xi32, #tpu.memory_space<vmem>> -> memref<128xi32, #tpu.memory_space<vmem>>
      %dma_start3A_28 = arith.constant 0 : i32
      %dma_start3A_29 = arith.constant 0 : i32
      %dma_start3A_30 = tpu.memref_slice %arg2[%dma_start3A_28, %dma_start3A_29] : memref<32768x48xf32, #tpu.memory_space<hbm>> -> memref<32768x48xf32, #tpu.memory_space<hbm>>
      tpu.enqueue_indirect_dma source(%dma_start3A_30 : memref<32768x48xf32, #tpu.memory_space<hbm>>) target(%dma_start3A_24 : memref<128x48xf32, #tpu.memory_space<vmem>>) offsets(%dma_start3A_27 : memref<128xi32, #tpu.memory_space<vmem>>) semaphore(%arg7 : memref<!tpu.dma_semaphore, #tpu.memory_space<semaphore_mem>>)
      %dma_start3A_31 = arith.constant 2 : i32
      %dma_start3A_32 = arith.constant 256 : i32
      %dma_start3A_33 = arith.constant 0 : i32
      %dma_start3A_34 = tpu.memref_slice %arg6[%dma_start3A_32, %dma_start3A_33] : memref<1408x48xf32, #tpu.memory_space<vmem>> -> memref<128x48xf32, #tpu.memory_space<vmem>>
      %dma_start3A_35 = arith.constant 0 : i32
      %dma_start3A_36 = tpu.memref_slice %arg5[%dma_start3A_31, %dma_start3A_35] : memref<11x128xi32, #tpu.memory_space<vmem>> -> memref<1x128xi32, #tpu.memory_space<vmem>>
      %dma_start3A_37 = tpu.memref_squeeze %dma_start3A_36 : memref<1x128xi32, #tpu.memory_space<vmem>> -> memref<128xi32, #tpu.memory_space<vmem>>
      %dma_start3A_38 = arith.constant 0 : i32
      %dma_start3A_39 = arith.constant 0 : i32
      %dma_start3A_40 = tpu.memref_slice %arg2[%dma_start3A_38, %dma_start3A_39] : memref<32768x48xf32, #tpu.memory_space<hbm>> -> memref<32768x48xf32, #tpu.memory_space<hbm>>
      tpu.enqueue_indirect_dma source(%dma_start3A_40 : memref<32768x48xf32, #tpu.memory_space<hbm>>) target(%dma_start3A_34 : memref<128x48xf32, #tpu.memory_space<vmem>>) offsets(%dma_start3A_37 : memref<128xi32, #tpu.memory_space<vmem>>) semaphore(%arg7 : memref<!tpu.dma_semaphore, #tpu.memory_space<semaphore_mem>>)
      %dma_start3A_41 = arith.constant 3 : i32
      %dma_start3A_42 = arith.constant 384 : i32
      %dma_start3A_43 = arith.constant 0 : i32
      %dma_start3A_44 = tpu.memref_slice %arg6[%dma_start3A_42, %dma_start3A_43] : memref<1408x48xf32, #tpu.memory_space<vmem>> -> memref<128x48xf32, #tpu.memory_space<vmem>>
      %dma_start3A_45 = arith.constant 0 : i32
      %dma_start3A_46 = tpu.memref_slice %arg5[%dma_start3A_41, %dma_start3A_45] : memref<11x128xi32, #tpu.memory_space<vmem>> -> memref<1x128xi32, #tpu.memory_space<vmem>>
      %dma_start3A_47 = tpu.memref_squeeze %dma_start3A_46 : memref<1x128xi32, #tpu.memory_space<vmem>> -> memref<128xi32, #tpu.memory_space<vmem>>
      %dma_start3A_48 = arith.constant 0 : i32
      %dma_start3A_49 = arith.constant 0 : i32
      %dma_start3A_50 = tpu.memref_slice %arg2[%dma_start3A_48, %dma_start3A_49] : memref<32768x48xf32, #tpu.memory_space<hbm>> -> memref<32768x48xf32, #tpu.memory_space<hbm>>
      tpu.enqueue_indirect_dma source(%dma_start3A_50 : memref<32768x48xf32, #tpu.memory_space<hbm>>) target(%dma_start3A_44 : memref<128x48xf32, #tpu.memory_space<vmem>>) offsets(%dma_start3A_47 : memref<128xi32, #tpu.memory_space<vmem>>) semaphore(%arg7 : memref<!tpu.dma_semaphore, #tpu.memory_space<semaphore_mem>>)
      %dma_start3A_51 = arith.constant 4 : i32
      %dma_start3A_52 = arith.constant 512 : i32
      %dma_start3A_53 = arith.constant 0 : i32
      %dma_start3A_54 = tpu.memref_slice %arg6[%dma_start3A_52, %dma_start3A_53] : memref<1408x48xf32, #tpu.memory_space<vmem>> -> memref<128x48xf32, #tpu.memory_space<vmem>>
      %dma_start3A_55 = arith.constant 0 : i32
      %dma_start3A_56 = tpu.memref_slice %arg5[%dma_start3A_51, %dma_start3A_55] : memref<11x128xi32, #tpu.memory_space<vmem>> -> memref<1x128xi32, #tpu.memory_space<vmem>>
      %dma_start3A_57 = tpu.memref_squeeze %dma_start3A_56 : memref<1x128xi32, #tpu.memory_space<vmem>> -> memref<128xi32, #tpu.memory_space<vmem>>
      %dma_start3A_58 = arith.constant 0 : i32
      %dma_start3A_59 = arith.constant 0 : i32
      %dma_start3A_60 = tpu.memref_slice %arg2[%dma_start3A_58, %dma_start3A_59] : memref<32768x48xf32, #tpu.memory_space<hbm>> -> memref<32768x48xf32, #tpu.memory_space<hbm>>
      tpu.enqueue_indirect_dma source(%dma_start3A_60 : memref<32768x48xf32, #tpu.memory_space<hbm>>) target(%dma_start3A_54 : memref<128x48xf32, #tpu.memory_space<vmem>>) offsets(%dma_start3A_57 : memref<128xi32, #tpu.memory_space<vmem>>) semaphore(%arg7 : memref<!tpu.dma_semaphore, #tpu.memory_space<semaphore_mem>>)
      %dma_start3A_61 = arith.constant 5 : i32
      %dma_start3A_62 = arith.constant 640 : i32
      %dma_start3A_63 = arith.constant 0 : i32
      %dma_start3A_64 = tpu.memref_slice %arg6[%dma_start3A_62, %dma_start3A_63] : memref<1408x48xf32, #tpu.memory_space<vmem>> -> memref<128x48xf32, #tpu.memory_space<vmem>>
      %dma_start3A_65 = arith.constant 0 : i32
      %dma_start3A_66 = tpu.memref_slice %arg5[%dma_start3A_61, %dma_start3A_65] : memref<11x128xi32, #tpu.memory_space<vmem>> -> memref<1x128xi32, #tpu.memory_space<vmem>>
      %dma_start3A_67 = tpu.memref_squeeze %dma_start3A_66 : memref<1x128xi32, #tpu.memory_space<vmem>> -> memref<128xi32, #tpu.memory_space<vmem>>
      %dma_start3A_68 = arith.constant 0 : i32
      %dma_start3A_69 = arith.constant 0 : i32
      %dma_start3A_70 = tpu.memref_slice %arg2[%dma_start3A_68, %dma_start3A_69] : memref<32768x48xf32, #tpu.memory_space<hbm>> -> memref<32768x48xf32, #tpu.memory_space<hbm>>
      tpu.enqueue_indirect_dma source(%dma_start3A_70 : memref<32768x48xf32, #tpu.memory_space<hbm>>) target(%dma_start3A_64 : memref<128x48xf32, #tpu.memory_space<vmem>>) offsets(%dma_start3A_67 : memref<128xi32, #tpu.memory_space<vmem>>) semaphore(%arg7 : memref<!tpu.dma_semaphore, #tpu.memory_space<semaphore_mem>>)
      %dma_start3A_71 = arith.constant 6 : i32
      %dma_start3A_72 = arith.constant 768 : i32
      %dma_start3A_73 = arith.constant 0 : i32
      %dma_start3A_74 = tpu.memref_slice %arg6[%dma_start3A_72, %dma_start3A_73] : memref<1408x48xf32, #tpu.memory_space<vmem>> -> memref<128x48xf32, #tpu.memory_space<vmem>>
      %dma_start3A_75 = arith.constant 0 : i32
      %dma_start3A_76 = tpu.memref_slice %arg5[%dma_start3A_71, %dma_start3A_75] : memref<11x128xi32, #tpu.memory_space<vmem>> -> memref<1x128xi32, #tpu.memory_space<vmem>>
      %dma_start3A_77 = tpu.memref_squeeze %dma_start3A_76 : memref<1x128xi32, #tpu.memory_space<vmem>> -> memref<128xi32, #tpu.memory_space<vmem>>
      %dma_start3A_78 = arith.constant 0 : i32
      %dma_start3A_79 = arith.constant 0 : i32
      %dma_start3A_80 = tpu.memref_slice %arg2[%dma_start3A_78, %dma_start3A_79] : memref<32768x48xf32, #tpu.memory_space<hbm>> -> memref<32768x48xf32, #tpu.memory_space<hbm>>
      tpu.enqueue_indirect_dma source(%dma_start3A_80 : memref<32768x48xf32, #tpu.memory_space<hbm>>) target(%dma_start3A_74 : memref<128x48xf32, #tpu.memory_space<vmem>>) offsets(%dma_start3A_77 : memref<128xi32, #tpu.memory_space<vmem>>) semaphore(%arg7 : memref<!tpu.dma_semaphore, #tpu.memory_space<semaphore_mem>>)
      %dma_start3A_81 = arith.constant 7 : i32
      %dma_start3A_82 = arith.constant 896 : i32
      %dma_start3A_83 = arith.constant 0 : i32
      %dma_start3A_84 = tpu.memref_slice %arg6[%dma_start3A_82, %dma_start3A_83] : memref<1408x48xf32, #tpu.memory_space<vmem>> -> memref<128x48xf32, #tpu.memory_space<vmem>>
      %dma_start3A_85 = arith.constant 0 : i32
      %dma_start3A_86 = tpu.memref_slice %arg5[%dma_start3A_81, %dma_start3A_85] : memref<11x128xi32, #tpu.memory_space<vmem>> -> memref<1x128xi32, #tpu.memory_space<vmem>>
      %dma_start3A_87 = tpu.memref_squeeze %dma_start3A_86 : memref<1x128xi32, #tpu.memory_space<vmem>> -> memref<128xi32, #tpu.memory_space<vmem>>
      %dma_start3A_88 = arith.constant 0 : i32
      %dma_start3A_89 = arith.constant 0 : i32
      %dma_start3A_90 = tpu.memref_slice %arg2[%dma_start3A_88, %dma_start3A_89] : memref<32768x48xf32, #tpu.memory_space<hbm>> -> memref<32768x48xf32, #tpu.memory_space<hbm>>
      tpu.enqueue_indirect_dma source(%dma_start3A_90 : memref<32768x48xf32, #tpu.memory_space<hbm>>) target(%dma_start3A_84 : memref<128x48xf32, #tpu.memory_space<vmem>>) offsets(%dma_start3A_87 : memref<128xi32, #tpu.memory_space<vmem>>) semaphore(%arg7 : memref<!tpu.dma_semaphore, #tpu.memory_space<semaphore_mem>>)
      %dma_start3A_91 = arith.constant 8 : i32
      %dma_start3A_92 = arith.constant 1024 : i32
      %dma_start3A_93 = arith.constant 0 : i32
      %dma_start3A_94 = tpu.memref_slice %arg6[%dma_start3A_92, %dma_start3A_93] : memref<1408x48xf32, #tpu.memory_space<vmem>> -> memref<128x48xf32, #tpu.memory_space<vmem>>
      %dma_start3A_95 = arith.constant 0 : i32
      %dma_start3A_96 = tpu.memref_slice %arg5[%dma_start3A_91, %dma_start3A_95] : memref<11x128xi32, #tpu.memory_space<vmem>> -> memref<1x128xi32, #tpu.memory_space<vmem>>
      %dma_start3A_97 = tpu.memref_squeeze %dma_start3A_96 : memref<1x128xi32, #tpu.memory_space<vmem>> -> memref<128xi32, #tpu.memory_space<vmem>>
      %dma_start3A_98 = arith.constant 0 : i32
      %dma_start3A_99 = arith.constant 0 : i32
      %dma_start3A_100 = tpu.memref_slice %arg2[%dma_start3A_98, %dma_start3A_99] : memref<32768x48xf32, #tpu.memory_space<hbm>> -> memref<32768x48xf32, #tpu.memory_space<hbm>>
      tpu.enqueue_indirect_dma source(%dma_start3A_100 : memref<32768x48xf32, #tpu.memory_space<hbm>>) target(%dma_start3A_94 : memref<128x48xf32, #tpu.memory_space<vmem>>) offsets(%dma_start3A_97 : memref<128xi32, #tpu.memory_space<vmem>>) semaphore(%arg7 : memref<!tpu.dma_semaphore, #tpu.memory_space<semaphore_mem>>)
      %dma_start3A_101 = arith.constant 9 : i32
      %dma_start3A_102 = arith.constant 1152 : i32
      %dma_start3A_103 = arith.constant 0 : i32
      %dma_start3A_104 = tpu.memref_slice %arg6[%dma_start3A_102, %dma_start3A_103] : memref<1408x48xf32, #tpu.memory_space<vmem>> -> memref<128x48xf32, #tpu.memory_space<vmem>>
      %dma_start3A_105 = arith.constant 0 : i32
      %dma_start3A_106 = tpu.memref_slice %arg5[%dma_start3A_101, %dma_start3A_105] : memref<11x128xi32, #tpu.memory_space<vmem>> -> memref<1x128xi32, #tpu.memory_space<vmem>>
      %dma_start3A_107 = tpu.memref_squeeze %dma_start3A_106 : memref<1x128xi32, #tpu.memory_space<vmem>> -> memref<128xi32, #tpu.memory_space<vmem>>
      %dma_start3A_108 = arith.constant 0 : i32
      %dma_start3A_109 = arith.constant 0 : i32
      %dma_start3A_110 = tpu.memref_slice %arg2[%dma_start3A_108, %dma_start3A_109] : memref<32768x48xf32, #tpu.memory_space<hbm>> -> memref<32768x48xf32, #tpu.memory_space<hbm>>
      tpu.enqueue_indirect_dma source(%dma_start3A_110 : memref<32768x48xf32, #tpu.memory_space<hbm>>) target(%dma_start3A_104 : memref<128x48xf32, #tpu.memory_space<vmem>>) offsets(%dma_start3A_107 : memref<128xi32, #tpu.memory_space<vmem>>) semaphore(%arg7 : memref<!tpu.dma_semaphore, #tpu.memory_space<semaphore_mem>>)
      %dma_start3A_111 = arith.constant 10 : i32
      %dma_start3A_112 = arith.constant 1280 : i32
      %dma_start3A_113 = arith.constant 0 : i32
      %dma_start3A_114 = tpu.memref_slice %arg6[%dma_start3A_112, %dma_start3A_113] : memref<1408x48xf32, #tpu.memory_space<vmem>> -> memref<128x48xf32, #tpu.memory_space<vmem>>
      %dma_start3A_115 = arith.constant 0 : i32
      %dma_start3A_116 = tpu.memref_slice %arg5[%dma_start3A_111, %dma_start3A_115] : memref<11x128xi32, #tpu.memory_space<vmem>> -> memref<1x128xi32, #tpu.memory_space<vmem>>
      %dma_start3A_117 = tpu.memref_squeeze %dma_start3A_116 : memref<1x128xi32, #tpu.memory_space<vmem>> -> memref<128xi32, #tpu.memory_space<vmem>>
      %dma_start3A_118 = arith.constant 0 : i32
      %dma_start3A_119 = arith.constant 0 : i32
      %dma_start3A_120 = tpu.memref_slice %arg2[%dma_start3A_118, %dma_start3A_119] : memref<32768x48xf32, #tpu.memory_space<hbm>> -> memref<32768x48xf32, #tpu.memory_space<hbm>>
      tpu.enqueue_indirect_dma source(%dma_start3A_120 : memref<32768x48xf32, #tpu.memory_space<hbm>>) target(%dma_start3A_114 : memref<128x48xf32, #tpu.memory_space<vmem>>) offsets(%dma_start3A_117 : memref<128xi32, #tpu.memory_space<vmem>>) semaphore(%arg7 : memref<!tpu.dma_semaphore, #tpu.memory_space<semaphore_mem>>)
      %dma_wait3A = arith.constant 0 : i32
      %dma_wait3A_121 = arith.constant 0 : i32
      %dma_wait3A_122 = arith.constant 0 : i32
      %dma_wait3A_123 = tpu.memref_slice %arg6[%dma_wait3A_121, %dma_wait3A_122] : memref<1408x48xf32, #tpu.memory_space<vmem>> -> memref<128x48xf32, #tpu.memory_space<vmem>>
      %dma_wait3A_124 = arith.constant 0 : i32
      %dma_wait3A_125 = tpu.memref_slice %arg5[%dma_wait3A, %dma_wait3A_124] : memref<11x128xi32, #tpu.memory_space<vmem>> -> memref<1x128xi32, #tpu.memory_space<vmem>>
      %dma_wait3A_126 = tpu.memref_squeeze %dma_wait3A_125 : memref<1x128xi32, #tpu.memory_space<vmem>> -> memref<128xi32, #tpu.memory_space<vmem>>
      %dma_wait3A_127 = arith.constant 0 : i32
      %dma_wait3A_128 = arith.constant 0 : i32
      %dma_wait3A_129 = tpu.memref_slice %arg2[%dma_wait3A_127, %dma_wait3A_128] : memref<32768x48xf32, #tpu.memory_space<hbm>> -> memref<32768x48xf32, #tpu.memory_space<hbm>>
      tpu.wait_indirect_dma semaphore(%arg7 : memref<!tpu.dma_semaphore, #tpu.memory_space<semaphore_mem>>) src(%dma_wait3A_129 : memref<32768x48xf32, #tpu.memory_space<hbm>>) dst(%dma_wait3A_123 : memref<128x48xf32, #tpu.memory_space<vmem>>)
      %dma_wait3A_130 = arith.constant 1 : i32
      %dma_wait3A_131 = arith.constant 128 : i32
      %dma_wait3A_132 = arith.constant 0 : i32
      %dma_wait3A_133 = tpu.memref_slice %arg6[%dma_wait3A_131, %dma_wait3A_132] : memref<1408x48xf32, #tpu.memory_space<vmem>> -> memref<128x48xf32, #tpu.memory_space<vmem>>
      %dma_wait3A_134 = arith.constant 0 : i32
      %dma_wait3A_135 = tpu.memref_slice %arg5[%dma_wait3A_130, %dma_wait3A_134] : memref<11x128xi32, #tpu.memory_space<vmem>> -> memref<1x128xi32, #tpu.memory_space<vmem>>
      %dma_wait3A_136 = tpu.memref_squeeze %dma_wait3A_135 : memref<1x128xi32, #tpu.memory_space<vmem>> -> memref<128xi32, #tpu.memory_space<vmem>>
      %dma_wait3A_137 = arith.constant 0 : i32
      %dma_wait3A_138 = arith.constant 0 : i32
      %dma_wait3A_139 = tpu.memref_slice %arg2[%dma_wait3A_137, %dma_wait3A_138] : memref<32768x48xf32, #tpu.memory_space<hbm>> -> memref<32768x48xf32, #tpu.memory_space<hbm>>
      tpu.wait_indirect_dma semaphore(%arg7 : memref<!tpu.dma_semaphore, #tpu.memory_space<semaphore_mem>>) src(%dma_wait3A_139 : memref<32768x48xf32, #tpu.memory_space<hbm>>) dst(%dma_wait3A_133 : memref<128x48xf32, #tpu.memory_space<vmem>>)
      %dma_wait3A_140 = arith.constant 2 : i32
      %dma_wait3A_141 = arith.constant 256 : i32
      %dma_wait3A_142 = arith.constant 0 : i32
      %dma_wait3A_143 = tpu.memref_slice %arg6[%dma_wait3A_141, %dma_wait3A_142] : memref<1408x48xf32, #tpu.memory_space<vmem>> -> memref<128x48xf32, #tpu.memory_space<vmem>>
      %dma_wait3A_144 = arith.constant 0 : i32
      %dma_wait3A_145 = tpu.memref_slice %arg5[%dma_wait3A_140, %dma_wait3A_144] : memref<11x128xi32, #tpu.memory_space<vmem>> -> memref<1x128xi32, #tpu.memory_space<vmem>>
      %dma_wait3A_146 = tpu.memref_squeeze %dma_wait3A_145 : memref<1x128xi32, #tpu.memory_space<vmem>> -> memref<128xi32, #tpu.memory_space<vmem>>
      %dma_wait3A_147 = arith.constant 0 : i32
      %dma_wait3A_148 = arith.constant 0 : i32
      %dma_wait3A_149 = tpu.memref_slice %arg2[%dma_wait3A_147, %dma_wait3A_148] : memref<32768x48xf32, #tpu.memory_space<hbm>> -> memref<32768x48xf32, #tpu.memory_space<hbm>>
      tpu.wait_indirect_dma semaphore(%arg7 : memref<!tpu.dma_semaphore, #tpu.memory_space<semaphore_mem>>) src(%dma_wait3A_149 : memref<32768x48xf32, #tpu.memory_space<hbm>>) dst(%dma_wait3A_143 : memref<128x48xf32, #tpu.memory_space<vmem>>)
      %dma_wait3A_150 = arith.constant 3 : i32
      %dma_wait3A_151 = arith.constant 384 : i32
      %dma_wait3A_152 = arith.constant 0 : i32
      %dma_wait3A_153 = tpu.memref_slice %arg6[%dma_wait3A_151, %dma_wait3A_152] : memref<1408x48xf32, #tpu.memory_space<vmem>> -> memref<128x48xf32, #tpu.memory_space<vmem>>
      %dma_wait3A_154 = arith.constant 0 : i32
      %dma_wait3A_155 = tpu.memref_slice %arg5[%dma_wait3A_150, %dma_wait3A_154] : memref<11x128xi32, #tpu.memory_space<vmem>> -> memref<1x128xi32, #tpu.memory_space<vmem>>
      %dma_wait3A_156 = tpu.memref_squeeze %dma_wait3A_155 : memref<1x128xi32, #tpu.memory_space<vmem>> -> memref<128xi32, #tpu.memory_space<vmem>>
      %dma_wait3A_157 = arith.constant 0 : i32
      %dma_wait3A_158 = arith.constant 0 : i32
      %dma_wait3A_159 = tpu.memref_slice %arg2[%dma_wait3A_157, %dma_wait3A_158] : memref<32768x48xf32, #tpu.memory_space<hbm>> -> memref<32768x48xf32, #tpu.memory_space<hbm>>
      tpu.wait_indirect_dma semaphore(%arg7 : memref<!tpu.dma_semaphore, #tpu.memory_space<semaphore_mem>>) src(%dma_wait3A_159 : memref<32768x48xf32, #tpu.memory_space<hbm>>) dst(%dma_wait3A_153 : memref<128x48xf32, #tpu.memory_space<vmem>>)
      %dma_wait3A_160 = arith.constant 4 : i32
      %dma_wait3A_161 = arith.constant 512 : i32
      %dma_wait3A_162 = arith.constant 0 : i32
      %dma_wait3A_163 = tpu.memref_slice %arg6[%dma_wait3A_161, %dma_wait3A_162] : memref<1408x48xf32, #tpu.memory_space<vmem>> -> memref<128x48xf32, #tpu.memory_space<vmem>>
      %dma_wait3A_164 = arith.constant 0 : i32
      %dma_wait3A_165 = tpu.memref_slice %arg5[%dma_wait3A_160, %dma_wait3A_164] : memref<11x128xi32, #tpu.memory_space<vmem>> -> memref<1x128xi32, #tpu.memory_space<vmem>>
      %dma_wait3A_166 = tpu.memref_squeeze %dma_wait3A_165 : memref<1x128xi32, #tpu.memory_space<vmem>> -> memref<128xi32, #tpu.memory_space<vmem>>
      %dma_wait3A_167 = arith.constant 0 : i32
      %dma_wait3A_168 = arith.constant 0 : i32
      %dma_wait3A_169 = tpu.memref_slice %arg2[%dma_wait3A_167, %dma_wait3A_168] : memref<32768x48xf32, #tpu.memory_space<hbm>> -> memref<32768x48xf32, #tpu.memory_space<hbm>>
      tpu.wait_indirect_dma semaphore(%arg7 : memref<!tpu.dma_semaphore, #tpu.memory_space<semaphore_mem>>) src(%dma_wait3A_169 : memref<32768x48xf32, #tpu.memory_space<hbm>>) dst(%dma_wait3A_163 : memref<128x48xf32, #tpu.memory_space<vmem>>)
      %dma_wait3A_170 = arith.constant 5 : i32
      %dma_wait3A_171 = arith.constant 640 : i32
      %dma_wait3A_172 = arith.constant 0 : i32
      %dma_wait3A_173 = tpu.memref_slice %arg6[%dma_wait3A_171, %dma_wait3A_172] : memref<1408x48xf32, #tpu.memory_space<vmem>> -> memref<128x48xf32, #tpu.memory_space<vmem>>
      %dma_wait3A_174 = arith.constant 0 : i32
      %dma_wait3A_175 = tpu.memref_slice %arg5[%dma_wait3A_170, %dma_wait3A_174] : memref<11x128xi32, #tpu.memory_space<vmem>> -> memref<1x128xi32, #tpu.memory_space<vmem>>
      %dma_wait3A_176 = tpu.memref_squeeze %dma_wait3A_175 : memref<1x128xi32, #tpu.memory_space<vmem>> -> memref<128xi32, #tpu.memory_space<vmem>>
      %dma_wait3A_177 = arith.constant 0 : i32
      %dma_wait3A_178 = arith.constant 0 : i32
      %dma_wait3A_179 = tpu.memref_slice %arg2[%dma_wait3A_177, %dma_wait3A_178] : memref<32768x48xf32, #tpu.memory_space<hbm>> -> memref<32768x48xf32, #tpu.memory_space<hbm>>
      tpu.wait_indirect_dma semaphore(%arg7 : memref<!tpu.dma_semaphore, #tpu.memory_space<semaphore_mem>>) src(%dma_wait3A_179 : memref<32768x48xf32, #tpu.memory_space<hbm>>) dst(%dma_wait3A_173 : memref<128x48xf32, #tpu.memory_space<vmem>>)
      %dma_wait3A_180 = arith.constant 6 : i32
      %dma_wait3A_181 = arith.constant 768 : i32
      %dma_wait3A_182 = arith.constant 0 : i32
      %dma_wait3A_183 = tpu.memref_slice %arg6[%dma_wait3A_181, %dma_wait3A_182] : memref<1408x48xf32, #tpu.memory_space<vmem>> -> memref<128x48xf32, #tpu.memory_space<vmem>>
      %dma_wait3A_184 = arith.constant 0 : i32
      %dma_wait3A_185 = tpu.memref_slice %arg5[%dma_wait3A_180, %dma_wait3A_184] : memref<11x128xi32, #tpu.memory_space<vmem>> -> memref<1x128xi32, #tpu.memory_space<vmem>>
      %dma_wait3A_186 = tpu.memref_squeeze %dma_wait3A_185 : memref<1x128xi32, #tpu.memory_space<vmem>> -> memref<128xi32, #tpu.memory_space<vmem>>
      %dma_wait3A_187 = arith.constant 0 : i32
      %dma_wait3A_188 = arith.constant 0 : i32
      %dma_wait3A_189 = tpu.memref_slice %arg2[%dma_wait3A_187, %dma_wait3A_188] : memref<32768x48xf32, #tpu.memory_space<hbm>> -> memref<32768x48xf32, #tpu.memory_space<hbm>>
      tpu.wait_indirect_dma semaphore(%arg7 : memref<!tpu.dma_semaphore, #tpu.memory_space<semaphore_mem>>) src(%dma_wait3A_189 : memref<32768x48xf32, #tpu.memory_space<hbm>>) dst(%dma_wait3A_183 : memref<128x48xf32, #tpu.memory_space<vmem>>)
      %dma_wait3A_190 = arith.constant 7 : i32
      %dma_wait3A_191 = arith.constant 896 : i32
      %dma_wait3A_192 = arith.constant 0 : i32
      %dma_wait3A_193 = tpu.memref_slice %arg6[%dma_wait3A_191, %dma_wait3A_192] : memref<1408x48xf32, #tpu.memory_space<vmem>> -> memref<128x48xf32, #tpu.memory_space<vmem>>
      %dma_wait3A_194 = arith.constant 0 : i32
      %dma_wait3A_195 = tpu.memref_slice %arg5[%dma_wait3A_190, %dma_wait3A_194] : memref<11x128xi32, #tpu.memory_space<vmem>> -> memref<1x128xi32, #tpu.memory_space<vmem>>
      %dma_wait3A_196 = tpu.memref_squeeze %dma_wait3A_195 : memref<1x128xi32, #tpu.memory_space<vmem>> -> memref<128xi32, #tpu.memory_space<vmem>>
      %dma_wait3A_197 = arith.constant 0 : i32
      %dma_wait3A_198 = arith.constant 0 : i32
      %dma_wait3A_199 = tpu.memref_slice %arg2[%dma_wait3A_197, %dma_wait3A_198] : memref<32768x48xf32, #tpu.memory_space<hbm>> -> memref<32768x48xf32, #tpu.memory_space<hbm>>
      tpu.wait_indirect_dma semaphore(%arg7 : memref<!tpu.dma_semaphore, #tpu.memory_space<semaphore_mem>>) src(%dma_wait3A_199 : memref<32768x48xf32, #tpu.memory_space<hbm>>) dst(%dma_wait3A_193 : memref<128x48xf32, #tpu.memory_space<vmem>>)
      %dma_wait3A_200 = arith.constant 8 : i32
      %dma_wait3A_201 = arith.constant 1024 : i32
      %dma_wait3A_202 = arith.constant 0 : i32
      %dma_wait3A_203 = tpu.memref_slice %arg6[%dma_wait3A_201, %dma_wait3A_202] : memref<1408x48xf32, #tpu.memory_space<vmem>> -> memref<128x48xf32, #tpu.memory_space<vmem>>
      %dma_wait3A_204 = arith.constant 0 : i32
      %dma_wait3A_205 = tpu.memref_slice %arg5[%dma_wait3A_200, %dma_wait3A_204] : memref<11x128xi32, #tpu.memory_space<vmem>> -> memref<1x128xi32, #tpu.memory_space<vmem>>
      %dma_wait3A_206 = tpu.memref_squeeze %dma_wait3A_205 : memref<1x128xi32, #tpu.memory_space<vmem>> -> memref<128xi32, #tpu.memory_space<vmem>>
      %dma_wait3A_207 = arith.constant 0 : i32
      %dma_wait3A_208 = arith.constant 0 : i32
      %dma_wait3A_209 = tpu.memref_slice %arg2[%dma_wait3A_207, %dma_wait3A_208] : memref<32768x48xf32, #tpu.memory_space<hbm>> -> memref<32768x48xf32, #tpu.memory_space<hbm>>
      tpu.wait_indirect_dma semaphore(%arg7 : memref<!tpu.dma_semaphore, #tpu.memory_space<semaphore_mem>>) src(%dma_wait3A_209 : memref<32768x48xf32, #tpu.memory_space<hbm>>) dst(%dma_wait3A_203 : memref<128x48xf32, #tpu.memory_space<vmem>>)
      %dma_wait3A_210 = arith.constant 9 : i32
      %dma_wait3A_211 = arith.constant 1152 : i32
      %dma_wait3A_212 = arith.constant 0 : i32
      %dma_wait3A_213 = tpu.memref_slice %arg6[%dma_wait3A_211, %dma_wait3A_212] : memref<1408x48xf32, #tpu.memory_space<vmem>> -> memref<128x48xf32, #tpu.memory_space<vmem>>
      %dma_wait3A_214 = arith.constant 0 : i32
      %dma_wait3A_215 = tpu.memref_slice %arg5[%dma_wait3A_210, %dma_wait3A_214] : memref<11x128xi32, #tpu.memory_space<vmem>> -> memref<1x128xi32, #tpu.memory_space<vmem>>
      %dma_wait3A_216 = tpu.memref_squeeze %dma_wait3A_215 : memref<1x128xi32, #tpu.memory_space<vmem>> -> memref<128xi32, #tpu.memory_space<vmem>>
      %dma_wait3A_217 = arith.constant 0 : i32
      %dma_wait3A_218 = arith.constant 0 : i32
      %dma_wait3A_219 = tpu.memref_slice %arg2[%dma_wait3A_217, %dma_wait3A_218] : memref<32768x48xf32, #tpu.memory_space<hbm>> -> memref<32768x48xf32, #tpu.memory_space<hbm>>
      tpu.wait_indirect_dma semaphore(%arg7 : memref<!tpu.dma_semaphore, #tpu.memory_space<semaphore_mem>>) src(%dma_wait3A_219 : memref<32768x48xf32, #tpu.memory_space<hbm>>) dst(%dma_wait3A_213 : memref<128x48xf32, #tpu.memory_space<vmem>>)
      %dma_wait3A_220 = arith.constant 10 : i32
      %dma_wait3A_221 = arith.constant 1280 : i32
      %dma_wait3A_222 = arith.constant 0 : i32
      %dma_wait3A_223 = tpu.memref_slice %arg6[%dma_wait3A_221, %dma_wait3A_222] : memref<1408x48xf32, #tpu.memory_space<vmem>> -> memref<128x48xf32, #tpu.memory_space<vmem>>
      %dma_wait3A_224 = arith.constant 0 : i32
      %dma_wait3A_225 = tpu.memref_slice %arg5[%dma_wait3A_220, %dma_wait3A_224] : memref<11x128xi32, #tpu.memory_space<vmem>> -> memref<1x128xi32, #tpu.memory_space<vmem>>
      %dma_wait3A_226 = tpu.memref_squeeze %dma_wait3A_225 : memref<1x128xi32, #tpu.memory_space<vmem>> -> memref<128xi32, #tpu.memory_space<vmem>>
      %dma_wait3A_227 = arith.constant 0 : i32
      %dma_wait3A_228 = arith.constant 0 : i32
      %dma_wait3A_229 = tpu.memref_slice %arg2[%dma_wait3A_227, %dma_wait3A_228] : memref<32768x48xf32, #tpu.memory_space<hbm>> -> memref<32768x48xf32, #tpu.memory_space<hbm>>
      tpu.wait_indirect_dma semaphore(%arg7 : memref<!tpu.dma_semaphore, #tpu.memory_space<semaphore_mem>>) src(%dma_wait3A_229 : memref<32768x48xf32, #tpu.memory_space<hbm>>) dst(%dma_wait3A_223 : memref<128x48xf32, #tpu.memory_space<vmem>>)
      "tpu.region"() ({
        %run_scoped3A = tpu.sem_alloc : memref<!tpu.dma_semaphore, #tpu.memory_space<semaphore_mem>>
        %dma_start3A_230 = arith.constant 0 : i32
        %dma_start3A_231 = tpu.memref_slice %arg4[%mul3A_11, %dma_start3A_230] : memref<270336x48xf32, #tpu.memory_space<hbm>> -> memref<1408x48xf32, #tpu.memory_space<hbm>>
        %dma_start3A_232 = arith.constant 0 : i32
        %dma_start3A_233 = tpu.memref_slice %arg4[%mul3A_11, %dma_start3A_232] : memref<270336x48xf32, #tpu.memory_space<hbm>> -> memref<1408x48xf32, #tpu.memory_space<hbm>>
        tpu.enqueue_dma source(%arg6 : memref<1408x48xf32, #tpu.memory_space<vmem>>) target(%dma_start3A_233 : memref<1408x48xf32, #tpu.memory_space<hbm>>) target_semaphore(%run_scoped3A : memref<!tpu.dma_semaphore, #tpu.memory_space<semaphore_mem>>)
        %dma_wait3A_234 = arith.constant 0 : i32
        %dma_wait3A_235 = tpu.memref_slice %arg4[%mul3A_11, %dma_wait3A_234] : memref<270336x48xf32, #tpu.memory_space<hbm>> -> memref<1408x48xf32, #tpu.memory_space<hbm>>
        %dma_wait3A_236 = arith.constant 0 : i32
        %dma_wait3A_237 = tpu.memref_slice %arg4[%mul3A_11, %dma_wait3A_236] : memref<270336x48xf32, #tpu.memory_space<hbm>> -> memref<1408x48xf32, #tpu.memory_space<hbm>>
        tpu.wait_dma2 semaphore(%run_scoped3A : memref<!tpu.dma_semaphore, #tpu.memory_space<semaphore_mem>>) src(%arg6 : memref<1408x48xf32, #tpu.memory_space<vmem>>) dst(%dma_wait3A_237 : memref<1408x48xf32, #tpu.memory_space<hbm>>)
        tpu.yield
      }) : () -> ()
    }
    %scan3A_5 = arith.constant 6 : i32
    return
  }
}

module attributes {stable_mosaic.version = 14 : i64} {
  func.func @_fps_body(%arg0: memref<4x64x128xf32, #tpu.memory_space<vmem>>, %arg1: memref<4x64x128xf32, #tpu.memory_space<vmem>>, %arg2: memref<4x64x128xf32, #tpu.memory_space<vmem>>, %arg3: memref<2048x4xi32, #tpu.memory_space<vmem>>, %arg4: memref<2048x128xf32, #tpu.memory_space<vmem>>, %arg5: memref<4x64x128xf32, #tpu.memory_space<vmem>>) attributes {dimension_semantics = [], scalar_prefetch = 0 : i64, scratch_operands = 1 : i64, tpu.core_type = #tpu.core_type<tc>} {
    %broadcast_in_dim3A = arith.constant 1.000000e+10 : f32
    %broadcast_in_dim3A_0 = vector.broadcast %broadcast_in_dim3A : f32 to vector<4x64x128xf32>
    %swap3A = arith.constant 0 : index
    %swap3A_1 = arith.constant 0 : index
    %swap3A_2 = arith.constant 0 : index
    %swap3A_3 = vector.load %arg5[%swap3A, %swap3A_1, %swap3A_2] : memref<4x64x128xf32, #tpu.memory_space<vmem>>, vector<4x64x128xf32>
    tpu.vector_store %arg5[%swap3A, %swap3A_1, %swap3A_2], %broadcast_in_dim3A_0 {strides = array<i32>} : memref<4x64x128xf32, #tpu.memory_space<vmem>>, vector<4x64x128xf32>,
    %get3A = arith.constant 0 : index
    %get3A_4 = arith.constant 0 : index
    %get3A_5 = arith.constant 0 : index
    %get3A_6 = vector.load %arg0[%get3A, %get3A_4, %get3A_5] : memref<4x64x128xf32, #tpu.memory_space<vmem>>, vector<4x64x128xf32>
    %get3A_7 = arith.constant 0 : index
    %get3A_8 = arith.constant 0 : index
    %get3A_9 = arith.constant 0 : index
    %get3A_10 = vector.load %arg1[%get3A_7, %get3A_8, %get3A_9] : memref<4x64x128xf32, #tpu.memory_space<vmem>>, vector<4x64x128xf32>
    %get3A_11 = arith.constant 0 : index
    %get3A_12 = arith.constant 0 : index
    %get3A_13 = arith.constant 0 : index
    %get3A_14 = vector.load %arg2[%get3A_11, %get3A_12, %get3A_13] : memref<4x64x128xf32, #tpu.memory_space<vmem>>, vector<4x64x128xf32>
    %iota3A = tpu.iota {dimensions = array<i32: 1>} : vector<4x128xi32>
    %iota3A_15 = tpu.iota {dimensions = array<i32: 0>} : vector<4x128xi32>
    %mul3A = arith.constant 3 : i32
    %mul3A_16 = vector.broadcast %mul3A : i32 to vector<4x128xi32>
    %mul3A_17 = arith.muli %mul3A_16, %iota3A_15 : vector<4x128xi32>
    %add3A = arith.constant 0 : i32
    %add3A_18 = vector.broadcast %add3A : i32 to vector<4x128xi32>
    %add3A_19 = arith.addi %mul3A_17, %add3A_18 : vector<4x128xi32>
    %eq3A = arith.cmpi eq, %iota3A, %add3A_19 : vector<4x128xi32>
    %convert_element_type3A = arith.extui %eq3A : vector<4x128xi1> to vector<4x128xi32>
    %convert_element_type3A_20 = arith.sitofp %convert_element_type3A : vector<4x128xi32> to vector<4x128xf32>
    %mul3A_21 = arith.constant 3 : i32
    %mul3A_22 = vector.broadcast %mul3A_21 : i32 to vector<4x128xi32>
    %mul3A_23 = arith.muli %mul3A_22, %iota3A_15 : vector<4x128xi32>
    %add3A_24 = arith.constant 1 : i32
    %add3A_25 = vector.broadcast %add3A_24 : i32 to vector<4x128xi32>
    %add3A_26 = arith.addi %mul3A_23, %add3A_25 : vector<4x128xi32>
    %eq3A_27 = arith.cmpi eq, %iota3A, %add3A_26 : vector<4x128xi32>
    %convert_element_type3A_28 = arith.extui %eq3A_27 : vector<4x128xi1> to vector<4x128xi32>
    %convert_element_type3A_29 = arith.sitofp %convert_element_type3A_28 : vector<4x128xi32> to vector<4x128xf32>
    %mul3A_30 = arith.constant 3 : i32
    %mul3A_31 = vector.broadcast %mul3A_30 : i32 to vector<4x128xi32>
    %mul3A_32 = arith.muli %mul3A_31, %iota3A_15 : vector<4x128xi32>
    %add3A_33 = arith.constant 2 : i32
    %add3A_34 = vector.broadcast %add3A_33 : i32 to vector<4x128xi32>
    %add3A_35 = arith.addi %mul3A_32, %add3A_34 : vector<4x128xi32>
    %eq3A_36 = arith.cmpi eq, %iota3A, %add3A_35 : vector<4x128xi32>
    %convert_element_type3A_37 = arith.extui %eq3A_36 : vector<4x128xi1> to vector<4x128xi32>
    %convert_element_type3A_38 = arith.sitofp %convert_element_type3A_37 : vector<4x128xi32> to vector<4x128xf32>
    %iota3A_39 = tpu.iota {dimensions = array<i32: 1>} : vector<4x64x128xi32>
    %mul3A_40 = arith.constant 128 : i32
    %mul3A_41 = vector.broadcast %mul3A_40 : i32 to vector<4x64x128xi32>
    %mul3A_42 = arith.muli %iota3A_39, %mul3A_41 : vector<4x64x128xi32>
    %iota3A_43 = tpu.iota {dimensions = array<i32: 2>} : vector<4x64x128xi32>
    %add3A_44 = arith.addi %mul3A_42, %iota3A_43 : vector<4x64x128xi32>
    %broadcast_in_dim3A_45 = arith.constant 0 : i32
    %broadcast_in_dim3A_46 = vector.broadcast %broadcast_in_dim3A_45 : i32 to vector<4xi32>
    %scan3A = arith.constant 0 : i32
    %scan3A_47 = arith.constant 2048 : i32
    %scan3A_48 = arith.addi %scan3A, %scan3A_47 : i32
    %scan3A_49 = arith.constant 1 : i32
    %scan3A_50 = scf.for %scan3A_52 = %scan3A to %scan3A_48 step %scan3A_49 iter_args(%scan3A_53 = %broadcast_in_dim3A_46) -> (vector<4xi32>)  : i32 {
      %reshape3A = vector.shape_cast %scan3A_53 : vector<4xi32> to vector<1x4xi32>
      %swap3A_54 = arith.index_cast %scan3A_52 : i32 to index
      %swap3A_55 = arith.constant 0 : index
      %swap3A_56 = vector.load %arg3[%swap3A_54, %swap3A_55] : memref<2048x4xi32, #tpu.memory_space<vmem>>, vector<1x4xi32>
      tpu.vector_store %arg3[%swap3A_54, %swap3A_55], %reshape3A {strides = array<i32>} : memref<2048x4xi32, #tpu.memory_space<vmem>>, vector<1x4xi32>,
      %reshape3A_57 = vector.shape_cast %scan3A_53 : vector<4xi32> to vector<4x1x1xi32>
      %eq3A_58 = vector.broadcast %reshape3A_57 : vector<4x1x1xi32> to vector<4x64x128xi32>
      %eq3A_59 = arith.cmpi eq, %add3A_44, %eq3A_58 : vector<4x64x128xi32>
      %convert_element_type3A_60 = arith.extui %eq3A_59 : vector<4x64x128xi1> to vector<4x64x128xi32>
      %convert_element_type3A_61 = arith.sitofp %convert_element_type3A_60 : vector<4x64x128xi32> to vector<4x64x128xf32>
      %mul3A_62 = arith.mulf %get3A_6, %convert_element_type3A_61 : vector<4x64x128xf32>
      %reduce_sum3A = arith.constant dense<0.000000e+00> : vector<4xf32>
      %reduce_sum3A_63 = vector.multi_reduction <add>, %mul3A_62, %reduce_sum3A [1, 2] : vector<4x64x128xf32> to vector<4xf32>
      %reshape3A_64 = vector.shape_cast %reduce_sum3A_63 : vector<4xf32> to vector<4x1x1xf32>
      %mul3A_65 = arith.mulf %get3A_10, %convert_element_type3A_61 : vector<4x64x128xf32>
      %reduce_sum3A_66 = arith.constant dense<0.000000e+00> : vector<4xf32>
      %reduce_sum3A_67 = vector.multi_reduction <add>, %mul3A_65, %reduce_sum3A_66 [1, 2] : vector<4x64x128xf32> to vector<4xf32>
      %reshape3A_68 = vector.shape_cast %reduce_sum3A_67 : vector<4xf32> to vector<4x1x1xf32>
      %mul3A_69 = arith.mulf %get3A_14, %convert_element_type3A_61 : vector<4x64x128xf32>
      %reduce_sum3A_70 = arith.constant dense<0.000000e+00> : vector<4xf32>
      %reduce_sum3A_71 = vector.multi_reduction <add>, %mul3A_69, %reduce_sum3A_70 [1, 2] : vector<4x64x128xf32> to vector<4xf32>
      %reshape3A_72 = vector.shape_cast %reduce_sum3A_71 : vector<4xf32> to vector<4x1x1xf32>
      %reshape3A_73 = vector.shape_cast %reshape3A_64 : vector<4x1x1xf32> to vector<4x1xf32>
      %mul3A_74 = vector.broadcast %reshape3A_73 : vector<4x1xf32> to vector<4x128xf32>
      %mul3A_75 = arith.mulf %mul3A_74, %convert_element_type3A_20 : vector<4x128xf32>
      %reshape3A_76 = vector.shape_cast %reshape3A_68 : vector<4x1x1xf32> to vector<4x1xf32>
      %mul3A_77 = vector.broadcast %reshape3A_76 : vector<4x1xf32> to vector<4x128xf32>
      %mul3A_78 = arith.mulf %mul3A_77, %convert_element_type3A_29 : vector<4x128xf32>
      %add3A_79 = arith.addf %mul3A_75, %mul3A_78 : vector<4x128xf32>
      %reshape3A_80 = vector.shape_cast %reshape3A_72 : vector<4x1x1xf32> to vector<4x1xf32>
      %mul3A_81 = vector.broadcast %reshape3A_80 : vector<4x1xf32> to vector<4x128xf32>
      %mul3A_82 = arith.mulf %mul3A_81, %convert_element_type3A_38 : vector<4x128xf32>
      %add3A_83 = arith.addf %add3A_79, %mul3A_82 : vector<4x128xf32>
      %reduce_sum3A_84 = arith.constant dense<0.000000e+00> : vector<128xf32>
      %reduce_sum3A_85 = vector.multi_reduction <add>, %add3A_83, %reduce_sum3A_84 [0] : vector<4x128xf32> to vector<128xf32>
      %broadcast_in_dim3A_86 = vector.shape_cast %reduce_sum3A_85 : vector<128xf32> to vector<1x128xf32>
      %swap3A_87 = arith.index_cast %scan3A_52 : i32 to index
      %swap3A_88 = arith.constant 0 : index
      %swap3A_89 = vector.load %arg4[%swap3A_87, %swap3A_88] : memref<2048x128xf32, #tpu.memory_space<vmem>>, vector<1x128xf32>
      tpu.vector_store %arg4[%swap3A_87, %swap3A_88], %broadcast_in_dim3A_86 {strides = array<i32>} : memref<2048x128xf32, #tpu.memory_space<vmem>>, vector<1x128xf32>,
      %sub3A = vector.broadcast %reshape3A_64 : vector<4x1x1xf32> to vector<4x64x128xf32>
      %sub3A_90 = arith.subf %get3A_6, %sub3A : vector<4x64x128xf32>
      %sub3A_91 = vector.broadcast %reshape3A_68 : vector<4x1x1xf32> to vector<4x64x128xf32>
      %sub3A_92 = arith.subf %get3A_10, %sub3A_91 : vector<4x64x128xf32>
      %sub3A_93 = vector.broadcast %reshape3A_72 : vector<4x1x1xf32> to vector<4x64x128xf32>
      %sub3A_94 = arith.subf %get3A_14, %sub3A_93 : vector<4x64x128xf32>
      %mul3A_95 = arith.mulf %sub3A_90, %sub3A_90 : vector<4x64x128xf32>
      %mul3A_96 = arith.mulf %sub3A_92, %sub3A_92 : vector<4x64x128xf32>
      %add3A_97 = arith.addf %mul3A_95, %mul3A_96 : vector<4x64x128xf32>
      %mul3A_98 = arith.mulf %sub3A_94, %sub3A_94 : vector<4x64x128xf32>
      %add3A_99 = arith.addf %add3A_97, %mul3A_98 : vector<4x64x128xf32>
      %get3A_100 = arith.constant 0 : index
      %get3A_101 = arith.constant 0 : index
      %get3A_102 = arith.constant 0 : index
      %get3A_103 = vector.load %arg5[%get3A_100, %get3A_101, %get3A_102] : memref<4x64x128xf32, #tpu.memory_space<vmem>>, vector<4x64x128xf32>
      %min3A = arith.minimumf %get3A_103, %add3A_99 : vector<4x64x128xf32>
      %swap3A_104 = arith.constant 0 : index
      %swap3A_105 = arith.constant 0 : index
      %swap3A_106 = arith.constant 0 : index
      %swap3A_107 = vector.load %arg5[%swap3A_104, %swap3A_105, %swap3A_106] : memref<4x64x128xf32, #tpu.memory_space<vmem>>, vector<4x64x128xf32>
      tpu.vector_store %arg5[%swap3A_104, %swap3A_105, %swap3A_106], %min3A {strides = array<i32>} : memref<4x64x128xf32, #tpu.memory_space<vmem>>, vector<4x64x128xf32>,
      %reduce_max3A = arith.constant dense<0xFF800000> : vector<4xf32>
      %reduce_max3A_108 = vector.multi_reduction <maximumf>, %min3A, %reduce_max3A [1, 2] : vector<4x64x128xf32> to vector<4xf32>
      %broadcast_in_dim3A_109 = vector.shape_cast %reduce_max3A_108 : vector<4xf32> to vector<4x1x1xf32>
      %eq3A_110 = vector.broadcast %broadcast_in_dim3A_109 : vector<4x1x1xf32> to vector<4x64x128xf32>
      %eq3A_111 = arith.cmpf oeq, %min3A, %eq3A_110 : vector<4x64x128xf32>
      %jit3A = arith.constant 8192 : i32
      %broadcast_in_dim3A_112 = vector.broadcast %jit3A : i32 to vector<4x64x128xi32>
      %select_n3A = arith.select %eq3A_111, %add3A_44, %broadcast_in_dim3A_112 : vector<4x64x128xi1>, vector<4x64x128xi32>
      %reduce_min3A = arith.constant dense<2147483647> : vector<4xi32>
      %reduce_min3A_113 = vector.multi_reduction <minsi>, %select_n3A, %reduce_min3A [1, 2] : vector<4x64x128xi32> to vector<4xi32>
      scf.yield %reduce_min3A_113 : vector<4xi32>
    }
    %scan3A_51 = arith.constant 2048 : i32
    return
  }
}

module attributes {stable_mosaic.version = 14 : i64} {
  func.func @_ball_body(%arg0: i32, %arg1: i32, %arg2: memref<1x64x128xf32, #tpu.memory_space<vmem>>, %arg3: memref<1x64x128xf32, #tpu.memory_space<vmem>>, %arg4: memref<1x64x128xf32, #tpu.memory_space<vmem>>, %arg5: memref<1x1x8x1xf32, #tpu.memory_space<vmem>>, %arg6: memref<1x1x8x1xf32, #tpu.memory_space<vmem>>, %arg7: memref<1x1x8x1xf32, #tpu.memory_space<vmem>>, %arg8: memref<1x1x8x32xi32, #tpu.memory_space<vmem>>) attributes {dimension_semantics = [#tpu.dimension_semantics<arbitrary>, #tpu.dimension_semantics<arbitrary>], iteration_bounds = array<i64: 4, 256>, scalar_prefetch = 0 : i64, scratch_operands = 0 : i64, tpu.core_type = #tpu.core_type<tc>, window_params = [{transform_indices = @transform_0, window_bounds = array<i64: 1, 64, 128>}, {transform_indices = @transform_1, window_bounds = array<i64: 1, 64, 128>}, {transform_indices = @transform_2, window_bounds = array<i64: 1, 64, 128>}, {transform_indices = @transform_3, window_bounds = array<i64: 1, 1, 8, 1>}, {transform_indices = @transform_4, window_bounds = array<i64: 1, 1, 8, 1>}, {transform_indices = @transform_5, window_bounds = array<i64: 1, 1, 8, 1>}, {transform_indices = @transform_6, window_bounds = array<i64: 1, 1, 8, 32>}]} {
    %get3A = arith.constant 0 : index
    %get3A_0 = arith.constant 0 : index
    %get3A_1 = arith.constant 0 : index
    %get3A_2 = vector.load %arg2[%get3A, %get3A_0, %get3A_1] : memref<1x64x128xf32, #tpu.memory_space<vmem>>, vector<1x64x128xf32>
    %get3A_3 = vector.shape_cast %get3A_2 : vector<1x64x128xf32> to vector<64x128xf32>
    %get3A_4 = arith.constant 0 : index
    %get3A_5 = arith.constant 0 : index
    %get3A_6 = arith.constant 0 : index
    %get3A_7 = vector.load %arg3[%get3A_4, %get3A_5, %get3A_6] : memref<1x64x128xf32, #tpu.memory_space<vmem>>, vector<1x64x128xf32>
    %get3A_8 = vector.shape_cast %get3A_7 : vector<1x64x128xf32> to vector<64x128xf32>
    %get3A_9 = arith.constant 0 : index
    %get3A_10 = arith.constant 0 : index
    %get3A_11 = arith.constant 0 : index
    %get3A_12 = vector.load %arg4[%get3A_9, %get3A_10, %get3A_11] : memref<1x64x128xf32, #tpu.memory_space<vmem>>, vector<1x64x128xf32>
    %get3A_13 = vector.shape_cast %get3A_12 : vector<1x64x128xf32> to vector<64x128xf32>
    %get3A_14 = arith.constant 0 : index
    %get3A_15 = arith.constant 0 : index
    %get3A_16 = arith.constant 0 : index
    %get3A_17 = arith.constant 0 : index
    %get3A_18 = vector.load %arg5[%get3A_14, %get3A_15, %get3A_16, %get3A_17] : memref<1x1x8x1xf32, #tpu.memory_space<vmem>>, vector<1x1x8x1xf32>
    %get3A_19 = vector.shape_cast %get3A_18 : vector<1x1x8x1xf32> to vector<8x1xf32>
    %reshape3A = vector.shape_cast %get3A_19 : vector<8x1xf32> to vector<8x1x1xf32>
    %get3A_20 = arith.constant 0 : index
    %get3A_21 = arith.constant 0 : index
    %get3A_22 = arith.constant 0 : index
    %get3A_23 = arith.constant 0 : index
    %get3A_24 = vector.load %arg6[%get3A_20, %get3A_21, %get3A_22, %get3A_23] : memref<1x1x8x1xf32, #tpu.memory_space<vmem>>, vector<1x1x8x1xf32>
    %get3A_25 = vector.shape_cast %get3A_24 : vector<1x1x8x1xf32> to vector<8x1xf32>
    %reshape3A_26 = vector.shape_cast %get3A_25 : vector<8x1xf32> to vector<8x1x1xf32>
    %get3A_27 = arith.constant 0 : index
    %get3A_28 = arith.constant 0 : index
    %get3A_29 = arith.constant 0 : index
    %get3A_30 = arith.constant 0 : index
    %get3A_31 = vector.load %arg7[%get3A_27, %get3A_28, %get3A_29, %get3A_30] : memref<1x1x8x1xf32, #tpu.memory_space<vmem>>, vector<1x1x8x1xf32>
    %get3A_32 = vector.shape_cast %get3A_31 : vector<1x1x8x1xf32> to vector<8x1xf32>
    %reshape3A_33 = vector.shape_cast %get3A_32 : vector<8x1xf32> to vector<8x1x1xf32>
    %broadcast_in_dim3A = vector.shape_cast %get3A_3 : vector<64x128xf32> to vector<1x64x128xf32>
    %sub3A = vector.broadcast %reshape3A : vector<8x1x1xf32> to vector<8x64x128xf32>
    %sub3A_34 = vector.broadcast %broadcast_in_dim3A : vector<1x64x128xf32> to vector<8x64x128xf32>
    %sub3A_35 = arith.subf %sub3A, %sub3A_34 : vector<8x64x128xf32>
    %broadcast_in_dim3A_36 = vector.shape_cast %get3A_8 : vector<64x128xf32> to vector<1x64x128xf32>
    %sub3A_37 = vector.broadcast %reshape3A_26 : vector<8x1x1xf32> to vector<8x64x128xf32>
    %sub3A_38 = vector.broadcast %broadcast_in_dim3A_36 : vector<1x64x128xf32> to vector<8x64x128xf32>
    %sub3A_39 = arith.subf %sub3A_37, %sub3A_38 : vector<8x64x128xf32>
    %broadcast_in_dim3A_40 = vector.shape_cast %get3A_13 : vector<64x128xf32> to vector<1x64x128xf32>
    %sub3A_41 = vector.broadcast %reshape3A_33 : vector<8x1x1xf32> to vector<8x64x128xf32>
    %sub3A_42 = vector.broadcast %broadcast_in_dim3A_40 : vector<1x64x128xf32> to vector<8x64x128xf32>
    %sub3A_43 = arith.subf %sub3A_41, %sub3A_42 : vector<8x64x128xf32>
    %mul3A = arith.mulf %sub3A_35, %sub3A_35 : vector<8x64x128xf32>
    %mul3A_44 = arith.mulf %sub3A_39, %sub3A_39 : vector<8x64x128xf32>
    %add3A = arith.addf %mul3A, %mul3A_44 : vector<8x64x128xf32>
    %mul3A_45 = arith.mulf %sub3A_43, %sub3A_43 : vector<8x64x128xf32>
    %add3A_46 = arith.addf %add3A, %mul3A_45 : vector<8x64x128xf32>
    %slice3A = vector.extract_strided_slice %add3A_46 {offsets = [0, 0, 1], sizes = [8, 64, 127], strides = [1, 1, 1]} : vector<8x64x128xf32> to vector<8x64x127xf32>
    %slice3A_47 = vector.extract_strided_slice %add3A_46 {offsets = [0, 0, 0], sizes = [8, 64, 1], strides = [1, 1, 1]} : vector<8x64x128xf32> to vector<8x64x1xf32>
    %concatenate3A = tpu.concatenate %slice3A, %slice3A_47 in 2 : vector<8x64x127xf32>, vector<8x64x1xf32> -> vector<8x64x128xf32>
    %min3A = arith.minimumf %add3A_46, %concatenate3A : vector<8x64x128xf32>
    %slice3A_48 = vector.extract_strided_slice %min3A {offsets = [0, 0, 2], sizes = [8, 64, 126], strides = [1, 1, 1]} : vector<8x64x128xf32> to vector<8x64x126xf32>
    %slice3A_49 = vector.extract_strided_slice %min3A {offsets = [0, 0, 0], sizes = [8, 64, 2], strides = [1, 1, 1]} : vector<8x64x128xf32> to vector<8x64x2xf32>
    %concatenate3A_50 = tpu.concatenate %slice3A_48, %slice3A_49 in 2 : vector<8x64x126xf32>, vector<8x64x2xf32> -> vector<8x64x128xf32>
    %min3A_51 = arith.minimumf %min3A, %concatenate3A_50 : vector<8x64x128xf32>
    %slice3A_52 = vector.extract_strided_slice %min3A_51 {offsets = [0, 0, 4], sizes = [8, 64, 124], strides = [1, 1, 1]} : vector<8x64x128xf32> to vector<8x64x124xf32>
    %slice3A_53 = vector.extract_strided_slice %min3A_51 {offsets = [0, 0, 0], sizes = [8, 64, 4], strides = [1, 1, 1]} : vector<8x64x128xf32> to vector<8x64x4xf32>
    %concatenate3A_54 = tpu.concatenate %slice3A_52, %slice3A_53 in 2 : vector<8x64x124xf32>, vector<8x64x4xf32> -> vector<8x64x128xf32>
    %min3A_55 = arith.minimumf %min3A_51, %concatenate3A_54 : vector<8x64x128xf32>
    %slice3A_56 = vector.extract_strided_slice %min3A_55 {offsets = [0, 0, 8], sizes = [8, 64, 120], strides = [1, 1, 1]} : vector<8x64x128xf32> to vector<8x64x120xf32>
    %slice3A_57 = vector.extract_strided_slice %min3A_55 {offsets = [0, 0, 0], sizes = [8, 64, 8], strides = [1, 1, 1]} : vector<8x64x128xf32> to vector<8x64x8xf32>
    %concatenate3A_58 = tpu.concatenate %slice3A_56, %slice3A_57 in 2 : vector<8x64x120xf32>, vector<8x64x8xf32> -> vector<8x64x128xf32>
    %min3A_59 = arith.minimumf %min3A_55, %concatenate3A_58 : vector<8x64x128xf32>
    %slice3A_60 = vector.extract_strided_slice %min3A_59 {offsets = [0, 0, 16], sizes = [8, 64, 112], strides = [1, 1, 1]} : vector<8x64x128xf32> to vector<8x64x112xf32>
    %slice3A_61 = vector.extract_strided_slice %min3A_59 {offsets = [0, 0, 0], sizes = [8, 64, 16], strides = [1, 1, 1]} : vector<8x64x128xf32> to vector<8x64x16xf32>
    %concatenate3A_62 = tpu.concatenate %slice3A_60, %slice3A_61 in 2 : vector<8x64x112xf32>, vector<8x64x16xf32> -> vector<8x64x128xf32>
    %min3A_63 = arith.minimumf %min3A_59, %concatenate3A_62 : vector<8x64x128xf32>
    %slice3A_64 = vector.extract_strided_slice %min3A_63 {offsets = [0, 0, 0], sizes = [8, 64, 1], strides = [1, 1, 1]} : vector<8x64x128xf32> to vector<8x64x1xf32>
    %slice3A_65 = vector.extract_strided_slice %min3A_63 {offsets = [0, 0, 32], sizes = [8, 64, 1], strides = [1, 1, 1]} : vector<8x64x128xf32> to vector<8x64x1xf32>
    %slice3A_66 = vector.extract_strided_slice %min3A_63 {offsets = [0, 0, 64], sizes = [8, 64, 1], strides = [1, 1, 1]} : vector<8x64x128xf32> to vector<8x64x1xf32>
    %slice3A_67 = vector.extract_strided_slice %min3A_63 {offsets = [0, 0, 96], sizes = [8, 64, 1], strides = [1, 1, 1]} : vector<8x64x128xf32> to vector<8x64x1xf32>
    %concatenate3A_68 = tpu.concatenate %slice3A_64, %slice3A_65, %slice3A_66, %slice3A_67 in 2 : vector<8x64x1xf32>, vector<8x64x1xf32>, vector<8x64x1xf32>, vector<8x64x1xf32> -> vector<8x64x4xf32>
    %reshape3A_69 = vector.shape_cast %concatenate3A_68 : vector<8x64x4xf32> to vector<8x256xf32>
    %iota3A = tpu.iota {dimensions = array<i32: 1>} : vector<8x256xi32>
    %reduce_min3A = arith.constant dense<0x7F800000> : vector<8xf32>
    %reduce_min3A_70 = vector.multi_reduction <minimumf>, %reshape3A_69, %reduce_min3A [1] : vector<8x256xf32> to vector<8xf32>
    %broadcast_in_dim3A_71 = vector.shape_cast %reduce_min3A_70 : vector<8xf32> to vector<8x1xf32>
    %eq3A = vector.broadcast %broadcast_in_dim3A_71 : vector<8x1xf32> to vector<8x256xf32>
    %eq3A_72 = arith.cmpf oeq, %reshape3A_69, %eq3A : vector<8x256xf32>
    %jit3A = arith.constant 256 : i32
    %broadcast_in_dim3A_73 = vector.broadcast %jit3A : i32 to vector<8x256xi32>
    %select_n3A = arith.select %eq3A_72, %iota3A, %broadcast_in_dim3A_73 : vector<8x256xi1>, vector<8x256xi32>
    %reduce_min3A_74 = arith.constant dense<2147483647> : vector<8xi32>
    %reduce_min3A_75 = vector.multi_reduction <minsi>, %select_n3A, %reduce_min3A_74 [1] : vector<8x256xi32> to vector<8xi32>
    %broadcast_in_dim3A_76 = vector.shape_cast %reduce_min3A_75 : vector<8xi32> to vector<8x1xi32>
    %eq3A_77 = vector.broadcast %broadcast_in_dim3A_76 : vector<8x1xi32> to vector<8x256xi32>
    %eq3A_78 = arith.cmpi eq, %iota3A, %eq3A_77 : vector<8x256xi32>
    %jit3A_79 = arith.constant 0x7F800000 : f32
    %broadcast_in_dim3A_80 = vector.broadcast %jit3A_79 : f32 to vector<8x256xf32>
    %select_n3A_81 = arith.select %eq3A_78, %broadcast_in_dim3A_80, %reshape3A_69 : vector<8x256xi1>, vector<8x256xf32>
    %reduce_min3A_82 = arith.constant dense<0x7F800000> : vector<8xf32>
    %reduce_min3A_83 = vector.multi_reduction <minimumf>, %select_n3A_81, %reduce_min3A_82 [1] : vector<8x256xf32> to vector<8xf32>
    %broadcast_in_dim3A_84 = vector.shape_cast %reduce_min3A_83 : vector<8xf32> to vector<8x1xf32>
    %eq3A_85 = vector.broadcast %broadcast_in_dim3A_84 : vector<8x1xf32> to vector<8x256xf32>
    %eq3A_86 = arith.cmpf oeq, %select_n3A_81, %eq3A_85 : vector<8x256xf32>
    %jit3A_87 = arith.constant 256 : i32
    %broadcast_in_dim3A_88 = vector.broadcast %jit3A_87 : i32 to vector<8x256xi32>
    %select_n3A_89 = arith.select %eq3A_86, %iota3A, %broadcast_in_dim3A_88 : vector<8x256xi1>, vector<8x256xi32>
    %reduce_min3A_90 = arith.constant dense<2147483647> : vector<8xi32>
    %reduce_min3A_91 = vector.multi_reduction <minsi>, %select_n3A_89, %reduce_min3A_90 [1] : vector<8x256xi32> to vector<8xi32>
    %broadcast_in_dim3A_92 = vector.shape_cast %reduce_min3A_91 : vector<8xi32> to vector<8x1xi32>
    %eq3A_93 = vector.broadcast %broadcast_in_dim3A_92 : vector<8x1xi32> to vector<8x256xi32>
    %eq3A_94 = arith.cmpi eq, %iota3A, %eq3A_93 : vector<8x256xi32>
    %jit3A_95 = arith.constant 0x7F800000 : f32
    %broadcast_in_dim3A_96 = vector.broadcast %jit3A_95 : f32 to vector<8x256xf32>
    %select_n3A_97 = arith.select %eq3A_94, %broadcast_in_dim3A_96, %select_n3A_81 : vector<8x256xi1>, vector<8x256xf32>
    %reduce_min3A_98 = arith.constant dense<0x7F800000> : vector<8xf32>
    %reduce_min3A_99 = vector.multi_reduction <minimumf>, %select_n3A_97, %reduce_min3A_98 [1] : vector<8x256xf32> to vector<8xf32>
    %broadcast_in_dim3A_100 = vector.shape_cast %reduce_min3A_99 : vector<8xf32> to vector<8x1xf32>
    %eq3A_101 = vector.broadcast %broadcast_in_dim3A_100 : vector<8x1xf32> to vector<8x256xf32>
    %eq3A_102 = arith.cmpf oeq, %select_n3A_97, %eq3A_101 : vector<8x256xf32>
    %jit3A_103 = arith.constant 256 : i32
    %broadcast_in_dim3A_104 = vector.broadcast %jit3A_103 : i32 to vector<8x256xi32>
    %select_n3A_105 = arith.select %eq3A_102, %iota3A, %broadcast_in_dim3A_104 : vector<8x256xi1>, vector<8x256xi32>
    %reduce_min3A_106 = arith.constant dense<2147483647> : vector<8xi32>
    %reduce_min3A_107 = vector.multi_reduction <minsi>, %select_n3A_105, %reduce_min3A_106 [1] : vector<8x256xi32> to vector<8xi32>
    %broadcast_in_dim3A_108 = vector.shape_cast %reduce_min3A_107 : vector<8xi32> to vector<8x1xi32>
    %eq3A_109 = vector.broadcast %broadcast_in_dim3A_108 : vector<8x1xi32> to vector<8x256xi32>
    %eq3A_110 = arith.cmpi eq, %iota3A, %eq3A_109 : vector<8x256xi32>
    %jit3A_111 = arith.constant 0x7F800000 : f32
    %broadcast_in_dim3A_112 = vector.broadcast %jit3A_111 : f32 to vector<8x256xf32>
    %select_n3A_113 = arith.select %eq3A_110, %broadcast_in_dim3A_112, %select_n3A_97 : vector<8x256xi1>, vector<8x256xf32>
    %reduce_min3A_114 = arith.constant dense<0x7F800000> : vector<8xf32>
    %reduce_min3A_115 = vector.multi_reduction <minimumf>, %select_n3A_113, %reduce_min3A_114 [1] : vector<8x256xf32> to vector<8xf32>
    %broadcast_in_dim3A_116 = vector.shape_cast %reduce_min3A_115 : vector<8xf32> to vector<8x1xf32>
    %eq3A_117 = vector.broadcast %broadcast_in_dim3A_116 : vector<8x1xf32> to vector<8x256xf32>
    %eq3A_118 = arith.cmpf oeq, %select_n3A_113, %eq3A_117 : vector<8x256xf32>
    %jit3A_119 = arith.constant 256 : i32
    %broadcast_in_dim3A_120 = vector.broadcast %jit3A_119 : i32 to vector<8x256xi32>
    %select_n3A_121 = arith.select %eq3A_118, %iota3A, %broadcast_in_dim3A_120 : vector<8x256xi1>, vector<8x256xi32>
    %reduce_min3A_122 = arith.constant dense<2147483647> : vector<8xi32>
    %reduce_min3A_123 = vector.multi_reduction <minsi>, %select_n3A_121, %reduce_min3A_122 [1] : vector<8x256xi32> to vector<8xi32>
    %broadcast_in_dim3A_124 = vector.shape_cast %reduce_min3A_123 : vector<8xi32> to vector<8x1xi32>
    %eq3A_125 = vector.broadcast %broadcast_in_dim3A_124 : vector<8x1xi32> to vector<8x256xi32>
    %eq3A_126 = arith.cmpi eq, %iota3A, %eq3A_125 : vector<8x256xi32>
    %jit3A_127 = arith.constant 0x7F800000 : f32
    %broadcast_in_dim3A_128 = vector.broadcast %jit3A_127 : f32 to vector<8x256xf32>
    %select_n3A_129 = arith.select %eq3A_126, %broadcast_in_dim3A_128, %select_n3A_113 : vector<8x256xi1>, vector<8x256xf32>
    %reduce_min3A_130 = arith.constant dense<0x7F800000> : vector<8xf32>
    %reduce_min3A_131 = vector.multi_reduction <minimumf>, %select_n3A_129, %reduce_min3A_130 [1] : vector<8x256xf32> to vector<8xf32>
    %broadcast_in_dim3A_132 = vector.shape_cast %reduce_min3A_131 : vector<8xf32> to vector<8x1xf32>
    %eq3A_133 = vector.broadcast %broadcast_in_dim3A_132 : vector<8x1xf32> to vector<8x256xf32>
    %eq3A_134 = arith.cmpf oeq, %select_n3A_129, %eq3A_133 : vector<8x256xf32>
    %jit3A_135 = arith.constant 256 : i32
    %broadcast_in_dim3A_136 = vector.broadcast %jit3A_135 : i32 to vector<8x256xi32>
    %select_n3A_137 = arith.select %eq3A_134, %iota3A, %broadcast_in_dim3A_136 : vector<8x256xi1>, vector<8x256xi32>
    %reduce_min3A_138 = arith.constant dense<2147483647> : vector<8xi32>
    %reduce_min3A_139 = vector.multi_reduction <minsi>, %select_n3A_137, %reduce_min3A_138 [1] : vector<8x256xi32> to vector<8xi32>
    %broadcast_in_dim3A_140 = vector.shape_cast %reduce_min3A_139 : vector<8xi32> to vector<8x1xi32>
    %eq3A_141 = vector.broadcast %broadcast_in_dim3A_140 : vector<8x1xi32> to vector<8x256xi32>
    %eq3A_142 = arith.cmpi eq, %iota3A, %eq3A_141 : vector<8x256xi32>
    %jit3A_143 = arith.constant 0x7F800000 : f32
    %broadcast_in_dim3A_144 = vector.broadcast %jit3A_143 : f32 to vector<8x256xf32>
    %select_n3A_145 = arith.select %eq3A_142, %broadcast_in_dim3A_144, %select_n3A_129 : vector<8x256xi1>, vector<8x256xf32>
    %reduce_min3A_146 = arith.constant dense<0x7F800000> : vector<8xf32>
    %reduce_min3A_147 = vector.multi_reduction <minimumf>, %select_n3A_145, %reduce_min3A_146 [1] : vector<8x256xf32> to vector<8xf32>
    %broadcast_in_dim3A_148 = vector.shape_cast %reduce_min3A_147 : vector<8xf32> to vector<8x1xf32>
    %eq3A_149 = vector.broadcast %broadcast_in_dim3A_148 : vector<8x1xf32> to vector<8x256xf32>
    %eq3A_150 = arith.cmpf oeq, %select_n3A_145, %eq3A_149 : vector<8x256xf32>
    %jit3A_151 = arith.constant 256 : i32
    %broadcast_in_dim3A_152 = vector.broadcast %jit3A_151 : i32 to vector<8x256xi32>
    %select_n3A_153 = arith.select %eq3A_150, %iota3A, %broadcast_in_dim3A_152 : vector<8x256xi1>, vector<8x256xi32>
    %reduce_min3A_154 = arith.constant dense<2147483647> : vector<8xi32>
    %reduce_min3A_155 = vector.multi_reduction <minsi>, %select_n3A_153, %reduce_min3A_154 [1] : vector<8x256xi32> to vector<8xi32>
    %broadcast_in_dim3A_156 = vector.shape_cast %reduce_min3A_155 : vector<8xi32> to vector<8x1xi32>
    %eq3A_157 = vector.broadcast %broadcast_in_dim3A_156 : vector<8x1xi32> to vector<8x256xi32>
    %eq3A_158 = arith.cmpi eq, %iota3A, %eq3A_157 : vector<8x256xi32>
    %jit3A_159 = arith.constant 0x7F800000 : f32
    %broadcast_in_dim3A_160 = vector.broadcast %jit3A_159 : f32 to vector<8x256xf32>
    %select_n3A_161 = arith.select %eq3A_158, %broadcast_in_dim3A_160, %select_n3A_145 : vector<8x256xi1>, vector<8x256xf32>
    %reduce_min3A_162 = arith.constant dense<0x7F800000> : vector<8xf32>
    %reduce_min3A_163 = vector.multi_reduction <minimumf>, %select_n3A_161, %reduce_min3A_162 [1] : vector<8x256xf32> to vector<8xf32>
    %broadcast_in_dim3A_164 = vector.shape_cast %reduce_min3A_163 : vector<8xf32> to vector<8x1xf32>
    %eq3A_165 = vector.broadcast %broadcast_in_dim3A_164 : vector<8x1xf32> to vector<8x256xf32>
    %eq3A_166 = arith.cmpf oeq, %select_n3A_161, %eq3A_165 : vector<8x256xf32>
    %jit3A_167 = arith.constant 256 : i32
    %broadcast_in_dim3A_168 = vector.broadcast %jit3A_167 : i32 to vector<8x256xi32>
    %select_n3A_169 = arith.select %eq3A_166, %iota3A, %broadcast_in_dim3A_168 : vector<8x256xi1>, vector<8x256xi32>
    %reduce_min3A_170 = arith.constant dense<2147483647> : vector<8xi32>
    %reduce_min3A_171 = vector.multi_reduction <minsi>, %select_n3A_169, %reduce_min3A_170 [1] : vector<8x256xi32> to vector<8xi32>
    %broadcast_in_dim3A_172 = vector.shape_cast %reduce_min3A_171 : vector<8xi32> to vector<8x1xi32>
    %eq3A_173 = vector.broadcast %broadcast_in_dim3A_172 : vector<8x1xi32> to vector<8x256xi32>
    %eq3A_174 = arith.cmpi eq, %iota3A, %eq3A_173 : vector<8x256xi32>
    %jit3A_175 = arith.constant 0x7F800000 : f32
    %broadcast_in_dim3A_176 = vector.broadcast %jit3A_175 : f32 to vector<8x256xf32>
    %select_n3A_177 = arith.select %eq3A_174, %broadcast_in_dim3A_176, %select_n3A_161 : vector<8x256xi1>, vector<8x256xf32>
    %reduce_min3A_178 = arith.constant dense<0x7F800000> : vector<8xf32>
    %reduce_min3A_179 = vector.multi_reduction <minimumf>, %select_n3A_177, %reduce_min3A_178 [1] : vector<8x256xf32> to vector<8xf32>
    %broadcast_in_dim3A_180 = vector.shape_cast %reduce_min3A_179 : vector<8xf32> to vector<8x1xf32>
    %eq3A_181 = vector.broadcast %broadcast_in_dim3A_180 : vector<8x1xf32> to vector<8x256xf32>
    %eq3A_182 = arith.cmpf oeq, %select_n3A_177, %eq3A_181 : vector<8x256xf32>
    %jit3A_183 = arith.constant 256 : i32
    %broadcast_in_dim3A_184 = vector.broadcast %jit3A_183 : i32 to vector<8x256xi32>
    %select_n3A_185 = arith.select %eq3A_182, %iota3A, %broadcast_in_dim3A_184 : vector<8x256xi1>, vector<8x256xi32>
    %reduce_min3A_186 = arith.constant dense<2147483647> : vector<8xi32>
    %reduce_min3A_187 = vector.multi_reduction <minsi>, %select_n3A_185, %reduce_min3A_186 [1] : vector<8x256xi32> to vector<8xi32>
    %broadcast_in_dim3A_188 = vector.shape_cast %reduce_min3A_187 : vector<8xi32> to vector<8x1xi32>
    %eq3A_189 = vector.broadcast %broadcast_in_dim3A_188 : vector<8x1xi32> to vector<8x256xi32>
    %eq3A_190 = arith.cmpi eq, %iota3A, %eq3A_189 : vector<8x256xi32>
    %jit3A_191 = arith.constant 0x7F800000 : f32
    %broadcast_in_dim3A_192 = vector.broadcast %jit3A_191 : f32 to vector<8x256xf32>
    %select_n3A_193 = arith.select %eq3A_190, %broadcast_in_dim3A_192, %select_n3A_177 : vector<8x256xi1>, vector<8x256xf32>
    %reduce_min3A_194 = arith.constant dense<0x7F800000> : vector<8xf32>
    %reduce_min3A_195 = vector.multi_reduction <minimumf>, %select_n3A_193, %reduce_min3A_194 [1] : vector<8x256xf32> to vector<8xf32>
    %broadcast_in_dim3A_196 = vector.shape_cast %reduce_min3A_195 : vector<8xf32> to vector<8x1xf32>
    %eq3A_197 = vector.broadcast %broadcast_in_dim3A_196 : vector<8x1xf32> to vector<8x256xf32>
    %eq3A_198 = arith.cmpf oeq, %select_n3A_193, %eq3A_197 : vector<8x256xf32>
    %jit3A_199 = arith.constant 256 : i32
    %broadcast_in_dim3A_200 = vector.broadcast %jit3A_199 : i32 to vector<8x256xi32>
    %select_n3A_201 = arith.select %eq3A_198, %iota3A, %broadcast_in_dim3A_200 : vector<8x256xi1>, vector<8x256xi32>
    %reduce_min3A_202 = arith.constant dense<2147483647> : vector<8xi32>
    %reduce_min3A_203 = vector.multi_reduction <minsi>, %select_n3A_201, %reduce_min3A_202 [1] : vector<8x256xi32> to vector<8xi32>
    %broadcast_in_dim3A_204 = vector.shape_cast %reduce_min3A_203 : vector<8xi32> to vector<8x1xi32>
    %eq3A_205 = vector.broadcast %broadcast_in_dim3A_204 : vector<8x1xi32> to vector<8x256xi32>
    %eq3A_206 = arith.cmpi eq, %iota3A, %eq3A_205 : vector<8x256xi32>
    %jit3A_207 = arith.constant 0x7F800000 : f32
    %broadcast_in_dim3A_208 = vector.broadcast %jit3A_207 : f32 to vector<8x256xf32>
    %select_n3A_209 = arith.select %eq3A_206, %broadcast_in_dim3A_208, %select_n3A_193 : vector<8x256xi1>, vector<8x256xf32>
    %reduce_min3A_210 = arith.constant dense<0x7F800000> : vector<8xf32>
    %reduce_min3A_211 = vector.multi_reduction <minimumf>, %select_n3A_209, %reduce_min3A_210 [1] : vector<8x256xf32> to vector<8xf32>
    %broadcast_in_dim3A_212 = vector.shape_cast %reduce_min3A_211 : vector<8xf32> to vector<8x1xf32>
    %eq3A_213 = vector.broadcast %broadcast_in_dim3A_212 : vector<8x1xf32> to vector<8x256xf32>
    %eq3A_214 = arith.cmpf oeq, %select_n3A_209, %eq3A_213 : vector<8x256xf32>
    %jit3A_215 = arith.constant 256 : i32
    %broadcast_in_dim3A_216 = vector.broadcast %jit3A_215 : i32 to vector<8x256xi32>
    %select_n3A_217 = arith.select %eq3A_214, %iota3A, %broadcast_in_dim3A_216 : vector<8x256xi1>, vector<8x256xi32>
    %reduce_min3A_218 = arith.constant dense<2147483647> : vector<8xi32>
    %reduce_min3A_219 = vector.multi_reduction <minsi>, %select_n3A_217, %reduce_min3A_218 [1] : vector<8x256xi32> to vector<8xi32>
    %broadcast_in_dim3A_220 = vector.shape_cast %reduce_min3A_219 : vector<8xi32> to vector<8x1xi32>
    %eq3A_221 = vector.broadcast %broadcast_in_dim3A_220 : vector<8x1xi32> to vector<8x256xi32>
    %eq3A_222 = arith.cmpi eq, %iota3A, %eq3A_221 : vector<8x256xi32>
    %jit3A_223 = arith.constant 0x7F800000 : f32
    %broadcast_in_dim3A_224 = vector.broadcast %jit3A_223 : f32 to vector<8x256xf32>
    %select_n3A_225 = arith.select %eq3A_222, %broadcast_in_dim3A_224, %select_n3A_209 : vector<8x256xi1>, vector<8x256xf32>
    %reduce_min3A_226 = arith.constant dense<0x7F800000> : vector<8xf32>
    %reduce_min3A_227 = vector.multi_reduction <minimumf>, %select_n3A_225, %reduce_min3A_226 [1] : vector<8x256xf32> to vector<8xf32>
    %broadcast_in_dim3A_228 = vector.shape_cast %reduce_min3A_227 : vector<8xf32> to vector<8x1xf32>
    %eq3A_229 = vector.broadcast %broadcast_in_dim3A_228 : vector<8x1xf32> to vector<8x256xf32>
    %eq3A_230 = arith.cmpf oeq, %select_n3A_225, %eq3A_229 : vector<8x256xf32>
    %jit3A_231 = arith.constant 256 : i32
    %broadcast_in_dim3A_232 = vector.broadcast %jit3A_231 : i32 to vector<8x256xi32>
    %select_n3A_233 = arith.select %eq3A_230, %iota3A, %broadcast_in_dim3A_232 : vector<8x256xi1>, vector<8x256xi32>
    %reduce_min3A_234 = arith.constant dense<2147483647> : vector<8xi32>
    %reduce_min3A_235 = vector.multi_reduction <minsi>, %select_n3A_233, %reduce_min3A_234 [1] : vector<8x256xi32> to vector<8xi32>
    %broadcast_in_dim3A_236 = vector.shape_cast %reduce_min3A_235 : vector<8xi32> to vector<8x1xi32>
    %eq3A_237 = vector.broadcast %broadcast_in_dim3A_236 : vector<8x1xi32> to vector<8x256xi32>
    %eq3A_238 = arith.cmpi eq, %iota3A, %eq3A_237 : vector<8x256xi32>
    %jit3A_239 = arith.constant 0x7F800000 : f32
    %broadcast_in_dim3A_240 = vector.broadcast %jit3A_239 : f32 to vector<8x256xf32>
    %select_n3A_241 = arith.select %eq3A_238, %broadcast_in_dim3A_240, %select_n3A_225 : vector<8x256xi1>, vector<8x256xf32>
    %reduce_min3A_242 = arith.constant dense<0x7F800000> : vector<8xf32>
    %reduce_min3A_243 = vector.multi_reduction <minimumf>, %select_n3A_241, %reduce_min3A_242 [1] : vector<8x256xf32> to vector<8xf32>
    %broadcast_in_dim3A_244 = vector.shape_cast %reduce_min3A_243 : vector<8xf32> to vector<8x1xf32>
    %eq3A_245 = vector.broadcast %broadcast_in_dim3A_244 : vector<8x1xf32> to vector<8x256xf32>
    %eq3A_246 = arith.cmpf oeq, %select_n3A_241, %eq3A_245 : vector<8x256xf32>
    %jit3A_247 = arith.constant 256 : i32
    %broadcast_in_dim3A_248 = vector.broadcast %jit3A_247 : i32 to vector<8x256xi32>
    %select_n3A_249 = arith.select %eq3A_246, %iota3A, %broadcast_in_dim3A_248 : vector<8x256xi1>, vector<8x256xi32>
    %reduce_min3A_250 = arith.constant dense<2147483647> : vector<8xi32>
    %reduce_min3A_251 = vector.multi_reduction <minsi>, %select_n3A_249, %reduce_min3A_250 [1] : vector<8x256xi32> to vector<8xi32>
    %broadcast_in_dim3A_252 = vector.shape_cast %reduce_min3A_251 : vector<8xi32> to vector<8x1xi32>
    %eq3A_253 = vector.broadcast %broadcast_in_dim3A_252 : vector<8x1xi32> to vector<8x256xi32>
    %eq3A_254 = arith.cmpi eq, %iota3A, %eq3A_253 : vector<8x256xi32>
    %jit3A_255 = arith.constant 0x7F800000 : f32
    %broadcast_in_dim3A_256 = vector.broadcast %jit3A_255 : f32 to vector<8x256xf32>
    %select_n3A_257 = arith.select %eq3A_254, %broadcast_in_dim3A_256, %select_n3A_241 : vector<8x256xi1>, vector<8x256xf32>
    %reduce_min3A_258 = arith.constant dense<0x7F800000> : vector<8xf32>
    %reduce_min3A_259 = vector.multi_reduction <minimumf>, %select_n3A_257, %reduce_min3A_258 [1] : vector<8x256xf32> to vector<8xf32>
    %broadcast_in_dim3A_260 = vector.shape_cast %reduce_min3A_259 : vector<8xf32> to vector<8x1xf32>
    %eq3A_261 = vector.broadcast %broadcast_in_dim3A_260 : vector<8x1xf32> to vector<8x256xf32>
    %eq3A_262 = arith.cmpf oeq, %select_n3A_257, %eq3A_261 : vector<8x256xf32>
    %jit3A_263 = arith.constant 256 : i32
    %broadcast_in_dim3A_264 = vector.broadcast %jit3A_263 : i32 to vector<8x256xi32>
    %select_n3A_265 = arith.select %eq3A_262, %iota3A, %broadcast_in_dim3A_264 : vector<8x256xi1>, vector<8x256xi32>
    %reduce_min3A_266 = arith.constant dense<2147483647> : vector<8xi32>
    %reduce_min3A_267 = vector.multi_reduction <minsi>, %select_n3A_265, %reduce_min3A_266 [1] : vector<8x256xi32> to vector<8xi32>
    %broadcast_in_dim3A_268 = vector.shape_cast %reduce_min3A_267 : vector<8xi32> to vector<8x1xi32>
    %eq3A_269 = vector.broadcast %broadcast_in_dim3A_268 : vector<8x1xi32> to vector<8x256xi32>
    %eq3A_270 = arith.cmpi eq, %iota3A, %eq3A_269 : vector<8x256xi32>
    %jit3A_271 = arith.constant 0x7F800000 : f32
    %broadcast_in_dim3A_272 = vector.broadcast %jit3A_271 : f32 to vector<8x256xf32>
    %select_n3A_273 = arith.select %eq3A_270, %broadcast_in_dim3A_272, %select_n3A_257 : vector<8x256xi1>, vector<8x256xf32>
    %reduce_min3A_274 = arith.constant dense<0x7F800000> : vector<8xf32>
    %reduce_min3A_275 = vector.multi_reduction <minimumf>, %select_n3A_273, %reduce_min3A_274 [1] : vector<8x256xf32> to vector<8xf32>
    %broadcast_in_dim3A_276 = vector.shape_cast %reduce_min3A_275 : vector<8xf32> to vector<8x1xf32>
    %eq3A_277 = vector.broadcast %broadcast_in_dim3A_276 : vector<8x1xf32> to vector<8x256xf32>
    %eq3A_278 = arith.cmpf oeq, %select_n3A_273, %eq3A_277 : vector<8x256xf32>
    %jit3A_279 = arith.constant 256 : i32
    %broadcast_in_dim3A_280 = vector.broadcast %jit3A_279 : i32 to vector<8x256xi32>
    %select_n3A_281 = arith.select %eq3A_278, %iota3A, %broadcast_in_dim3A_280 : vector<8x256xi1>, vector<8x256xi32>
    %reduce_min3A_282 = arith.constant dense<2147483647> : vector<8xi32>
    %reduce_min3A_283 = vector.multi_reduction <minsi>, %select_n3A_281, %reduce_min3A_282 [1] : vector<8x256xi32> to vector<8xi32>
    %broadcast_in_dim3A_284 = vector.shape_cast %reduce_min3A_283 : vector<8xi32> to vector<8x1xi32>
    %eq3A_285 = vector.broadcast %broadcast_in_dim3A_284 : vector<8x1xi32> to vector<8x256xi32>
    %eq3A_286 = arith.cmpi eq, %iota3A, %eq3A_285 : vector<8x256xi32>
    %jit3A_287 = arith.constant 0x7F800000 : f32
    %broadcast_in_dim3A_288 = vector.broadcast %jit3A_287 : f32 to vector<8x256xf32>
    %select_n3A_289 = arith.select %eq3A_286, %broadcast_in_dim3A_288, %select_n3A_273 : vector<8x256xi1>, vector<8x256xf32>
    %reduce_min3A_290 = arith.constant dense<0x7F800000> : vector<8xf32>
    %reduce_min3A_291 = vector.multi_reduction <minimumf>, %select_n3A_289, %reduce_min3A_290 [1] : vector<8x256xf32> to vector<8xf32>
    %broadcast_in_dim3A_292 = vector.shape_cast %reduce_min3A_291 : vector<8xf32> to vector<8x1xf32>
    %eq3A_293 = vector.broadcast %broadcast_in_dim3A_292 : vector<8x1xf32> to vector<8x256xf32>
    %eq3A_294 = arith.cmpf oeq, %select_n3A_289, %eq3A_293 : vector<8x256xf32>
    %jit3A_295 = arith.constant 256 : i32
    %broadcast_in_dim3A_296 = vector.broadcast %jit3A_295 : i32 to vector<8x256xi32>
    %select_n3A_297 = arith.select %eq3A_294, %iota3A, %broadcast_in_dim3A_296 : vector<8x256xi1>, vector<8x256xi32>
    %reduce_min3A_298 = arith.constant dense<2147483647> : vector<8xi32>
    %reduce_min3A_299 = vector.multi_reduction <minsi>, %select_n3A_297, %reduce_min3A_298 [1] : vector<8x256xi32> to vector<8xi32>
    %broadcast_in_dim3A_300 = vector.shape_cast %reduce_min3A_299 : vector<8xi32> to vector<8x1xi32>
    %eq3A_301 = vector.broadcast %broadcast_in_dim3A_300 : vector<8x1xi32> to vector<8x256xi32>
    %eq3A_302 = arith.cmpi eq, %iota3A, %eq3A_301 : vector<8x256xi32>
    %jit3A_303 = arith.constant 0x7F800000 : f32
    %broadcast_in_dim3A_304 = vector.broadcast %jit3A_303 : f32 to vector<8x256xf32>
    %select_n3A_305 = arith.select %eq3A_302, %broadcast_in_dim3A_304, %select_n3A_289 : vector<8x256xi1>, vector<8x256xf32>
    %reduce_min3A_306 = arith.constant dense<0x7F800000> : vector<8xf32>
    %reduce_min3A_307 = vector.multi_reduction <minimumf>, %select_n3A_305, %reduce_min3A_306 [1] : vector<8x256xf32> to vector<8xf32>
    %broadcast_in_dim3A_308 = vector.shape_cast %reduce_min3A_307 : vector<8xf32> to vector<8x1xf32>
    %eq3A_309 = vector.broadcast %broadcast_in_dim3A_308 : vector<8x1xf32> to vector<8x256xf32>
    %eq3A_310 = arith.cmpf oeq, %select_n3A_305, %eq3A_309 : vector<8x256xf32>
    %jit3A_311 = arith.constant 256 : i32
    %broadcast_in_dim3A_312 = vector.broadcast %jit3A_311 : i32 to vector<8x256xi32>
    %select_n3A_313 = arith.select %eq3A_310, %iota3A, %broadcast_in_dim3A_312 : vector<8x256xi1>, vector<8x256xi32>
    %reduce_min3A_314 = arith.constant dense<2147483647> : vector<8xi32>
    %reduce_min3A_315 = vector.multi_reduction <minsi>, %select_n3A_313, %reduce_min3A_314 [1] : vector<8x256xi32> to vector<8xi32>
    %broadcast_in_dim3A_316 = vector.shape_cast %reduce_min3A_315 : vector<8xi32> to vector<8x1xi32>
    %eq3A_317 = vector.broadcast %broadcast_in_dim3A_316 : vector<8x1xi32> to vector<8x256xi32>
    %eq3A_318 = arith.cmpi eq, %iota3A, %eq3A_317 : vector<8x256xi32>
    %jit3A_319 = arith.constant 0x7F800000 : f32
    %broadcast_in_dim3A_320 = vector.broadcast %jit3A_319 : f32 to vector<8x256xf32>
    %select_n3A_321 = arith.select %eq3A_318, %broadcast_in_dim3A_320, %select_n3A_305 : vector<8x256xi1>, vector<8x256xf32>
    %reduce_min3A_322 = arith.constant dense<0x7F800000> : vector<8xf32>
    %reduce_min3A_323 = vector.multi_reduction <minimumf>, %select_n3A_321, %reduce_min3A_322 [1] : vector<8x256xf32> to vector<8xf32>
    %broadcast_in_dim3A_324 = vector.shape_cast %reduce_min3A_323 : vector<8xf32> to vector<8x1xf32>
    %eq3A_325 = vector.broadcast %broadcast_in_dim3A_324 : vector<8x1xf32> to vector<8x256xf32>
    %eq3A_326 = arith.cmpf oeq, %select_n3A_321, %eq3A_325 : vector<8x256xf32>
    %jit3A_327 = arith.constant 256 : i32
    %broadcast_in_dim3A_328 = vector.broadcast %jit3A_327 : i32 to vector<8x256xi32>
    %select_n3A_329 = arith.select %eq3A_326, %iota3A, %broadcast_in_dim3A_328 : vector<8x256xi1>, vector<8x256xi32>
    %reduce_min3A_330 = arith.constant dense<2147483647> : vector<8xi32>
    %reduce_min3A_331 = vector.multi_reduction <minsi>, %select_n3A_329, %reduce_min3A_330 [1] : vector<8x256xi32> to vector<8xi32>
    %broadcast_in_dim3A_332 = vector.shape_cast %reduce_min3A_331 : vector<8xi32> to vector<8x1xi32>
    %eq3A_333 = vector.broadcast %broadcast_in_dim3A_332 : vector<8x1xi32> to vector<8x256xi32>
    %eq3A_334 = arith.cmpi eq, %iota3A, %eq3A_333 : vector<8x256xi32>
    %jit3A_335 = arith.constant 0x7F800000 : f32
    %broadcast_in_dim3A_336 = vector.broadcast %jit3A_335 : f32 to vector<8x256xf32>
    %select_n3A_337 = arith.select %eq3A_334, %broadcast_in_dim3A_336, %select_n3A_321 : vector<8x256xi1>, vector<8x256xf32>
    %reduce_min3A_338 = arith.constant dense<0x7F800000> : vector<8xf32>
    %reduce_min3A_339 = vector.multi_reduction <minimumf>, %select_n3A_337, %reduce_min3A_338 [1] : vector<8x256xf32> to vector<8xf32>
    %broadcast_in_dim3A_340 = vector.shape_cast %reduce_min3A_339 : vector<8xf32> to vector<8x1xf32>
    %eq3A_341 = vector.broadcast %broadcast_in_dim3A_340 : vector<8x1xf32> to vector<8x256xf32>
    %eq3A_342 = arith.cmpf oeq, %select_n3A_337, %eq3A_341 : vector<8x256xf32>
    %jit3A_343 = arith.constant 256 : i32
    %broadcast_in_dim3A_344 = vector.broadcast %jit3A_343 : i32 to vector<8x256xi32>
    %select_n3A_345 = arith.select %eq3A_342, %iota3A, %broadcast_in_dim3A_344 : vector<8x256xi1>, vector<8x256xi32>
    %reduce_min3A_346 = arith.constant dense<2147483647> : vector<8xi32>
    %reduce_min3A_347 = vector.multi_reduction <minsi>, %select_n3A_345, %reduce_min3A_346 [1] : vector<8x256xi32> to vector<8xi32>
    %broadcast_in_dim3A_348 = vector.shape_cast %reduce_min3A_347 : vector<8xi32> to vector<8x1xi32>
    %eq3A_349 = vector.broadcast %broadcast_in_dim3A_348 : vector<8x1xi32> to vector<8x256xi32>
    %eq3A_350 = arith.cmpi eq, %iota3A, %eq3A_349 : vector<8x256xi32>
    %jit3A_351 = arith.constant 0x7F800000 : f32
    %broadcast_in_dim3A_352 = vector.broadcast %jit3A_351 : f32 to vector<8x256xf32>
    %select_n3A_353 = arith.select %eq3A_350, %broadcast_in_dim3A_352, %select_n3A_337 : vector<8x256xi1>, vector<8x256xf32>
    %reduce_min3A_354 = arith.constant dense<0x7F800000> : vector<8xf32>
    %reduce_min3A_355 = vector.multi_reduction <minimumf>, %select_n3A_353, %reduce_min3A_354 [1] : vector<8x256xf32> to vector<8xf32>
    %broadcast_in_dim3A_356 = vector.shape_cast %reduce_min3A_355 : vector<8xf32> to vector<8x1xf32>
    %eq3A_357 = vector.broadcast %broadcast_in_dim3A_356 : vector<8x1xf32> to vector<8x256xf32>
    %eq3A_358 = arith.cmpf oeq, %select_n3A_353, %eq3A_357 : vector<8x256xf32>
    %jit3A_359 = arith.constant 256 : i32
    %broadcast_in_dim3A_360 = vector.broadcast %jit3A_359 : i32 to vector<8x256xi32>
    %select_n3A_361 = arith.select %eq3A_358, %iota3A, %broadcast_in_dim3A_360 : vector<8x256xi1>, vector<8x256xi32>
    %reduce_min3A_362 = arith.constant dense<2147483647> : vector<8xi32>
    %reduce_min3A_363 = vector.multi_reduction <minsi>, %select_n3A_361, %reduce_min3A_362 [1] : vector<8x256xi32> to vector<8xi32>
    %broadcast_in_dim3A_364 = vector.shape_cast %reduce_min3A_363 : vector<8xi32> to vector<8x1xi32>
    %eq3A_365 = vector.broadcast %broadcast_in_dim3A_364 : vector<8x1xi32> to vector<8x256xi32>
    %eq3A_366 = arith.cmpi eq, %iota3A, %eq3A_365 : vector<8x256xi32>
    %jit3A_367 = arith.constant 0x7F800000 : f32
    %broadcast_in_dim3A_368 = vector.broadcast %jit3A_367 : f32 to vector<8x256xf32>
    %select_n3A_369 = arith.select %eq3A_366, %broadcast_in_dim3A_368, %select_n3A_353 : vector<8x256xi1>, vector<8x256xf32>
    %reduce_min3A_370 = arith.constant dense<0x7F800000> : vector<8xf32>
    %reduce_min3A_371 = vector.multi_reduction <minimumf>, %select_n3A_369, %reduce_min3A_370 [1] : vector<8x256xf32> to vector<8xf32>
    %broadcast_in_dim3A_372 = vector.shape_cast %reduce_min3A_371 : vector<8xf32> to vector<8x1xf32>
    %eq3A_373 = vector.broadcast %broadcast_in_dim3A_372 : vector<8x1xf32> to vector<8x256xf32>
    %eq3A_374 = arith.cmpf oeq, %select_n3A_369, %eq3A_373 : vector<8x256xf32>
    %jit3A_375 = arith.constant 256 : i32
    %broadcast_in_dim3A_376 = vector.broadcast %jit3A_375 : i32 to vector<8x256xi32>
    %select_n3A_377 = arith.select %eq3A_374, %iota3A, %broadcast_in_dim3A_376 : vector<8x256xi1>, vector<8x256xi32>
    %reduce_min3A_378 = arith.constant dense<2147483647> : vector<8xi32>
    %reduce_min3A_379 = vector.multi_reduction <minsi>, %select_n3A_377, %reduce_min3A_378 [1] : vector<8x256xi32> to vector<8xi32>
    %broadcast_in_dim3A_380 = vector.shape_cast %reduce_min3A_379 : vector<8xi32> to vector<8x1xi32>
    %eq3A_381 = vector.broadcast %broadcast_in_dim3A_380 : vector<8x1xi32> to vector<8x256xi32>
    %eq3A_382 = arith.cmpi eq, %iota3A, %eq3A_381 : vector<8x256xi32>
    %jit3A_383 = arith.constant 0x7F800000 : f32
    %broadcast_in_dim3A_384 = vector.broadcast %jit3A_383 : f32 to vector<8x256xf32>
    %select_n3A_385 = arith.select %eq3A_382, %broadcast_in_dim3A_384, %select_n3A_369 : vector<8x256xi1>, vector<8x256xf32>
    %reduce_min3A_386 = arith.constant dense<0x7F800000> : vector<8xf32>
    %reduce_min3A_387 = vector.multi_reduction <minimumf>, %select_n3A_385, %reduce_min3A_386 [1] : vector<8x256xf32> to vector<8xf32>
    %broadcast_in_dim3A_388 = vector.shape_cast %reduce_min3A_387 : vector<8xf32> to vector<8x1xf32>
    %eq3A_389 = vector.broadcast %broadcast_in_dim3A_388 : vector<8x1xf32> to vector<8x256xf32>
    %eq3A_390 = arith.cmpf oeq, %select_n3A_385, %eq3A_389 : vector<8x256xf32>
    %jit3A_391 = arith.constant 256 : i32
    %broadcast_in_dim3A_392 = vector.broadcast %jit3A_391 : i32 to vector<8x256xi32>
    %select_n3A_393 = arith.select %eq3A_390, %iota3A, %broadcast_in_dim3A_392 : vector<8x256xi1>, vector<8x256xi32>
    %reduce_min3A_394 = arith.constant dense<2147483647> : vector<8xi32>
    %reduce_min3A_395 = vector.multi_reduction <minsi>, %select_n3A_393, %reduce_min3A_394 [1] : vector<8x256xi32> to vector<8xi32>
    %broadcast_in_dim3A_396 = vector.shape_cast %reduce_min3A_395 : vector<8xi32> to vector<8x1xi32>
    %eq3A_397 = vector.broadcast %broadcast_in_dim3A_396 : vector<8x1xi32> to vector<8x256xi32>
    %eq3A_398 = arith.cmpi eq, %iota3A, %eq3A_397 : vector<8x256xi32>
    %jit3A_399 = arith.constant 0x7F800000 : f32
    %broadcast_in_dim3A_400 = vector.broadcast %jit3A_399 : f32 to vector<8x256xf32>
    %select_n3A_401 = arith.select %eq3A_398, %broadcast_in_dim3A_400, %select_n3A_385 : vector<8x256xi1>, vector<8x256xf32>
    %reduce_min3A_402 = arith.constant dense<0x7F800000> : vector<8xf32>
    %reduce_min3A_403 = vector.multi_reduction <minimumf>, %select_n3A_401, %reduce_min3A_402 [1] : vector<8x256xf32> to vector<8xf32>
    %broadcast_in_dim3A_404 = vector.shape_cast %reduce_min3A_403 : vector<8xf32> to vector<8x1xf32>
    %eq3A_405 = vector.broadcast %broadcast_in_dim3A_404 : vector<8x1xf32> to vector<8x256xf32>
    %eq3A_406 = arith.cmpf oeq, %select_n3A_401, %eq3A_405 : vector<8x256xf32>
    %jit3A_407 = arith.constant 256 : i32
    %broadcast_in_dim3A_408 = vector.broadcast %jit3A_407 : i32 to vector<8x256xi32>
    %select_n3A_409 = arith.select %eq3A_406, %iota3A, %broadcast_in_dim3A_408 : vector<8x256xi1>, vector<8x256xi32>
    %reduce_min3A_410 = arith.constant dense<2147483647> : vector<8xi32>
    %reduce_min3A_411 = vector.multi_reduction <minsi>, %select_n3A_409, %reduce_min3A_410 [1] : vector<8x256xi32> to vector<8xi32>
    %broadcast_in_dim3A_412 = vector.shape_cast %reduce_min3A_411 : vector<8xi32> to vector<8x1xi32>
    %eq3A_413 = vector.broadcast %broadcast_in_dim3A_412 : vector<8x1xi32> to vector<8x256xi32>
    %eq3A_414 = arith.cmpi eq, %iota3A, %eq3A_413 : vector<8x256xi32>
    %jit3A_415 = arith.constant 0x7F800000 : f32
    %broadcast_in_dim3A_416 = vector.broadcast %jit3A_415 : f32 to vector<8x256xf32>
    %select_n3A_417 = arith.select %eq3A_414, %broadcast_in_dim3A_416, %select_n3A_401 : vector<8x256xi1>, vector<8x256xf32>
    %reduce_min3A_418 = arith.constant dense<0x7F800000> : vector<8xf32>
    %reduce_min3A_419 = vector.multi_reduction <minimumf>, %select_n3A_417, %reduce_min3A_418 [1] : vector<8x256xf32> to vector<8xf32>
    %broadcast_in_dim3A_420 = vector.shape_cast %reduce_min3A_419 : vector<8xf32> to vector<8x1xf32>
    %eq3A_421 = vector.broadcast %broadcast_in_dim3A_420 : vector<8x1xf32> to vector<8x256xf32>
    %eq3A_422 = arith.cmpf oeq, %select_n3A_417, %eq3A_421 : vector<8x256xf32>
    %jit3A_423 = arith.constant 256 : i32
    %broadcast_in_dim3A_424 = vector.broadcast %jit3A_423 : i32 to vector<8x256xi32>
    %select_n3A_425 = arith.select %eq3A_422, %iota3A, %broadcast_in_dim3A_424 : vector<8x256xi1>, vector<8x256xi32>
    %reduce_min3A_426 = arith.constant dense<2147483647> : vector<8xi32>
    %reduce_min3A_427 = vector.multi_reduction <minsi>, %select_n3A_425, %reduce_min3A_426 [1] : vector<8x256xi32> to vector<8xi32>
    %broadcast_in_dim3A_428 = vector.shape_cast %reduce_min3A_427 : vector<8xi32> to vector<8x1xi32>
    %eq3A_429 = vector.broadcast %broadcast_in_dim3A_428 : vector<8x1xi32> to vector<8x256xi32>
    %eq3A_430 = arith.cmpi eq, %iota3A, %eq3A_429 : vector<8x256xi32>
    %jit3A_431 = arith.constant 0x7F800000 : f32
    %broadcast_in_dim3A_432 = vector.broadcast %jit3A_431 : f32 to vector<8x256xf32>
    %select_n3A_433 = arith.select %eq3A_430, %broadcast_in_dim3A_432, %select_n3A_417 : vector<8x256xi1>, vector<8x256xf32>
    %reduce_min3A_434 = arith.constant dense<0x7F800000> : vector<8xf32>
    %reduce_min3A_435 = vector.multi_reduction <minimumf>, %select_n3A_433, %reduce_min3A_434 [1] : vector<8x256xf32> to vector<8xf32>
    %broadcast_in_dim3A_436 = vector.shape_cast %reduce_min3A_435 : vector<8xf32> to vector<8x1xf32>
    %eq3A_437 = vector.broadcast %broadcast_in_dim3A_436 : vector<8x1xf32> to vector<8x256xf32>
    %eq3A_438 = arith.cmpf oeq, %select_n3A_433, %eq3A_437 : vector<8x256xf32>
    %jit3A_439 = arith.constant 256 : i32
    %broadcast_in_dim3A_440 = vector.broadcast %jit3A_439 : i32 to vector<8x256xi32>
    %select_n3A_441 = arith.select %eq3A_438, %iota3A, %broadcast_in_dim3A_440 : vector<8x256xi1>, vector<8x256xi32>
    %reduce_min3A_442 = arith.constant dense<2147483647> : vector<8xi32>
    %reduce_min3A_443 = vector.multi_reduction <minsi>, %select_n3A_441, %reduce_min3A_442 [1] : vector<8x256xi32> to vector<8xi32>
    %broadcast_in_dim3A_444 = vector.shape_cast %reduce_min3A_443 : vector<8xi32> to vector<8x1xi32>
    %eq3A_445 = vector.broadcast %broadcast_in_dim3A_444 : vector<8x1xi32> to vector<8x256xi32>
    %eq3A_446 = arith.cmpi eq, %iota3A, %eq3A_445 : vector<8x256xi32>
    %jit3A_447 = arith.constant 0x7F800000 : f32
    %broadcast_in_dim3A_448 = vector.broadcast %jit3A_447 : f32 to vector<8x256xf32>
    %select_n3A_449 = arith.select %eq3A_446, %broadcast_in_dim3A_448, %select_n3A_433 : vector<8x256xi1>, vector<8x256xf32>
    %reduce_min3A_450 = arith.constant dense<0x7F800000> : vector<8xf32>
    %reduce_min3A_451 = vector.multi_reduction <minimumf>, %select_n3A_449, %reduce_min3A_450 [1] : vector<8x256xf32> to vector<8xf32>
    %broadcast_in_dim3A_452 = vector.shape_cast %reduce_min3A_451 : vector<8xf32> to vector<8x1xf32>
    %eq3A_453 = vector.broadcast %broadcast_in_dim3A_452 : vector<8x1xf32> to vector<8x256xf32>
    %eq3A_454 = arith.cmpf oeq, %select_n3A_449, %eq3A_453 : vector<8x256xf32>
    %jit3A_455 = arith.constant 256 : i32
    %broadcast_in_dim3A_456 = vector.broadcast %jit3A_455 : i32 to vector<8x256xi32>
    %select_n3A_457 = arith.select %eq3A_454, %iota3A, %broadcast_in_dim3A_456 : vector<8x256xi1>, vector<8x256xi32>
    %reduce_min3A_458 = arith.constant dense<2147483647> : vector<8xi32>
    %reduce_min3A_459 = vector.multi_reduction <minsi>, %select_n3A_457, %reduce_min3A_458 [1] : vector<8x256xi32> to vector<8xi32>
    %broadcast_in_dim3A_460 = vector.shape_cast %reduce_min3A_459 : vector<8xi32> to vector<8x1xi32>
    %eq3A_461 = vector.broadcast %broadcast_in_dim3A_460 : vector<8x1xi32> to vector<8x256xi32>
    %eq3A_462 = arith.cmpi eq, %iota3A, %eq3A_461 : vector<8x256xi32>
    %jit3A_463 = arith.constant 0x7F800000 : f32
    %broadcast_in_dim3A_464 = vector.broadcast %jit3A_463 : f32 to vector<8x256xf32>
    %select_n3A_465 = arith.select %eq3A_462, %broadcast_in_dim3A_464, %select_n3A_449 : vector<8x256xi1>, vector<8x256xf32>
    %reduce_min3A_466 = arith.constant dense<0x7F800000> : vector<8xf32>
    %reduce_min3A_467 = vector.multi_reduction <minimumf>, %select_n3A_465, %reduce_min3A_466 [1] : vector<8x256xf32> to vector<8xf32>
    %broadcast_in_dim3A_468 = vector.shape_cast %reduce_min3A_467 : vector<8xf32> to vector<8x1xf32>
    %eq3A_469 = vector.broadcast %broadcast_in_dim3A_468 : vector<8x1xf32> to vector<8x256xf32>
    %eq3A_470 = arith.cmpf oeq, %select_n3A_465, %eq3A_469 : vector<8x256xf32>
    %jit3A_471 = arith.constant 256 : i32
    %broadcast_in_dim3A_472 = vector.broadcast %jit3A_471 : i32 to vector<8x256xi32>
    %select_n3A_473 = arith.select %eq3A_470, %iota3A, %broadcast_in_dim3A_472 : vector<8x256xi1>, vector<8x256xi32>
    %reduce_min3A_474 = arith.constant dense<2147483647> : vector<8xi32>
    %reduce_min3A_475 = vector.multi_reduction <minsi>, %select_n3A_473, %reduce_min3A_474 [1] : vector<8x256xi32> to vector<8xi32>
    %broadcast_in_dim3A_476 = vector.shape_cast %reduce_min3A_475 : vector<8xi32> to vector<8x1xi32>
    %eq3A_477 = vector.broadcast %broadcast_in_dim3A_476 : vector<8x1xi32> to vector<8x256xi32>
    %eq3A_478 = arith.cmpi eq, %iota3A, %eq3A_477 : vector<8x256xi32>
    %jit3A_479 = arith.constant 0x7F800000 : f32
    %broadcast_in_dim3A_480 = vector.broadcast %jit3A_479 : f32 to vector<8x256xf32>
    %select_n3A_481 = arith.select %eq3A_478, %broadcast_in_dim3A_480, %select_n3A_465 : vector<8x256xi1>, vector<8x256xf32>
    %reduce_min3A_482 = arith.constant dense<0x7F800000> : vector<8xf32>
    %reduce_min3A_483 = vector.multi_reduction <minimumf>, %select_n3A_481, %reduce_min3A_482 [1] : vector<8x256xf32> to vector<8xf32>
    %broadcast_in_dim3A_484 = vector.shape_cast %reduce_min3A_483 : vector<8xf32> to vector<8x1xf32>
    %eq3A_485 = vector.broadcast %broadcast_in_dim3A_484 : vector<8x1xf32> to vector<8x256xf32>
    %eq3A_486 = arith.cmpf oeq, %select_n3A_481, %eq3A_485 : vector<8x256xf32>
    %jit3A_487 = arith.constant 256 : i32
    %broadcast_in_dim3A_488 = vector.broadcast %jit3A_487 : i32 to vector<8x256xi32>
    %select_n3A_489 = arith.select %eq3A_486, %iota3A, %broadcast_in_dim3A_488 : vector<8x256xi1>, vector<8x256xi32>
    %reduce_min3A_490 = arith.constant dense<2147483647> : vector<8xi32>
    %reduce_min3A_491 = vector.multi_reduction <minsi>, %select_n3A_489, %reduce_min3A_490 [1] : vector<8x256xi32> to vector<8xi32>
    %broadcast_in_dim3A_492 = vector.shape_cast %reduce_min3A_491 : vector<8xi32> to vector<8x1xi32>
    %eq3A_493 = vector.broadcast %broadcast_in_dim3A_492 : vector<8x1xi32> to vector<8x256xi32>
    %eq3A_494 = arith.cmpi eq, %iota3A, %eq3A_493 : vector<8x256xi32>
    %jit3A_495 = arith.constant 0x7F800000 : f32
    %broadcast_in_dim3A_496 = vector.broadcast %jit3A_495 : f32 to vector<8x256xf32>
    %select_n3A_497 = arith.select %eq3A_494, %broadcast_in_dim3A_496, %select_n3A_481 : vector<8x256xi1>, vector<8x256xf32>
    %reduce_min3A_498 = arith.constant dense<0x7F800000> : vector<8xf32>
    %reduce_min3A_499 = vector.multi_reduction <minimumf>, %select_n3A_497, %reduce_min3A_498 [1] : vector<8x256xf32> to vector<8xf32>
    %broadcast_in_dim3A_500 = vector.shape_cast %reduce_min3A_499 : vector<8xf32> to vector<8x1xf32>
    %eq3A_501 = vector.broadcast %broadcast_in_dim3A_500 : vector<8x1xf32> to vector<8x256xf32>
    %eq3A_502 = arith.cmpf oeq, %select_n3A_497, %eq3A_501 : vector<8x256xf32>
    %jit3A_503 = arith.constant 256 : i32
    %broadcast_in_dim3A_504 = vector.broadcast %jit3A_503 : i32 to vector<8x256xi32>
    %select_n3A_505 = arith.select %eq3A_502, %iota3A, %broadcast_in_dim3A_504 : vector<8x256xi1>, vector<8x256xi32>
    %reduce_min3A_506 = arith.constant dense<2147483647> : vector<8xi32>
    %reduce_min3A_507 = vector.multi_reduction <minsi>, %select_n3A_505, %reduce_min3A_506 [1] : vector<8x256xi32> to vector<8xi32>
    %broadcast_in_dim3A_508 = vector.shape_cast %reduce_min3A_507 : vector<8xi32> to vector<8x1xi32>
    %eq3A_509 = vector.broadcast %broadcast_in_dim3A_508 : vector<8x1xi32> to vector<8x256xi32>
    %eq3A_510 = arith.cmpi eq, %iota3A, %eq3A_509 : vector<8x256xi32>
    %jit3A_511 = arith.constant 0x7F800000 : f32
    %broadcast_in_dim3A_512 = vector.broadcast %jit3A_511 : f32 to vector<8x256xf32>
    %select_n3A_513 = arith.select %eq3A_510, %broadcast_in_dim3A_512, %select_n3A_497 : vector<8x256xi1>, vector<8x256xf32>
    %reduce_min3A_514 = arith.constant dense<0x7F800000> : vector<8xf32>
    %reduce_min3A_515 = vector.multi_reduction <minimumf>, %select_n3A_513, %reduce_min3A_514 [1] : vector<8x256xf32> to vector<8xf32>
    %broadcast_in_dim3A_516 = vector.shape_cast %reduce_min3A_515 : vector<8xf32> to vector<8x1xf32>
    %eq3A_517 = vector.broadcast %broadcast_in_dim3A_516 : vector<8x1xf32> to vector<8x256xf32>
    %eq3A_518 = arith.cmpf oeq, %select_n3A_513, %eq3A_517 : vector<8x256xf32>
    %jit3A_519 = arith.constant 256 : i32
    %broadcast_in_dim3A_520 = vector.broadcast %jit3A_519 : i32 to vector<8x256xi32>
    %select_n3A_521 = arith.select %eq3A_518, %iota3A, %broadcast_in_dim3A_520 : vector<8x256xi1>, vector<8x256xi32>
    %reduce_min3A_522 = arith.constant dense<2147483647> : vector<8xi32>
    %reduce_min3A_523 = vector.multi_reduction <minsi>, %select_n3A_521, %reduce_min3A_522 [1] : vector<8x256xi32> to vector<8xi32>
    %broadcast_in_dim3A_524 = vector.shape_cast %reduce_min3A_523 : vector<8xi32> to vector<8x1xi32>
    %eq3A_525 = vector.broadcast %broadcast_in_dim3A_524 : vector<8x1xi32> to vector<8x256xi32>
    %eq3A_526 = arith.cmpi eq, %iota3A, %eq3A_525 : vector<8x256xi32>
    %jit3A_527 = arith.constant 0x7F800000 : f32
    %broadcast_in_dim3A_528 = vector.broadcast %jit3A_527 : f32 to vector<8x256xf32>
    %select_n3A_529 = arith.select %eq3A_526, %broadcast_in_dim3A_528, %select_n3A_513 : vector<8x256xi1>, vector<8x256xf32>
    %reduce_min3A_530 = arith.constant dense<0x7F800000> : vector<8xf32>
    %reduce_min3A_531 = vector.multi_reduction <minimumf>, %select_n3A_529, %reduce_min3A_530 [1] : vector<8x256xf32> to vector<8xf32>
    %broadcast_in_dim3A_532 = vector.shape_cast %reduce_min3A_531 : vector<8xf32> to vector<8x1xf32>
    %eq3A_533 = vector.broadcast %broadcast_in_dim3A_532 : vector<8x1xf32> to vector<8x256xf32>
    %eq3A_534 = arith.cmpf oeq, %select_n3A_529, %eq3A_533 : vector<8x256xf32>
    %jit3A_535 = arith.constant 256 : i32
    %broadcast_in_dim3A_536 = vector.broadcast %jit3A_535 : i32 to vector<8x256xi32>
    %select_n3A_537 = arith.select %eq3A_534, %iota3A, %broadcast_in_dim3A_536 : vector<8x256xi1>, vector<8x256xi32>
    %reduce_min3A_538 = arith.constant dense<2147483647> : vector<8xi32>
    %reduce_min3A_539 = vector.multi_reduction <minsi>, %select_n3A_537, %reduce_min3A_538 [1] : vector<8x256xi32> to vector<8xi32>
    %broadcast_in_dim3A_540 = vector.shape_cast %reduce_min3A_539 : vector<8xi32> to vector<8x1xi32>
    %eq3A_541 = vector.broadcast %broadcast_in_dim3A_540 : vector<8x1xi32> to vector<8x256xi32>
    %eq3A_542 = arith.cmpi eq, %iota3A, %eq3A_541 : vector<8x256xi32>
    %jit3A_543 = arith.constant 0x7F800000 : f32
    %broadcast_in_dim3A_544 = vector.broadcast %jit3A_543 : f32 to vector<8x256xf32>
    %select_n3A_545 = arith.select %eq3A_542, %broadcast_in_dim3A_544, %select_n3A_529 : vector<8x256xi1>, vector<8x256xf32>
    %reduce_min3A_546 = arith.constant dense<0x7F800000> : vector<8xf32>
    %reduce_min3A_547 = vector.multi_reduction <minimumf>, %select_n3A_545, %reduce_min3A_546 [1] : vector<8x256xf32> to vector<8xf32>
    %broadcast_in_dim3A_548 = vector.shape_cast %reduce_min3A_547 : vector<8xf32> to vector<8x1xf32>
    %eq3A_549 = vector.broadcast %broadcast_in_dim3A_548 : vector<8x1xf32> to vector<8x256xf32>
    %eq3A_550 = arith.cmpf oeq, %select_n3A_545, %eq3A_549 : vector<8x256xf32>
    %jit3A_551 = arith.constant 256 : i32
    %broadcast_in_dim3A_552 = vector.broadcast %jit3A_551 : i32 to vector<8x256xi32>
    %select_n3A_553 = arith.select %eq3A_550, %iota3A, %broadcast_in_dim3A_552 : vector<8x256xi1>, vector<8x256xi32>
    %reduce_min3A_554 = arith.constant dense<2147483647> : vector<8xi32>
    %reduce_min3A_555 = vector.multi_reduction <minsi>, %select_n3A_553, %reduce_min3A_554 [1] : vector<8x256xi32> to vector<8xi32>
    %broadcast_in_dim3A_556 = vector.shape_cast %reduce_min3A_555 : vector<8xi32> to vector<8x1xi32>
    %eq3A_557 = vector.broadcast %broadcast_in_dim3A_556 : vector<8x1xi32> to vector<8x256xi32>
    %eq3A_558 = arith.cmpi eq, %iota3A, %eq3A_557 : vector<8x256xi32>
    %jit3A_559 = arith.constant 0x7F800000 : f32
    %broadcast_in_dim3A_560 = vector.broadcast %jit3A_559 : f32 to vector<8x256xf32>
    %select_n3A_561 = arith.select %eq3A_558, %broadcast_in_dim3A_560, %select_n3A_545 : vector<8x256xi1>, vector<8x256xf32>
    %reduce_min3A_562 = arith.constant dense<0x7F800000> : vector<8xf32>
    %reduce_min3A_563 = vector.multi_reduction <minimumf>, %select_n3A_561, %reduce_min3A_562 [1] : vector<8x256xf32> to vector<8xf32>
    %broadcast_in_dim3A_564 = vector.shape_cast %reduce_min3A_563 : vector<8xf32> to vector<8x1xf32>
    %eq3A_565 = vector.broadcast %broadcast_in_dim3A_564 : vector<8x1xf32> to vector<8x256xf32>
    %eq3A_566 = arith.cmpf oeq, %select_n3A_561, %eq3A_565 : vector<8x256xf32>
    %jit3A_567 = arith.constant 256 : i32
    %broadcast_in_dim3A_568 = vector.broadcast %jit3A_567 : i32 to vector<8x256xi32>
    %select_n3A_569 = arith.select %eq3A_566, %iota3A, %broadcast_in_dim3A_568 : vector<8x256xi1>, vector<8x256xi32>
    %reduce_min3A_570 = arith.constant dense<2147483647> : vector<8xi32>
    %reduce_min3A_571 = vector.multi_reduction <minsi>, %select_n3A_569, %reduce_min3A_570 [1] : vector<8x256xi32> to vector<8xi32>
    %broadcast_in_dim3A_572 = vector.shape_cast %reduce_min3A_571 : vector<8xi32> to vector<8x1xi32>
    %concatenate3A_573 = tpu.concatenate %broadcast_in_dim3A_76, %broadcast_in_dim3A_92, %broadcast_in_dim3A_108, %broadcast_in_dim3A_124, %broadcast_in_dim3A_140, %broadcast_in_dim3A_156, %broadcast_in_dim3A_172, %broadcast_in_dim3A_188, %broadcast_in_dim3A_204, %broadcast_in_dim3A_220, %broadcast_in_dim3A_236, %broadcast_in_dim3A_252, %broadcast_in_dim3A_268, %broadcast_in_dim3A_284, %broadcast_in_dim3A_300, %broadcast_in_dim3A_316, %broadcast_in_dim3A_332, %broadcast_in_dim3A_348, %broadcast_in_dim3A_364, %broadcast_in_dim3A_380, %broadcast_in_dim3A_396, %broadcast_in_dim3A_412, %broadcast_in_dim3A_428, %broadcast_in_dim3A_444, %broadcast_in_dim3A_460, %broadcast_in_dim3A_476, %broadcast_in_dim3A_492, %broadcast_in_dim3A_508, %broadcast_in_dim3A_524, %broadcast_in_dim3A_540, %broadcast_in_dim3A_556, %broadcast_in_dim3A_572 in 1 : vector<8x1xi32>, vector<8x1xi32>, vector<8x1xi32>, vector<8x1xi32>, vector<8x1xi32>, vector<8x1xi32>, vector<8x1xi32>, vector<8x1xi32>, vector<8x1xi32>, vector<8x1xi32>, vector<8x1xi32>, vector<8x1xi32>, vector<8x1xi32>, vector<8x1xi32>, vector<8x1xi32>, vector<8x1xi32>, vector<8x1xi32>, vector<8x1xi32>, vector<8x1xi32>, vector<8x1xi32>, vector<8x1xi32>, vector<8x1xi32>, vector<8x1xi32>, vector<8x1xi32>, vector<8x1xi32>, vector<8x1xi32>, vector<8x1xi32>, vector<8x1xi32>, vector<8x1xi32>, vector<8x1xi32>, vector<8x1xi32>, vector<8x1xi32> -> vector<8x32xi32>
    %jit3A_574 = arith.constant 4 : i32
    %div3A = vector.broadcast %jit3A_574 : i32 to vector<8x32xi32>
    %div3A_575 = arith.divsi %concatenate3A_573, %div3A : vector<8x32xi32>
    %sign3A = arith.constant 0 : i32
    %sign3A_576 = vector.broadcast %sign3A : i32 to vector<8x32xi32>
    %sign3A_577 = arith.cmpi sgt, %concatenate3A_573, %sign3A_576 : vector<8x32xi32>
    %sign3A_578 = arith.extui %sign3A_577 : vector<8x32xi1> to vector<8x32xi32>
    %sign3A_579 = arith.constant 0 : i32
    %sign3A_580 = vector.broadcast %sign3A_579 : i32 to vector<8x32xi32>
    %sign3A_581 = arith.cmpi slt, %concatenate3A_573, %sign3A_580 : vector<8x32xi32>
    %sign3A_582 = arith.extui %sign3A_581 : vector<8x32xi1> to vector<8x32xi32>
    %sign3A_583 = arith.subi %sign3A_578, %sign3A_582 : vector<8x32xi32>
    %sign3A_584 = arith.constant 0 : i32
    %sign3A_585 = arith.cmpi sgt, %jit3A_574, %sign3A_584 : i32
    %sign3A_586 = arith.extui %sign3A_585 : i1 to i32
    %sign3A_587 = arith.constant 0 : i32
    %sign3A_588 = arith.cmpi slt, %jit3A_574, %sign3A_587 : i32
    %sign3A_589 = arith.extui %sign3A_588 : i1 to i32
    %sign3A_590 = arith.subi %sign3A_586, %sign3A_589 : i32
    %ne3A = vector.broadcast %sign3A_590 : i32 to vector<8x32xi32>
    %ne3A_591 = arith.cmpi ne, %sign3A_583, %ne3A : vector<8x32xi32>
    %rem3A = vector.broadcast %jit3A_574 : i32 to vector<8x32xi32>
    %rem3A_592 = arith.remsi %concatenate3A_573, %rem3A : vector<8x32xi32>
    %ne3A_593 = arith.constant 0 : i32
    %ne3A_594 = vector.broadcast %ne3A_593 : i32 to vector<8x32xi32>
    %ne3A_595 = arith.cmpi ne, %rem3A_592, %ne3A_594 : vector<8x32xi32>
    %and3A = arith.andi %ne3A_591, %ne3A_595 : vector<8x32xi1>
    %sub3A_596 = arith.constant 1 : i32
    %sub3A_597 = vector.broadcast %sub3A_596 : i32 to vector<8x32xi32>
    %sub3A_598 = arith.subi %div3A_575, %sub3A_597 : vector<8x32xi32>
    %select_n3A_599 = arith.select %and3A, %sub3A_598, %div3A_575 : vector<8x32xi1>, vector<8x32xi32>
    %jit3A_600 = arith.constant 4 : i32
    %eq3A_601 = arith.constant 0 : i32
    %eq3A_602 = arith.cmpi eq, %jit3A_600, %eq3A_601 : i32
    %jit3A_603 = arith.constant 1 : i32
    %select_n3A_604 = arith.select %eq3A_602, %jit3A_603, %jit3A_600 : i32
    %rem3A_605 = vector.broadcast %select_n3A_604 : i32 to vector<8x32xi32>
    %rem3A_606 = arith.remsi %concatenate3A_573, %rem3A_605 : vector<8x32xi32>
    %ne3A_607 = arith.constant 0 : i32
    %ne3A_608 = vector.broadcast %ne3A_607 : i32 to vector<8x32xi32>
    %ne3A_609 = arith.cmpi ne, %rem3A_606, %ne3A_608 : vector<8x32xi32>
    %lt3A = arith.constant 0 : i32
    %lt3A_610 = vector.broadcast %lt3A : i32 to vector<8x32xi32>
    %lt3A_611 = arith.cmpi slt, %rem3A_606, %lt3A_610 : vector<8x32xi32>
    %lt3A_612 = arith.constant 0 : i32
    %lt3A_613 = arith.cmpi slt, %select_n3A_604, %lt3A_612 : i32
    %ne3A_614 = vector.broadcast %lt3A_613 : i1 to vector<8x32xi1>
    %ne3A_615 = vector.broadcast %ne3A_614 : vector<8x32xi1> to vector<8x32xi1>
    %ne3A_616 = arith.xori %lt3A_611, %ne3A_615 : vector<8x32xi1>
    %and3A_617 = arith.andi %ne3A_616, %ne3A_609 : vector<8x32xi1>
    %add3A_618 = vector.broadcast %select_n3A_604 : i32 to vector<8x32xi32>
    %add3A_619 = arith.addi %rem3A_606, %add3A_618 : vector<8x32xi32>
    %select_n3A_620 = arith.select %and3A_617, %add3A_619, %rem3A_606 : vector<8x32xi1>, vector<8x32xi32>
    %iota3A_621 = tpu.iota {dimensions = array<i32: 2>} : vector<8x32x64xi32>
    %broadcast_in_dim3A_622 = vector.shape_cast %select_n3A_599 : vector<8x32xi32> to vector<8x32x1xi32>
    %eq3A_623 = vector.broadcast %broadcast_in_dim3A_622 : vector<8x32x1xi32> to vector<8x32x64xi32>
    %eq3A_624 = arith.cmpi eq, %eq3A_623, %iota3A_621 : vector<8x32x64xi32>
    %convert_element_type3A = arith.extui %eq3A_624 : vector<8x32x64xi1> to vector<8x32x64xi32>
    %convert_element_type3A_625 = arith.sitofp %convert_element_type3A : vector<8x32x64xi32> to vector<8x32x64xf32>
    %slice3A_626 = vector.extract_strided_slice %convert_element_type3A_625 {offsets = [0, 0, 0], sizes = [1, 32, 64], strides = [1, 1, 1]} : vector<8x32x64xf32> to vector<1x32x64xf32>
    %squeeze3A = vector.shape_cast %slice3A_626 : vector<1x32x64xf32> to vector<32x64xf32>
    %slice3A_627 = vector.extract_strided_slice %add3A_46 {offsets = [0, 0, 0], sizes = [1, 64, 128], strides = [1, 1, 1]} : vector<8x64x128xf32> to vector<1x64x128xf32>
    %squeeze3A_628 = vector.shape_cast %slice3A_627 : vector<1x64x128xf32> to vector<64x128xf32>
    %dot_general3A = arith.constant dense<0.000000e+00> : vector<32x128xf32>
    %dot_general3A_629 = tpu.matmul %squeeze3A, %squeeze3A_628, %dot_general3A {dimension_numbers = #tpu.dot_dimension_numbers<[1], [0], [0], [1], [0, 0, 1, 1], [], []>, precision = #tpu.contract_precision<fp32>, transpose_lhs_hint = false} : vector<32x64xf32>, vector<64x128xf32>, vector<32x128xf32> -> vector<32x128xf32>
    %slice3A_630 = vector.extract_strided_slice %convert_element_type3A_625 {offsets = [1, 0, 0], sizes = [1, 32, 64], strides = [1, 1, 1]} : vector<8x32x64xf32> to vector<1x32x64xf32>
    %squeeze3A_631 = vector.shape_cast %slice3A_630 : vector<1x32x64xf32> to vector<32x64xf32>
    %slice3A_632 = vector.extract_strided_slice %add3A_46 {offsets = [1, 0, 0], sizes = [1, 64, 128], strides = [1, 1, 1]} : vector<8x64x128xf32> to vector<1x64x128xf32>
    %squeeze3A_633 = vector.shape_cast %slice3A_632 : vector<1x64x128xf32> to vector<64x128xf32>
    %dot_general3A_634 = arith.constant dense<0.000000e+00> : vector<32x128xf32>
    %dot_general3A_635 = tpu.matmul %squeeze3A_631, %squeeze3A_633, %dot_general3A_634 {dimension_numbers = #tpu.dot_dimension_numbers<[1], [0], [0], [1], [0, 0, 1, 1], [], []>, precision = #tpu.contract_precision<fp32>, transpose_lhs_hint = false} : vector<32x64xf32>, vector<64x128xf32>, vector<32x128xf32> -> vector<32x128xf32>
    %slice3A_636 = vector.extract_strided_slice %convert_element_type3A_625 {offsets = [2, 0, 0], sizes = [1, 32, 64], strides = [1, 1, 1]} : vector<8x32x64xf32> to vector<1x32x64xf32>
    %squeeze3A_637 = vector.shape_cast %slice3A_636 : vector<1x32x64xf32> to vector<32x64xf32>
    %slice3A_638 = vector.extract_strided_slice %add3A_46 {offsets = [2, 0, 0], sizes = [1, 64, 128], strides = [1, 1, 1]} : vector<8x64x128xf32> to vector<1x64x128xf32>
    %squeeze3A_639 = vector.shape_cast %slice3A_638 : vector<1x64x128xf32> to vector<64x128xf32>
    %dot_general3A_640 = arith.constant dense<0.000000e+00> : vector<32x128xf32>
    %dot_general3A_641 = tpu.matmul %squeeze3A_637, %squeeze3A_639, %dot_general3A_640 {dimension_numbers = #tpu.dot_dimension_numbers<[1], [0], [0], [1], [0, 0, 1, 1], [], []>, precision = #tpu.contract_precision<fp32>, transpose_lhs_hint = false} : vector<32x64xf32>, vector<64x128xf32>, vector<32x128xf32> -> vector<32x128xf32>
    %slice3A_642 = vector.extract_strided_slice %convert_element_type3A_625 {offsets = [3, 0, 0], sizes = [1, 32, 64], strides = [1, 1, 1]} : vector<8x32x64xf32> to vector<1x32x64xf32>
    %squeeze3A_643 = vector.shape_cast %slice3A_642 : vector<1x32x64xf32> to vector<32x64xf32>
    %slice3A_644 = vector.extract_strided_slice %add3A_46 {offsets = [3, 0, 0], sizes = [1, 64, 128], strides = [1, 1, 1]} : vector<8x64x128xf32> to vector<1x64x128xf32>
    %squeeze3A_645 = vector.shape_cast %slice3A_644 : vector<1x64x128xf32> to vector<64x128xf32>
    %dot_general3A_646 = arith.constant dense<0.000000e+00> : vector<32x128xf32>
    %dot_general3A_647 = tpu.matmul %squeeze3A_643, %squeeze3A_645, %dot_general3A_646 {dimension_numbers = #tpu.dot_dimension_numbers<[1], [0], [0], [1], [0, 0, 1, 1], [], []>, precision = #tpu.contract_precision<fp32>, transpose_lhs_hint = false} : vector<32x64xf32>, vector<64x128xf32>, vector<32x128xf32> -> vector<32x128xf32>
    %slice3A_648 = vector.extract_strided_slice %convert_element_type3A_625 {offsets = [4, 0, 0], sizes = [1, 32, 64], strides = [1, 1, 1]} : vector<8x32x64xf32> to vector<1x32x64xf32>
    %squeeze3A_649 = vector.shape_cast %slice3A_648 : vector<1x32x64xf32> to vector<32x64xf32>
    %slice3A_650 = vector.extract_strided_slice %add3A_46 {offsets = [4, 0, 0], sizes = [1, 64, 128], strides = [1, 1, 1]} : vector<8x64x128xf32> to vector<1x64x128xf32>
    %squeeze3A_651 = vector.shape_cast %slice3A_650 : vector<1x64x128xf32> to vector<64x128xf32>
    %dot_general3A_652 = arith.constant dense<0.000000e+00> : vector<32x128xf32>
    %dot_general3A_653 = tpu.matmul %squeeze3A_649, %squeeze3A_651, %dot_general3A_652 {dimension_numbers = #tpu.dot_dimension_numbers<[1], [0], [0], [1], [0, 0, 1, 1], [], []>, precision = #tpu.contract_precision<fp32>, transpose_lhs_hint = false} : vector<32x64xf32>, vector<64x128xf32>, vector<32x128xf32> -> vector<32x128xf32>
    %slice3A_654 = vector.extract_strided_slice %convert_element_type3A_625 {offsets = [5, 0, 0], sizes = [1, 32, 64], strides = [1, 1, 1]} : vector<8x32x64xf32> to vector<1x32x64xf32>
    %squeeze3A_655 = vector.shape_cast %slice3A_654 : vector<1x32x64xf32> to vector<32x64xf32>
    %slice3A_656 = vector.extract_strided_slice %add3A_46 {offsets = [5, 0, 0], sizes = [1, 64, 128], strides = [1, 1, 1]} : vector<8x64x128xf32> to vector<1x64x128xf32>
    %squeeze3A_657 = vector.shape_cast %slice3A_656 : vector<1x64x128xf32> to vector<64x128xf32>
    %dot_general3A_658 = arith.constant dense<0.000000e+00> : vector<32x128xf32>
    %dot_general3A_659 = tpu.matmul %squeeze3A_655, %squeeze3A_657, %dot_general3A_658 {dimension_numbers = #tpu.dot_dimension_numbers<[1], [0], [0], [1], [0, 0, 1, 1], [], []>, precision = #tpu.contract_precision<fp32>, transpose_lhs_hint = false} : vector<32x64xf32>, vector<64x128xf32>, vector<32x128xf32> -> vector<32x128xf32>
    %slice3A_660 = vector.extract_strided_slice %convert_element_type3A_625 {offsets = [6, 0, 0], sizes = [1, 32, 64], strides = [1, 1, 1]} : vector<8x32x64xf32> to vector<1x32x64xf32>
    %squeeze3A_661 = vector.shape_cast %slice3A_660 : vector<1x32x64xf32> to vector<32x64xf32>
    %slice3A_662 = vector.extract_strided_slice %add3A_46 {offsets = [6, 0, 0], sizes = [1, 64, 128], strides = [1, 1, 1]} : vector<8x64x128xf32> to vector<1x64x128xf32>
    %squeeze3A_663 = vector.shape_cast %slice3A_662 : vector<1x64x128xf32> to vector<64x128xf32>
    %dot_general3A_664 = arith.constant dense<0.000000e+00> : vector<32x128xf32>
    %dot_general3A_665 = tpu.matmul %squeeze3A_661, %squeeze3A_663, %dot_general3A_664 {dimension_numbers = #tpu.dot_dimension_numbers<[1], [0], [0], [1], [0, 0, 1, 1], [], []>, precision = #tpu.contract_precision<fp32>, transpose_lhs_hint = false} : vector<32x64xf32>, vector<64x128xf32>, vector<32x128xf32> -> vector<32x128xf32>
    %slice3A_666 = vector.extract_strided_slice %convert_element_type3A_625 {offsets = [7, 0, 0], sizes = [1, 32, 64], strides = [1, 1, 1]} : vector<8x32x64xf32> to vector<1x32x64xf32>
    %squeeze3A_667 = vector.shape_cast %slice3A_666 : vector<1x32x64xf32> to vector<32x64xf32>
    %slice3A_668 = vector.extract_strided_slice %add3A_46 {offsets = [7, 0, 0], sizes = [1, 64, 128], strides = [1, 1, 1]} : vector<8x64x128xf32> to vector<1x64x128xf32>
    %squeeze3A_669 = vector.shape_cast %slice3A_668 : vector<1x64x128xf32> to vector<64x128xf32>
    %dot_general3A_670 = arith.constant dense<0.000000e+00> : vector<32x128xf32>
    %dot_general3A_671 = tpu.matmul %squeeze3A_667, %squeeze3A_669, %dot_general3A_670 {dimension_numbers = #tpu.dot_dimension_numbers<[1], [0], [0], [1], [0, 0, 1, 1], [], []>, precision = #tpu.contract_precision<fp32>, transpose_lhs_hint = false} : vector<32x64xf32>, vector<64x128xf32>, vector<32x128xf32> -> vector<32x128xf32>
    %stack3A = vector.shape_cast %dot_general3A_629 : vector<32x128xf32> to vector<1x32x128xf32>
    %stack3A_672 = vector.shape_cast %dot_general3A_635 : vector<32x128xf32> to vector<1x32x128xf32>
    %stack3A_673 = vector.shape_cast %dot_general3A_641 : vector<32x128xf32> to vector<1x32x128xf32>
    %stack3A_674 = vector.shape_cast %dot_general3A_647 : vector<32x128xf32> to vector<1x32x128xf32>
    %stack3A_675 = vector.shape_cast %dot_general3A_653 : vector<32x128xf32> to vector<1x32x128xf32>
    %stack3A_676 = vector.shape_cast %dot_general3A_659 : vector<32x128xf32> to vector<1x32x128xf32>
    %stack3A_677 = vector.shape_cast %dot_general3A_665 : vector<32x128xf32> to vector<1x32x128xf32>
    %stack3A_678 = vector.shape_cast %dot_general3A_671 : vector<32x128xf32> to vector<1x32x128xf32>
    %stack3A_679 = tpu.concatenate %stack3A, %stack3A_672, %stack3A_673, %stack3A_674, %stack3A_675, %stack3A_676, %stack3A_677, %stack3A_678 in 0 : vector<1x32x128xf32>, vector<1x32x128xf32>, vector<1x32x128xf32>, vector<1x32x128xf32>, vector<1x32x128xf32>, vector<1x32x128xf32>, vector<1x32x128xf32>, vector<1x32x128xf32> -> vector<8x32x128xf32>
    %slice3A_680 = vector.extract_strided_slice %stack3A_679 {offsets = [0, 0, 0], sizes = [8, 32, 32], strides = [1, 1, 1]} : vector<8x32x128xf32> to vector<8x32x32xf32>
    %broadcast_in_dim3A_681 = vector.shape_cast %select_n3A_620 : vector<8x32xi32> to vector<8x32x1xi32>
    %eq3A_682 = arith.constant 1 : i32
    %eq3A_683 = vector.broadcast %eq3A_682 : i32 to vector<8x32x1xi32>
    %eq3A_684 = arith.cmpi eq, %broadcast_in_dim3A_681, %eq3A_683 : vector<8x32x1xi32>
    %slice3A_685 = vector.extract_strided_slice %stack3A_679 {offsets = [0, 0, 32], sizes = [8, 32, 32], strides = [1, 1, 1]} : vector<8x32x128xf32> to vector<8x32x32xf32>
    %broadcast_in_dim3A_686 = vector.shape_cast %eq3A_684 : vector<8x32x1xi1> to vector<8x32x1xi1>
    %broadcast_in_dim3A_687 = vector.broadcast %broadcast_in_dim3A_686 : vector<8x32x1xi1> to vector<8x32x32xi1>
    %select_n3A_688 = arith.select %broadcast_in_dim3A_687, %slice3A_685, %slice3A_680 : vector<8x32x32xi1>, vector<8x32x32xf32>
    %broadcast_in_dim3A_689 = vector.shape_cast %select_n3A_620 : vector<8x32xi32> to vector<8x32x1xi32>
    %eq3A_690 = arith.constant 2 : i32
    %eq3A_691 = vector.broadcast %eq3A_690 : i32 to vector<8x32x1xi32>
    %eq3A_692 = arith.cmpi eq, %broadcast_in_dim3A_689, %eq3A_691 : vector<8x32x1xi32>
    %slice3A_693 = vector.extract_strided_slice %stack3A_679 {offsets = [0, 0, 64], sizes = [8, 32, 32], strides = [1, 1, 1]} : vector<8x32x128xf32> to vector<8x32x32xf32>
    %broadcast_in_dim3A_694 = vector.shape_cast %eq3A_692 : vector<8x32x1xi1> to vector<8x32x1xi1>
    %broadcast_in_dim3A_695 = vector.broadcast %broadcast_in_dim3A_694 : vector<8x32x1xi1> to vector<8x32x32xi1>
    %select_n3A_696 = arith.select %broadcast_in_dim3A_695, %slice3A_693, %select_n3A_688 : vector<8x32x32xi1>, vector<8x32x32xf32>
    %broadcast_in_dim3A_697 = vector.shape_cast %select_n3A_620 : vector<8x32xi32> to vector<8x32x1xi32>
    %eq3A_698 = arith.constant 3 : i32
    %eq3A_699 = vector.broadcast %eq3A_698 : i32 to vector<8x32x1xi32>
    %eq3A_700 = arith.cmpi eq, %broadcast_in_dim3A_697, %eq3A_699 : vector<8x32x1xi32>
    %slice3A_701 = vector.extract_strided_slice %stack3A_679 {offsets = [0, 0, 96], sizes = [8, 32, 32], strides = [1, 1, 1]} : vector<8x32x128xf32> to vector<8x32x32xf32>
    %broadcast_in_dim3A_702 = vector.shape_cast %eq3A_700 : vector<8x32x1xi1> to vector<8x32x1xi1>
    %broadcast_in_dim3A_703 = vector.broadcast %broadcast_in_dim3A_702 : vector<8x32x1xi1> to vector<8x32x32xi1>
    %select_n3A_704 = arith.select %broadcast_in_dim3A_703, %slice3A_701, %select_n3A_696 : vector<8x32x32xi1>, vector<8x32x32xf32>
    %iota3A_705 = tpu.iota {dimensions = array<i32: 2>} : vector<8x32x32xi32>
    %broadcast_in_dim3A_706 = vector.shape_cast %concatenate3A_573 : vector<8x32xi32> to vector<8x32x1xi32>
    %mul3A_707 = arith.constant 32 : i32
    %mul3A_708 = vector.broadcast %mul3A_707 : i32 to vector<8x32x1xi32>
    %mul3A_709 = arith.muli %broadcast_in_dim3A_706, %mul3A_708 : vector<8x32x1xi32>
    %add3A_710 = vector.broadcast %mul3A_709 : vector<8x32x1xi32> to vector<8x32x32xi32>
    %add3A_711 = arith.addi %add3A_710, %iota3A_705 : vector<8x32x32xi32>
    %reshape3A_712 = vector.shape_cast %select_n3A_704 : vector<8x32x32xf32> to vector<8x1024xf32>
    %reshape3A_713 = vector.shape_cast %add3A_711 : vector<8x32x32xi32> to vector<8x1024xi32>
    %reduce_min3A_714 = arith.constant dense<0x7F800000> : vector<8xf32>
    %reduce_min3A_715 = vector.multi_reduction <minimumf>, %reshape3A_712, %reduce_min3A_714 [1] : vector<8x1024xf32> to vector<8xf32>
    %broadcast_in_dim3A_716 = vector.shape_cast %reduce_min3A_715 : vector<8xf32> to vector<8x1xf32>
    %eq3A_717 = vector.broadcast %broadcast_in_dim3A_716 : vector<8x1xf32> to vector<8x1024xf32>
    %eq3A_718 = arith.cmpf oeq, %reshape3A_712, %eq3A_717 : vector<8x1024xf32>
    %jit3A_719 = arith.constant 8192 : i32
    %broadcast_in_dim3A_720 = vector.broadcast %jit3A_719 : i32 to vector<8x1024xi32>
    %select_n3A_721 = arith.select %eq3A_718, %reshape3A_713, %broadcast_in_dim3A_720 : vector<8x1024xi1>, vector<8x1024xi32>
    %reduce_min3A_722 = arith.constant dense<2147483647> : vector<8xi32>
    %reduce_min3A_723 = vector.multi_reduction <minsi>, %select_n3A_721, %reduce_min3A_722 [1] : vector<8x1024xi32> to vector<8xi32>
    %broadcast_in_dim3A_724 = vector.shape_cast %reduce_min3A_723 : vector<8xi32> to vector<8x1xi32>
    %eq3A_725 = vector.broadcast %broadcast_in_dim3A_724 : vector<8x1xi32> to vector<8x1024xi32>
    %eq3A_726 = arith.cmpi eq, %reshape3A_713, %eq3A_725 : vector<8x1024xi32>
    %jit3A_727 = arith.constant 0x7F800000 : f32
    %broadcast_in_dim3A_728 = vector.broadcast %jit3A_727 : f32 to vector<8x1024xf32>
    %select_n3A_729 = arith.select %eq3A_726, %broadcast_in_dim3A_728, %reshape3A_712 : vector<8x1024xi1>, vector<8x1024xf32>
    %reduce_min3A_730 = arith.constant dense<0x7F800000> : vector<8xf32>
    %reduce_min3A_731 = vector.multi_reduction <minimumf>, %select_n3A_729, %reduce_min3A_730 [1] : vector<8x1024xf32> to vector<8xf32>
    %broadcast_in_dim3A_732 = vector.shape_cast %reduce_min3A_731 : vector<8xf32> to vector<8x1xf32>
    %eq3A_733 = vector.broadcast %broadcast_in_dim3A_732 : vector<8x1xf32> to vector<8x1024xf32>
    %eq3A_734 = arith.cmpf oeq, %select_n3A_729, %eq3A_733 : vector<8x1024xf32>
    %jit3A_735 = arith.constant 8192 : i32
    %broadcast_in_dim3A_736 = vector.broadcast %jit3A_735 : i32 to vector<8x1024xi32>
    %select_n3A_737 = arith.select %eq3A_734, %reshape3A_713, %broadcast_in_dim3A_736 : vector<8x1024xi1>, vector<8x1024xi32>
    %reduce_min3A_738 = arith.constant dense<2147483647> : vector<8xi32>
    %reduce_min3A_739 = vector.multi_reduction <minsi>, %select_n3A_737, %reduce_min3A_738 [1] : vector<8x1024xi32> to vector<8xi32>
    %broadcast_in_dim3A_740 = vector.shape_cast %reduce_min3A_739 : vector<8xi32> to vector<8x1xi32>
    %eq3A_741 = vector.broadcast %broadcast_in_dim3A_740 : vector<8x1xi32> to vector<8x1024xi32>
    %eq3A_742 = arith.cmpi eq, %reshape3A_713, %eq3A_741 : vector<8x1024xi32>
    %jit3A_743 = arith.constant 0x7F800000 : f32
    %broadcast_in_dim3A_744 = vector.broadcast %jit3A_743 : f32 to vector<8x1024xf32>
    %select_n3A_745 = arith.select %eq3A_742, %broadcast_in_dim3A_744, %select_n3A_729 : vector<8x1024xi1>, vector<8x1024xf32>
    %reduce_min3A_746 = arith.constant dense<0x7F800000> : vector<8xf32>
    %reduce_min3A_747 = vector.multi_reduction <minimumf>, %select_n3A_745, %reduce_min3A_746 [1] : vector<8x1024xf32> to vector<8xf32>
    %broadcast_in_dim3A_748 = vector.shape_cast %reduce_min3A_747 : vector<8xf32> to vector<8x1xf32>
    %eq3A_749 = vector.broadcast %broadcast_in_dim3A_748 : vector<8x1xf32> to vector<8x1024xf32>
    %eq3A_750 = arith.cmpf oeq, %select_n3A_745, %eq3A_749 : vector<8x1024xf32>
    %jit3A_751 = arith.constant 8192 : i32
    %broadcast_in_dim3A_752 = vector.broadcast %jit3A_751 : i32 to vector<8x1024xi32>
    %select_n3A_753 = arith.select %eq3A_750, %reshape3A_713, %broadcast_in_dim3A_752 : vector<8x1024xi1>, vector<8x1024xi32>
    %reduce_min3A_754 = arith.constant dense<2147483647> : vector<8xi32>
    %reduce_min3A_755 = vector.multi_reduction <minsi>, %select_n3A_753, %reduce_min3A_754 [1] : vector<8x1024xi32> to vector<8xi32>
    %broadcast_in_dim3A_756 = vector.shape_cast %reduce_min3A_755 : vector<8xi32> to vector<8x1xi32>
    %eq3A_757 = vector.broadcast %broadcast_in_dim3A_756 : vector<8x1xi32> to vector<8x1024xi32>
    %eq3A_758 = arith.cmpi eq, %reshape3A_713, %eq3A_757 : vector<8x1024xi32>
    %jit3A_759 = arith.constant 0x7F800000 : f32
    %broadcast_in_dim3A_760 = vector.broadcast %jit3A_759 : f32 to vector<8x1024xf32>
    %select_n3A_761 = arith.select %eq3A_758, %broadcast_in_dim3A_760, %select_n3A_745 : vector<8x1024xi1>, vector<8x1024xf32>
    %reduce_min3A_762 = arith.constant dense<0x7F800000> : vector<8xf32>
    %reduce_min3A_763 = vector.multi_reduction <minimumf>, %select_n3A_761, %reduce_min3A_762 [1] : vector<8x1024xf32> to vector<8xf32>
    %broadcast_in_dim3A_764 = vector.shape_cast %reduce_min3A_763 : vector<8xf32> to vector<8x1xf32>
    %eq3A_765 = vector.broadcast %broadcast_in_dim3A_764 : vector<8x1xf32> to vector<8x1024xf32>
    %eq3A_766 = arith.cmpf oeq, %select_n3A_761, %eq3A_765 : vector<8x1024xf32>
    %jit3A_767 = arith.constant 8192 : i32
    %broadcast_in_dim3A_768 = vector.broadcast %jit3A_767 : i32 to vector<8x1024xi32>
    %select_n3A_769 = arith.select %eq3A_766, %reshape3A_713, %broadcast_in_dim3A_768 : vector<8x1024xi1>, vector<8x1024xi32>
    %reduce_min3A_770 = arith.constant dense<2147483647> : vector<8xi32>
    %reduce_min3A_771 = vector.multi_reduction <minsi>, %select_n3A_769, %reduce_min3A_770 [1] : vector<8x1024xi32> to vector<8xi32>
    %broadcast_in_dim3A_772 = vector.shape_cast %reduce_min3A_771 : vector<8xi32> to vector<8x1xi32>
    %eq3A_773 = vector.broadcast %broadcast_in_dim3A_772 : vector<8x1xi32> to vector<8x1024xi32>
    %eq3A_774 = arith.cmpi eq, %reshape3A_713, %eq3A_773 : vector<8x1024xi32>
    %jit3A_775 = arith.constant 0x7F800000 : f32
    %broadcast_in_dim3A_776 = vector.broadcast %jit3A_775 : f32 to vector<8x1024xf32>
    %select_n3A_777 = arith.select %eq3A_774, %broadcast_in_dim3A_776, %select_n3A_761 : vector<8x1024xi1>, vector<8x1024xf32>
    %reduce_min3A_778 = arith.constant dense<0x7F800000> : vector<8xf32>
    %reduce_min3A_779 = vector.multi_reduction <minimumf>, %select_n3A_777, %reduce_min3A_778 [1] : vector<8x1024xf32> to vector<8xf32>
    %broadcast_in_dim3A_780 = vector.shape_cast %reduce_min3A_779 : vector<8xf32> to vector<8x1xf32>
    %eq3A_781 = vector.broadcast %broadcast_in_dim3A_780 : vector<8x1xf32> to vector<8x1024xf32>
    %eq3A_782 = arith.cmpf oeq, %select_n3A_777, %eq3A_781 : vector<8x1024xf32>
    %jit3A_783 = arith.constant 8192 : i32
    %broadcast_in_dim3A_784 = vector.broadcast %jit3A_783 : i32 to vector<8x1024xi32>
    %select_n3A_785 = arith.select %eq3A_782, %reshape3A_713, %broadcast_in_dim3A_784 : vector<8x1024xi1>, vector<8x1024xi32>
    %reduce_min3A_786 = arith.constant dense<2147483647> : vector<8xi32>
    %reduce_min3A_787 = vector.multi_reduction <minsi>, %select_n3A_785, %reduce_min3A_786 [1] : vector<8x1024xi32> to vector<8xi32>
    %broadcast_in_dim3A_788 = vector.shape_cast %reduce_min3A_787 : vector<8xi32> to vector<8x1xi32>
    %eq3A_789 = vector.broadcast %broadcast_in_dim3A_788 : vector<8x1xi32> to vector<8x1024xi32>
    %eq3A_790 = arith.cmpi eq, %reshape3A_713, %eq3A_789 : vector<8x1024xi32>
    %jit3A_791 = arith.constant 0x7F800000 : f32
    %broadcast_in_dim3A_792 = vector.broadcast %jit3A_791 : f32 to vector<8x1024xf32>
    %select_n3A_793 = arith.select %eq3A_790, %broadcast_in_dim3A_792, %select_n3A_777 : vector<8x1024xi1>, vector<8x1024xf32>
    %reduce_min3A_794 = arith.constant dense<0x7F800000> : vector<8xf32>
    %reduce_min3A_795 = vector.multi_reduction <minimumf>, %select_n3A_793, %reduce_min3A_794 [1] : vector<8x1024xf32> to vector<8xf32>
    %broadcast_in_dim3A_796 = vector.shape_cast %reduce_min3A_795 : vector<8xf32> to vector<8x1xf32>
    %eq3A_797 = vector.broadcast %broadcast_in_dim3A_796 : vector<8x1xf32> to vector<8x1024xf32>
    %eq3A_798 = arith.cmpf oeq, %select_n3A_793, %eq3A_797 : vector<8x1024xf32>
    %jit3A_799 = arith.constant 8192 : i32
    %broadcast_in_dim3A_800 = vector.broadcast %jit3A_799 : i32 to vector<8x1024xi32>
    %select_n3A_801 = arith.select %eq3A_798, %reshape3A_713, %broadcast_in_dim3A_800 : vector<8x1024xi1>, vector<8x1024xi32>
    %reduce_min3A_802 = arith.constant dense<2147483647> : vector<8xi32>
    %reduce_min3A_803 = vector.multi_reduction <minsi>, %select_n3A_801, %reduce_min3A_802 [1] : vector<8x1024xi32> to vector<8xi32>
    %broadcast_in_dim3A_804 = vector.shape_cast %reduce_min3A_803 : vector<8xi32> to vector<8x1xi32>
    %eq3A_805 = vector.broadcast %broadcast_in_dim3A_804 : vector<8x1xi32> to vector<8x1024xi32>
    %eq3A_806 = arith.cmpi eq, %reshape3A_713, %eq3A_805 : vector<8x1024xi32>
    %jit3A_807 = arith.constant 0x7F800000 : f32
    %broadcast_in_dim3A_808 = vector.broadcast %jit3A_807 : f32 to vector<8x1024xf32>
    %select_n3A_809 = arith.select %eq3A_806, %broadcast_in_dim3A_808, %select_n3A_793 : vector<8x1024xi1>, vector<8x1024xf32>
    %reduce_min3A_810 = arith.constant dense<0x7F800000> : vector<8xf32>
    %reduce_min3A_811 = vector.multi_reduction <minimumf>, %select_n3A_809, %reduce_min3A_810 [1] : vector<8x1024xf32> to vector<8xf32>
    %broadcast_in_dim3A_812 = vector.shape_cast %reduce_min3A_811 : vector<8xf32> to vector<8x1xf32>
    %eq3A_813 = vector.broadcast %broadcast_in_dim3A_812 : vector<8x1xf32> to vector<8x1024xf32>
    %eq3A_814 = arith.cmpf oeq, %select_n3A_809, %eq3A_813 : vector<8x1024xf32>
    %jit3A_815 = arith.constant 8192 : i32
    %broadcast_in_dim3A_816 = vector.broadcast %jit3A_815 : i32 to vector<8x1024xi32>
    %select_n3A_817 = arith.select %eq3A_814, %reshape3A_713, %broadcast_in_dim3A_816 : vector<8x1024xi1>, vector<8x1024xi32>
    %reduce_min3A_818 = arith.constant dense<2147483647> : vector<8xi32>
    %reduce_min3A_819 = vector.multi_reduction <minsi>, %select_n3A_817, %reduce_min3A_818 [1] : vector<8x1024xi32> to vector<8xi32>
    %broadcast_in_dim3A_820 = vector.shape_cast %reduce_min3A_819 : vector<8xi32> to vector<8x1xi32>
    %eq3A_821 = vector.broadcast %broadcast_in_dim3A_820 : vector<8x1xi32> to vector<8x1024xi32>
    %eq3A_822 = arith.cmpi eq, %reshape3A_713, %eq3A_821 : vector<8x1024xi32>
    %jit3A_823 = arith.constant 0x7F800000 : f32
    %broadcast_in_dim3A_824 = vector.broadcast %jit3A_823 : f32 to vector<8x1024xf32>
    %select_n3A_825 = arith.select %eq3A_822, %broadcast_in_dim3A_824, %select_n3A_809 : vector<8x1024xi1>, vector<8x1024xf32>
    %reduce_min3A_826 = arith.constant dense<0x7F800000> : vector<8xf32>
    %reduce_min3A_827 = vector.multi_reduction <minimumf>, %select_n3A_825, %reduce_min3A_826 [1] : vector<8x1024xf32> to vector<8xf32>
    %broadcast_in_dim3A_828 = vector.shape_cast %reduce_min3A_827 : vector<8xf32> to vector<8x1xf32>
    %eq3A_829 = vector.broadcast %broadcast_in_dim3A_828 : vector<8x1xf32> to vector<8x1024xf32>
    %eq3A_830 = arith.cmpf oeq, %select_n3A_825, %eq3A_829 : vector<8x1024xf32>
    %jit3A_831 = arith.constant 8192 : i32
    %broadcast_in_dim3A_832 = vector.broadcast %jit3A_831 : i32 to vector<8x1024xi32>
    %select_n3A_833 = arith.select %eq3A_830, %reshape3A_713, %broadcast_in_dim3A_832 : vector<8x1024xi1>, vector<8x1024xi32>
    %reduce_min3A_834 = arith.constant dense<2147483647> : vector<8xi32>
    %reduce_min3A_835 = vector.multi_reduction <minsi>, %select_n3A_833, %reduce_min3A_834 [1] : vector<8x1024xi32> to vector<8xi32>
    %broadcast_in_dim3A_836 = vector.shape_cast %reduce_min3A_835 : vector<8xi32> to vector<8x1xi32>
    %eq3A_837 = vector.broadcast %broadcast_in_dim3A_836 : vector<8x1xi32> to vector<8x1024xi32>
    %eq3A_838 = arith.cmpi eq, %reshape3A_713, %eq3A_837 : vector<8x1024xi32>
    %jit3A_839 = arith.constant 0x7F800000 : f32
    %broadcast_in_dim3A_840 = vector.broadcast %jit3A_839 : f32 to vector<8x1024xf32>
    %select_n3A_841 = arith.select %eq3A_838, %broadcast_in_dim3A_840, %select_n3A_825 : vector<8x1024xi1>, vector<8x1024xf32>
    %reduce_min3A_842 = arith.constant dense<0x7F800000> : vector<8xf32>
    %reduce_min3A_843 = vector.multi_reduction <minimumf>, %select_n3A_841, %reduce_min3A_842 [1] : vector<8x1024xf32> to vector<8xf32>
    %broadcast_in_dim3A_844 = vector.shape_cast %reduce_min3A_843 : vector<8xf32> to vector<8x1xf32>
    %eq3A_845 = vector.broadcast %broadcast_in_dim3A_844 : vector<8x1xf32> to vector<8x1024xf32>
    %eq3A_846 = arith.cmpf oeq, %select_n3A_841, %eq3A_845 : vector<8x1024xf32>
    %jit3A_847 = arith.constant 8192 : i32
    %broadcast_in_dim3A_848 = vector.broadcast %jit3A_847 : i32 to vector<8x1024xi32>
    %select_n3A_849 = arith.select %eq3A_846, %reshape3A_713, %broadcast_in_dim3A_848 : vector<8x1024xi1>, vector<8x1024xi32>
    %reduce_min3A_850 = arith.constant dense<2147483647> : vector<8xi32>
    %reduce_min3A_851 = vector.multi_reduction <minsi>, %select_n3A_849, %reduce_min3A_850 [1] : vector<8x1024xi32> to vector<8xi32>
    %broadcast_in_dim3A_852 = vector.shape_cast %reduce_min3A_851 : vector<8xi32> to vector<8x1xi32>
    %eq3A_853 = vector.broadcast %broadcast_in_dim3A_852 : vector<8x1xi32> to vector<8x1024xi32>
    %eq3A_854 = arith.cmpi eq, %reshape3A_713, %eq3A_853 : vector<8x1024xi32>
    %jit3A_855 = arith.constant 0x7F800000 : f32
    %broadcast_in_dim3A_856 = vector.broadcast %jit3A_855 : f32 to vector<8x1024xf32>
    %select_n3A_857 = arith.select %eq3A_854, %broadcast_in_dim3A_856, %select_n3A_841 : vector<8x1024xi1>, vector<8x1024xf32>
    %reduce_min3A_858 = arith.constant dense<0x7F800000> : vector<8xf32>
    %reduce_min3A_859 = vector.multi_reduction <minimumf>, %select_n3A_857, %reduce_min3A_858 [1] : vector<8x1024xf32> to vector<8xf32>
    %broadcast_in_dim3A_860 = vector.shape_cast %reduce_min3A_859 : vector<8xf32> to vector<8x1xf32>
    %eq3A_861 = vector.broadcast %broadcast_in_dim3A_860 : vector<8x1xf32> to vector<8x1024xf32>
    %eq3A_862 = arith.cmpf oeq, %select_n3A_857, %eq3A_861 : vector<8x1024xf32>
    %jit3A_863 = arith.constant 8192 : i32
    %broadcast_in_dim3A_864 = vector.broadcast %jit3A_863 : i32 to vector<8x1024xi32>
    %select_n3A_865 = arith.select %eq3A_862, %reshape3A_713, %broadcast_in_dim3A_864 : vector<8x1024xi1>, vector<8x1024xi32>
    %reduce_min3A_866 = arith.constant dense<2147483647> : vector<8xi32>
    %reduce_min3A_867 = vector.multi_reduction <minsi>, %select_n3A_865, %reduce_min3A_866 [1] : vector<8x1024xi32> to vector<8xi32>
    %broadcast_in_dim3A_868 = vector.shape_cast %reduce_min3A_867 : vector<8xi32> to vector<8x1xi32>
    %eq3A_869 = vector.broadcast %broadcast_in_dim3A_868 : vector<8x1xi32> to vector<8x1024xi32>
    %eq3A_870 = arith.cmpi eq, %reshape3A_713, %eq3A_869 : vector<8x1024xi32>
    %jit3A_871 = arith.constant 0x7F800000 : f32
    %broadcast_in_dim3A_872 = vector.broadcast %jit3A_871 : f32 to vector<8x1024xf32>
    %select_n3A_873 = arith.select %eq3A_870, %broadcast_in_dim3A_872, %select_n3A_857 : vector<8x1024xi1>, vector<8x1024xf32>
    %reduce_min3A_874 = arith.constant dense<0x7F800000> : vector<8xf32>
    %reduce_min3A_875 = vector.multi_reduction <minimumf>, %select_n3A_873, %reduce_min3A_874 [1] : vector<8x1024xf32> to vector<8xf32>
    %broadcast_in_dim3A_876 = vector.shape_cast %reduce_min3A_875 : vector<8xf32> to vector<8x1xf32>
    %eq3A_877 = vector.broadcast %broadcast_in_dim3A_876 : vector<8x1xf32> to vector<8x1024xf32>
    %eq3A_878 = arith.cmpf oeq, %select_n3A_873, %eq3A_877 : vector<8x1024xf32>
    %jit3A_879 = arith.constant 8192 : i32
    %broadcast_in_dim3A_880 = vector.broadcast %jit3A_879 : i32 to vector<8x1024xi32>
    %select_n3A_881 = arith.select %eq3A_878, %reshape3A_713, %broadcast_in_dim3A_880 : vector<8x1024xi1>, vector<8x1024xi32>
    %reduce_min3A_882 = arith.constant dense<2147483647> : vector<8xi32>
    %reduce_min3A_883 = vector.multi_reduction <minsi>, %select_n3A_881, %reduce_min3A_882 [1] : vector<8x1024xi32> to vector<8xi32>
    %broadcast_in_dim3A_884 = vector.shape_cast %reduce_min3A_883 : vector<8xi32> to vector<8x1xi32>
    %eq3A_885 = vector.broadcast %broadcast_in_dim3A_884 : vector<8x1xi32> to vector<8x1024xi32>
    %eq3A_886 = arith.cmpi eq, %reshape3A_713, %eq3A_885 : vector<8x1024xi32>
    %jit3A_887 = arith.constant 0x7F800000 : f32
    %broadcast_in_dim3A_888 = vector.broadcast %jit3A_887 : f32 to vector<8x1024xf32>
    %select_n3A_889 = arith.select %eq3A_886, %broadcast_in_dim3A_888, %select_n3A_873 : vector<8x1024xi1>, vector<8x1024xf32>
    %reduce_min3A_890 = arith.constant dense<0x7F800000> : vector<8xf32>
    %reduce_min3A_891 = vector.multi_reduction <minimumf>, %select_n3A_889, %reduce_min3A_890 [1] : vector<8x1024xf32> to vector<8xf32>
    %broadcast_in_dim3A_892 = vector.shape_cast %reduce_min3A_891 : vector<8xf32> to vector<8x1xf32>
    %eq3A_893 = vector.broadcast %broadcast_in_dim3A_892 : vector<8x1xf32> to vector<8x1024xf32>
    %eq3A_894 = arith.cmpf oeq, %select_n3A_889, %eq3A_893 : vector<8x1024xf32>
    %jit3A_895 = arith.constant 8192 : i32
    %broadcast_in_dim3A_896 = vector.broadcast %jit3A_895 : i32 to vector<8x1024xi32>
    %select_n3A_897 = arith.select %eq3A_894, %reshape3A_713, %broadcast_in_dim3A_896 : vector<8x1024xi1>, vector<8x1024xi32>
    %reduce_min3A_898 = arith.constant dense<2147483647> : vector<8xi32>
    %reduce_min3A_899 = vector.multi_reduction <minsi>, %select_n3A_897, %reduce_min3A_898 [1] : vector<8x1024xi32> to vector<8xi32>
    %broadcast_in_dim3A_900 = vector.shape_cast %reduce_min3A_899 : vector<8xi32> to vector<8x1xi32>
    %eq3A_901 = vector.broadcast %broadcast_in_dim3A_900 : vector<8x1xi32> to vector<8x1024xi32>
    %eq3A_902 = arith.cmpi eq, %reshape3A_713, %eq3A_901 : vector<8x1024xi32>
    %jit3A_903 = arith.constant 0x7F800000 : f32
    %broadcast_in_dim3A_904 = vector.broadcast %jit3A_903 : f32 to vector<8x1024xf32>
    %select_n3A_905 = arith.select %eq3A_902, %broadcast_in_dim3A_904, %select_n3A_889 : vector<8x1024xi1>, vector<8x1024xf32>
    %reduce_min3A_906 = arith.constant dense<0x7F800000> : vector<8xf32>
    %reduce_min3A_907 = vector.multi_reduction <minimumf>, %select_n3A_905, %reduce_min3A_906 [1] : vector<8x1024xf32> to vector<8xf32>
    %broadcast_in_dim3A_908 = vector.shape_cast %reduce_min3A_907 : vector<8xf32> to vector<8x1xf32>
    %eq3A_909 = vector.broadcast %broadcast_in_dim3A_908 : vector<8x1xf32> to vector<8x1024xf32>
    %eq3A_910 = arith.cmpf oeq, %select_n3A_905, %eq3A_909 : vector<8x1024xf32>
    %jit3A_911 = arith.constant 8192 : i32
    %broadcast_in_dim3A_912 = vector.broadcast %jit3A_911 : i32 to vector<8x1024xi32>
    %select_n3A_913 = arith.select %eq3A_910, %reshape3A_713, %broadcast_in_dim3A_912 : vector<8x1024xi1>, vector<8x1024xi32>
    %reduce_min3A_914 = arith.constant dense<2147483647> : vector<8xi32>
    %reduce_min3A_915 = vector.multi_reduction <minsi>, %select_n3A_913, %reduce_min3A_914 [1] : vector<8x1024xi32> to vector<8xi32>
    %broadcast_in_dim3A_916 = vector.shape_cast %reduce_min3A_915 : vector<8xi32> to vector<8x1xi32>
    %eq3A_917 = vector.broadcast %broadcast_in_dim3A_916 : vector<8x1xi32> to vector<8x1024xi32>
    %eq3A_918 = arith.cmpi eq, %reshape3A_713, %eq3A_917 : vector<8x1024xi32>
    %jit3A_919 = arith.constant 0x7F800000 : f32
    %broadcast_in_dim3A_920 = vector.broadcast %jit3A_919 : f32 to vector<8x1024xf32>
    %select_n3A_921 = arith.select %eq3A_918, %broadcast_in_dim3A_920, %select_n3A_905 : vector<8x1024xi1>, vector<8x1024xf32>
    %reduce_min3A_922 = arith.constant dense<0x7F800000> : vector<8xf32>
    %reduce_min3A_923 = vector.multi_reduction <minimumf>, %select_n3A_921, %reduce_min3A_922 [1] : vector<8x1024xf32> to vector<8xf32>
    %broadcast_in_dim3A_924 = vector.shape_cast %reduce_min3A_923 : vector<8xf32> to vector<8x1xf32>
    %eq3A_925 = vector.broadcast %broadcast_in_dim3A_924 : vector<8x1xf32> to vector<8x1024xf32>
    %eq3A_926 = arith.cmpf oeq, %select_n3A_921, %eq3A_925 : vector<8x1024xf32>
    %jit3A_927 = arith.constant 8192 : i32
    %broadcast_in_dim3A_928 = vector.broadcast %jit3A_927 : i32 to vector<8x1024xi32>
    %select_n3A_929 = arith.select %eq3A_926, %reshape3A_713, %broadcast_in_dim3A_928 : vector<8x1024xi1>, vector<8x1024xi32>
    %reduce_min3A_930 = arith.constant dense<2147483647> : vector<8xi32>
    %reduce_min3A_931 = vector.multi_reduction <minsi>, %select_n3A_929, %reduce_min3A_930 [1] : vector<8x1024xi32> to vector<8xi32>
    %broadcast_in_dim3A_932 = vector.shape_cast %reduce_min3A_931 : vector<8xi32> to vector<8x1xi32>
    %eq3A_933 = vector.broadcast %broadcast_in_dim3A_932 : vector<8x1xi32> to vector<8x1024xi32>
    %eq3A_934 = arith.cmpi eq, %reshape3A_713, %eq3A_933 : vector<8x1024xi32>
    %jit3A_935 = arith.constant 0x7F800000 : f32
    %broadcast_in_dim3A_936 = vector.broadcast %jit3A_935 : f32 to vector<8x1024xf32>
    %select_n3A_937 = arith.select %eq3A_934, %broadcast_in_dim3A_936, %select_n3A_921 : vector<8x1024xi1>, vector<8x1024xf32>
    %reduce_min3A_938 = arith.constant dense<0x7F800000> : vector<8xf32>
    %reduce_min3A_939 = vector.multi_reduction <minimumf>, %select_n3A_937, %reduce_min3A_938 [1] : vector<8x1024xf32> to vector<8xf32>
    %broadcast_in_dim3A_940 = vector.shape_cast %reduce_min3A_939 : vector<8xf32> to vector<8x1xf32>
    %eq3A_941 = vector.broadcast %broadcast_in_dim3A_940 : vector<8x1xf32> to vector<8x1024xf32>
    %eq3A_942 = arith.cmpf oeq, %select_n3A_937, %eq3A_941 : vector<8x1024xf32>
    %jit3A_943 = arith.constant 8192 : i32
    %broadcast_in_dim3A_944 = vector.broadcast %jit3A_943 : i32 to vector<8x1024xi32>
    %select_n3A_945 = arith.select %eq3A_942, %reshape3A_713, %broadcast_in_dim3A_944 : vector<8x1024xi1>, vector<8x1024xi32>
    %reduce_min3A_946 = arith.constant dense<2147483647> : vector<8xi32>
    %reduce_min3A_947 = vector.multi_reduction <minsi>, %select_n3A_945, %reduce_min3A_946 [1] : vector<8x1024xi32> to vector<8xi32>
    %broadcast_in_dim3A_948 = vector.shape_cast %reduce_min3A_947 : vector<8xi32> to vector<8x1xi32>
    %eq3A_949 = vector.broadcast %broadcast_in_dim3A_948 : vector<8x1xi32> to vector<8x1024xi32>
    %eq3A_950 = arith.cmpi eq, %reshape3A_713, %eq3A_949 : vector<8x1024xi32>
    %jit3A_951 = arith.constant 0x7F800000 : f32
    %broadcast_in_dim3A_952 = vector.broadcast %jit3A_951 : f32 to vector<8x1024xf32>
    %select_n3A_953 = arith.select %eq3A_950, %broadcast_in_dim3A_952, %select_n3A_937 : vector<8x1024xi1>, vector<8x1024xf32>
    %reduce_min3A_954 = arith.constant dense<0x7F800000> : vector<8xf32>
    %reduce_min3A_955 = vector.multi_reduction <minimumf>, %select_n3A_953, %reduce_min3A_954 [1] : vector<8x1024xf32> to vector<8xf32>
    %broadcast_in_dim3A_956 = vector.shape_cast %reduce_min3A_955 : vector<8xf32> to vector<8x1xf32>
    %eq3A_957 = vector.broadcast %broadcast_in_dim3A_956 : vector<8x1xf32> to vector<8x1024xf32>
    %eq3A_958 = arith.cmpf oeq, %select_n3A_953, %eq3A_957 : vector<8x1024xf32>
    %jit3A_959 = arith.constant 8192 : i32
    %broadcast_in_dim3A_960 = vector.broadcast %jit3A_959 : i32 to vector<8x1024xi32>
    %select_n3A_961 = arith.select %eq3A_958, %reshape3A_713, %broadcast_in_dim3A_960 : vector<8x1024xi1>, vector<8x1024xi32>
    %reduce_min3A_962 = arith.constant dense<2147483647> : vector<8xi32>
    %reduce_min3A_963 = vector.multi_reduction <minsi>, %select_n3A_961, %reduce_min3A_962 [1] : vector<8x1024xi32> to vector<8xi32>
    %broadcast_in_dim3A_964 = vector.shape_cast %reduce_min3A_963 : vector<8xi32> to vector<8x1xi32>
    %eq3A_965 = vector.broadcast %broadcast_in_dim3A_964 : vector<8x1xi32> to vector<8x1024xi32>
    %eq3A_966 = arith.cmpi eq, %reshape3A_713, %eq3A_965 : vector<8x1024xi32>
    %jit3A_967 = arith.constant 0x7F800000 : f32
    %broadcast_in_dim3A_968 = vector.broadcast %jit3A_967 : f32 to vector<8x1024xf32>
    %select_n3A_969 = arith.select %eq3A_966, %broadcast_in_dim3A_968, %select_n3A_953 : vector<8x1024xi1>, vector<8x1024xf32>
    %reduce_min3A_970 = arith.constant dense<0x7F800000> : vector<8xf32>
    %reduce_min3A_971 = vector.multi_reduction <minimumf>, %select_n3A_969, %reduce_min3A_970 [1] : vector<8x1024xf32> to vector<8xf32>
    %broadcast_in_dim3A_972 = vector.shape_cast %reduce_min3A_971 : vector<8xf32> to vector<8x1xf32>
    %eq3A_973 = vector.broadcast %broadcast_in_dim3A_972 : vector<8x1xf32> to vector<8x1024xf32>
    %eq3A_974 = arith.cmpf oeq, %select_n3A_969, %eq3A_973 : vector<8x1024xf32>
    %jit3A_975 = arith.constant 8192 : i32
    %broadcast_in_dim3A_976 = vector.broadcast %jit3A_975 : i32 to vector<8x1024xi32>
    %select_n3A_977 = arith.select %eq3A_974, %reshape3A_713, %broadcast_in_dim3A_976 : vector<8x1024xi1>, vector<8x1024xi32>
    %reduce_min3A_978 = arith.constant dense<2147483647> : vector<8xi32>
    %reduce_min3A_979 = vector.multi_reduction <minsi>, %select_n3A_977, %reduce_min3A_978 [1] : vector<8x1024xi32> to vector<8xi32>
    %broadcast_in_dim3A_980 = vector.shape_cast %reduce_min3A_979 : vector<8xi32> to vector<8x1xi32>
    %eq3A_981 = vector.broadcast %broadcast_in_dim3A_980 : vector<8x1xi32> to vector<8x1024xi32>
    %eq3A_982 = arith.cmpi eq, %reshape3A_713, %eq3A_981 : vector<8x1024xi32>
    %jit3A_983 = arith.constant 0x7F800000 : f32
    %broadcast_in_dim3A_984 = vector.broadcast %jit3A_983 : f32 to vector<8x1024xf32>
    %select_n3A_985 = arith.select %eq3A_982, %broadcast_in_dim3A_984, %select_n3A_969 : vector<8x1024xi1>, vector<8x1024xf32>
    %reduce_min3A_986 = arith.constant dense<0x7F800000> : vector<8xf32>
    %reduce_min3A_987 = vector.multi_reduction <minimumf>, %select_n3A_985, %reduce_min3A_986 [1] : vector<8x1024xf32> to vector<8xf32>
    %broadcast_in_dim3A_988 = vector.shape_cast %reduce_min3A_987 : vector<8xf32> to vector<8x1xf32>
    %eq3A_989 = vector.broadcast %broadcast_in_dim3A_988 : vector<8x1xf32> to vector<8x1024xf32>
    %eq3A_990 = arith.cmpf oeq, %select_n3A_985, %eq3A_989 : vector<8x1024xf32>
    %jit3A_991 = arith.constant 8192 : i32
    %broadcast_in_dim3A_992 = vector.broadcast %jit3A_991 : i32 to vector<8x1024xi32>
    %select_n3A_993 = arith.select %eq3A_990, %reshape3A_713, %broadcast_in_dim3A_992 : vector<8x1024xi1>, vector<8x1024xi32>
    %reduce_min3A_994 = arith.constant dense<2147483647> : vector<8xi32>
    %reduce_min3A_995 = vector.multi_reduction <minsi>, %select_n3A_993, %reduce_min3A_994 [1] : vector<8x1024xi32> to vector<8xi32>
    %broadcast_in_dim3A_996 = vector.shape_cast %reduce_min3A_995 : vector<8xi32> to vector<8x1xi32>
    %eq3A_997 = vector.broadcast %broadcast_in_dim3A_996 : vector<8x1xi32> to vector<8x1024xi32>
    %eq3A_998 = arith.cmpi eq, %reshape3A_713, %eq3A_997 : vector<8x1024xi32>
    %jit3A_999 = arith.constant 0x7F800000 : f32
    %broadcast_in_dim3A_1000 = vector.broadcast %jit3A_999 : f32 to vector<8x1024xf32>
    %select_n3A_1001 = arith.select %eq3A_998, %broadcast_in_dim3A_1000, %select_n3A_985 : vector<8x1024xi1>, vector<8x1024xf32>
    %reduce_min3A_1002 = arith.constant dense<0x7F800000> : vector<8xf32>
    %reduce_min3A_1003 = vector.multi_reduction <minimumf>, %select_n3A_1001, %reduce_min3A_1002 [1] : vector<8x1024xf32> to vector<8xf32>
    %broadcast_in_dim3A_1004 = vector.shape_cast %reduce_min3A_1003 : vector<8xf32> to vector<8x1xf32>
    %eq3A_1005 = vector.broadcast %broadcast_in_dim3A_1004 : vector<8x1xf32> to vector<8x1024xf32>
    %eq3A_1006 = arith.cmpf oeq, %select_n3A_1001, %eq3A_1005 : vector<8x1024xf32>
    %jit3A_1007 = arith.constant 8192 : i32
    %broadcast_in_dim3A_1008 = vector.broadcast %jit3A_1007 : i32 to vector<8x1024xi32>
    %select_n3A_1009 = arith.select %eq3A_1006, %reshape3A_713, %broadcast_in_dim3A_1008 : vector<8x1024xi1>, vector<8x1024xi32>
    %reduce_min3A_1010 = arith.constant dense<2147483647> : vector<8xi32>
    %reduce_min3A_1011 = vector.multi_reduction <minsi>, %select_n3A_1009, %reduce_min3A_1010 [1] : vector<8x1024xi32> to vector<8xi32>
    %broadcast_in_dim3A_1012 = vector.shape_cast %reduce_min3A_1011 : vector<8xi32> to vector<8x1xi32>
    %eq3A_1013 = vector.broadcast %broadcast_in_dim3A_1012 : vector<8x1xi32> to vector<8x1024xi32>
    %eq3A_1014 = arith.cmpi eq, %reshape3A_713, %eq3A_1013 : vector<8x1024xi32>
    %jit3A_1015 = arith.constant 0x7F800000 : f32
    %broadcast_in_dim3A_1016 = vector.broadcast %jit3A_1015 : f32 to vector<8x1024xf32>
    %select_n3A_1017 = arith.select %eq3A_1014, %broadcast_in_dim3A_1016, %select_n3A_1001 : vector<8x1024xi1>, vector<8x1024xf32>
    %reduce_min3A_1018 = arith.constant dense<0x7F800000> : vector<8xf32>
    %reduce_min3A_1019 = vector.multi_reduction <minimumf>, %select_n3A_1017, %reduce_min3A_1018 [1] : vector<8x1024xf32> to vector<8xf32>
    %broadcast_in_dim3A_1020 = vector.shape_cast %reduce_min3A_1019 : vector<8xf32> to vector<8x1xf32>
    %eq3A_1021 = vector.broadcast %broadcast_in_dim3A_1020 : vector<8x1xf32> to vector<8x1024xf32>
    %eq3A_1022 = arith.cmpf oeq, %select_n3A_1017, %eq3A_1021 : vector<8x1024xf32>
    %jit3A_1023 = arith.constant 8192 : i32
    %broadcast_in_dim3A_1024 = vector.broadcast %jit3A_1023 : i32 to vector<8x1024xi32>
    %select_n3A_1025 = arith.select %eq3A_1022, %reshape3A_713, %broadcast_in_dim3A_1024 : vector<8x1024xi1>, vector<8x1024xi32>
    %reduce_min3A_1026 = arith.constant dense<2147483647> : vector<8xi32>
    %reduce_min3A_1027 = vector.multi_reduction <minsi>, %select_n3A_1025, %reduce_min3A_1026 [1] : vector<8x1024xi32> to vector<8xi32>
    %broadcast_in_dim3A_1028 = vector.shape_cast %reduce_min3A_1027 : vector<8xi32> to vector<8x1xi32>
    %eq3A_1029 = vector.broadcast %broadcast_in_dim3A_1028 : vector<8x1xi32> to vector<8x1024xi32>
    %eq3A_1030 = arith.cmpi eq, %reshape3A_713, %eq3A_1029 : vector<8x1024xi32>
    %jit3A_1031 = arith.constant 0x7F800000 : f32
    %broadcast_in_dim3A_1032 = vector.broadcast %jit3A_1031 : f32 to vector<8x1024xf32>
    %select_n3A_1033 = arith.select %eq3A_1030, %broadcast_in_dim3A_1032, %select_n3A_1017 : vector<8x1024xi1>, vector<8x1024xf32>
    %reduce_min3A_1034 = arith.constant dense<0x7F800000> : vector<8xf32>
    %reduce_min3A_1035 = vector.multi_reduction <minimumf>, %select_n3A_1033, %reduce_min3A_1034 [1] : vector<8x1024xf32> to vector<8xf32>
    %broadcast_in_dim3A_1036 = vector.shape_cast %reduce_min3A_1035 : vector<8xf32> to vector<8x1xf32>
    %eq3A_1037 = vector.broadcast %broadcast_in_dim3A_1036 : vector<8x1xf32> to vector<8x1024xf32>
    %eq3A_1038 = arith.cmpf oeq, %select_n3A_1033, %eq3A_1037 : vector<8x1024xf32>
    %jit3A_1039 = arith.constant 8192 : i32
    %broadcast_in_dim3A_1040 = vector.broadcast %jit3A_1039 : i32 to vector<8x1024xi32>
    %select_n3A_1041 = arith.select %eq3A_1038, %reshape3A_713, %broadcast_in_dim3A_1040 : vector<8x1024xi1>, vector<8x1024xi32>
    %reduce_min3A_1042 = arith.constant dense<2147483647> : vector<8xi32>
    %reduce_min3A_1043 = vector.multi_reduction <minsi>, %select_n3A_1041, %reduce_min3A_1042 [1] : vector<8x1024xi32> to vector<8xi32>
    %broadcast_in_dim3A_1044 = vector.shape_cast %reduce_min3A_1043 : vector<8xi32> to vector<8x1xi32>
    %eq3A_1045 = vector.broadcast %broadcast_in_dim3A_1044 : vector<8x1xi32> to vector<8x1024xi32>
    %eq3A_1046 = arith.cmpi eq, %reshape3A_713, %eq3A_1045 : vector<8x1024xi32>
    %jit3A_1047 = arith.constant 0x7F800000 : f32
    %broadcast_in_dim3A_1048 = vector.broadcast %jit3A_1047 : f32 to vector<8x1024xf32>
    %select_n3A_1049 = arith.select %eq3A_1046, %broadcast_in_dim3A_1048, %select_n3A_1033 : vector<8x1024xi1>, vector<8x1024xf32>
    %reduce_min3A_1050 = arith.constant dense<0x7F800000> : vector<8xf32>
    %reduce_min3A_1051 = vector.multi_reduction <minimumf>, %select_n3A_1049, %reduce_min3A_1050 [1] : vector<8x1024xf32> to vector<8xf32>
    %broadcast_in_dim3A_1052 = vector.shape_cast %reduce_min3A_1051 : vector<8xf32> to vector<8x1xf32>
    %eq3A_1053 = vector.broadcast %broadcast_in_dim3A_1052 : vector<8x1xf32> to vector<8x1024xf32>
    %eq3A_1054 = arith.cmpf oeq, %select_n3A_1049, %eq3A_1053 : vector<8x1024xf32>
    %jit3A_1055 = arith.constant 8192 : i32
    %broadcast_in_dim3A_1056 = vector.broadcast %jit3A_1055 : i32 to vector<8x1024xi32>
    %select_n3A_1057 = arith.select %eq3A_1054, %reshape3A_713, %broadcast_in_dim3A_1056 : vector<8x1024xi1>, vector<8x1024xi32>
    %reduce_min3A_1058 = arith.constant dense<2147483647> : vector<8xi32>
    %reduce_min3A_1059 = vector.multi_reduction <minsi>, %select_n3A_1057, %reduce_min3A_1058 [1] : vector<8x1024xi32> to vector<8xi32>
    %broadcast_in_dim3A_1060 = vector.shape_cast %reduce_min3A_1059 : vector<8xi32> to vector<8x1xi32>
    %eq3A_1061 = vector.broadcast %broadcast_in_dim3A_1060 : vector<8x1xi32> to vector<8x1024xi32>
    %eq3A_1062 = arith.cmpi eq, %reshape3A_713, %eq3A_1061 : vector<8x1024xi32>
    %jit3A_1063 = arith.constant 0x7F800000 : f32
    %broadcast_in_dim3A_1064 = vector.broadcast %jit3A_1063 : f32 to vector<8x1024xf32>
    %select_n3A_1065 = arith.select %eq3A_1062, %broadcast_in_dim3A_1064, %select_n3A_1049 : vector<8x1024xi1>, vector<8x1024xf32>
    %reduce_min3A_1066 = arith.constant dense<0x7F800000> : vector<8xf32>
    %reduce_min3A_1067 = vector.multi_reduction <minimumf>, %select_n3A_1065, %reduce_min3A_1066 [1] : vector<8x1024xf32> to vector<8xf32>
    %broadcast_in_dim3A_1068 = vector.shape_cast %reduce_min3A_1067 : vector<8xf32> to vector<8x1xf32>
    %eq3A_1069 = vector.broadcast %broadcast_in_dim3A_1068 : vector<8x1xf32> to vector<8x1024xf32>
    %eq3A_1070 = arith.cmpf oeq, %select_n3A_1065, %eq3A_1069 : vector<8x1024xf32>
    %jit3A_1071 = arith.constant 8192 : i32
    %broadcast_in_dim3A_1072 = vector.broadcast %jit3A_1071 : i32 to vector<8x1024xi32>
    %select_n3A_1073 = arith.select %eq3A_1070, %reshape3A_713, %broadcast_in_dim3A_1072 : vector<8x1024xi1>, vector<8x1024xi32>
    %reduce_min3A_1074 = arith.constant dense<2147483647> : vector<8xi32>
    %reduce_min3A_1075 = vector.multi_reduction <minsi>, %select_n3A_1073, %reduce_min3A_1074 [1] : vector<8x1024xi32> to vector<8xi32>
    %broadcast_in_dim3A_1076 = vector.shape_cast %reduce_min3A_1075 : vector<8xi32> to vector<8x1xi32>
    %eq3A_1077 = vector.broadcast %broadcast_in_dim3A_1076 : vector<8x1xi32> to vector<8x1024xi32>
    %eq3A_1078 = arith.cmpi eq, %reshape3A_713, %eq3A_1077 : vector<8x1024xi32>
    %jit3A_1079 = arith.constant 0x7F800000 : f32
    %broadcast_in_dim3A_1080 = vector.broadcast %jit3A_1079 : f32 to vector<8x1024xf32>
    %select_n3A_1081 = arith.select %eq3A_1078, %broadcast_in_dim3A_1080, %select_n3A_1065 : vector<8x1024xi1>, vector<8x1024xf32>
    %reduce_min3A_1082 = arith.constant dense<0x7F800000> : vector<8xf32>
    %reduce_min3A_1083 = vector.multi_reduction <minimumf>, %select_n3A_1081, %reduce_min3A_1082 [1] : vector<8x1024xf32> to vector<8xf32>
    %broadcast_in_dim3A_1084 = vector.shape_cast %reduce_min3A_1083 : vector<8xf32> to vector<8x1xf32>
    %eq3A_1085 = vector.broadcast %broadcast_in_dim3A_1084 : vector<8x1xf32> to vector<8x1024xf32>
    %eq3A_1086 = arith.cmpf oeq, %select_n3A_1081, %eq3A_1085 : vector<8x1024xf32>
    %jit3A_1087 = arith.constant 8192 : i32
    %broadcast_in_dim3A_1088 = vector.broadcast %jit3A_1087 : i32 to vector<8x1024xi32>
    %select_n3A_1089 = arith.select %eq3A_1086, %reshape3A_713, %broadcast_in_dim3A_1088 : vector<8x1024xi1>, vector<8x1024xi32>
    %reduce_min3A_1090 = arith.constant dense<2147483647> : vector<8xi32>
    %reduce_min3A_1091 = vector.multi_reduction <minsi>, %select_n3A_1089, %reduce_min3A_1090 [1] : vector<8x1024xi32> to vector<8xi32>
    %broadcast_in_dim3A_1092 = vector.shape_cast %reduce_min3A_1091 : vector<8xi32> to vector<8x1xi32>
    %eq3A_1093 = vector.broadcast %broadcast_in_dim3A_1092 : vector<8x1xi32> to vector<8x1024xi32>
    %eq3A_1094 = arith.cmpi eq, %reshape3A_713, %eq3A_1093 : vector<8x1024xi32>
    %jit3A_1095 = arith.constant 0x7F800000 : f32
    %broadcast_in_dim3A_1096 = vector.broadcast %jit3A_1095 : f32 to vector<8x1024xf32>
    %select_n3A_1097 = arith.select %eq3A_1094, %broadcast_in_dim3A_1096, %select_n3A_1081 : vector<8x1024xi1>, vector<8x1024xf32>
    %reduce_min3A_1098 = arith.constant dense<0x7F800000> : vector<8xf32>
    %reduce_min3A_1099 = vector.multi_reduction <minimumf>, %select_n3A_1097, %reduce_min3A_1098 [1] : vector<8x1024xf32> to vector<8xf32>
    %broadcast_in_dim3A_1100 = vector.shape_cast %reduce_min3A_1099 : vector<8xf32> to vector<8x1xf32>
    %eq3A_1101 = vector.broadcast %broadcast_in_dim3A_1100 : vector<8x1xf32> to vector<8x1024xf32>
    %eq3A_1102 = arith.cmpf oeq, %select_n3A_1097, %eq3A_1101 : vector<8x1024xf32>
    %jit3A_1103 = arith.constant 8192 : i32
    %broadcast_in_dim3A_1104 = vector.broadcast %jit3A_1103 : i32 to vector<8x1024xi32>
    %select_n3A_1105 = arith.select %eq3A_1102, %reshape3A_713, %broadcast_in_dim3A_1104 : vector<8x1024xi1>, vector<8x1024xi32>
    %reduce_min3A_1106 = arith.constant dense<2147483647> : vector<8xi32>
    %reduce_min3A_1107 = vector.multi_reduction <minsi>, %select_n3A_1105, %reduce_min3A_1106 [1] : vector<8x1024xi32> to vector<8xi32>
    %broadcast_in_dim3A_1108 = vector.shape_cast %reduce_min3A_1107 : vector<8xi32> to vector<8x1xi32>
    %eq3A_1109 = vector.broadcast %broadcast_in_dim3A_1108 : vector<8x1xi32> to vector<8x1024xi32>
    %eq3A_1110 = arith.cmpi eq, %reshape3A_713, %eq3A_1109 : vector<8x1024xi32>
    %jit3A_1111 = arith.constant 0x7F800000 : f32
    %broadcast_in_dim3A_1112 = vector.broadcast %jit3A_1111 : f32 to vector<8x1024xf32>
    %select_n3A_1113 = arith.select %eq3A_1110, %broadcast_in_dim3A_1112, %select_n3A_1097 : vector<8x1024xi1>, vector<8x1024xf32>
    %reduce_min3A_1114 = arith.constant dense<0x7F800000> : vector<8xf32>
    %reduce_min3A_1115 = vector.multi_reduction <minimumf>, %select_n3A_1113, %reduce_min3A_1114 [1] : vector<8x1024xf32> to vector<8xf32>
    %broadcast_in_dim3A_1116 = vector.shape_cast %reduce_min3A_1115 : vector<8xf32> to vector<8x1xf32>
    %eq3A_1117 = vector.broadcast %broadcast_in_dim3A_1116 : vector<8x1xf32> to vector<8x1024xf32>
    %eq3A_1118 = arith.cmpf oeq, %select_n3A_1113, %eq3A_1117 : vector<8x1024xf32>
    %jit3A_1119 = arith.constant 8192 : i32
    %broadcast_in_dim3A_1120 = vector.broadcast %jit3A_1119 : i32 to vector<8x1024xi32>
    %select_n3A_1121 = arith.select %eq3A_1118, %reshape3A_713, %broadcast_in_dim3A_1120 : vector<8x1024xi1>, vector<8x1024xi32>
    %reduce_min3A_1122 = arith.constant dense<2147483647> : vector<8xi32>
    %reduce_min3A_1123 = vector.multi_reduction <minsi>, %select_n3A_1121, %reduce_min3A_1122 [1] : vector<8x1024xi32> to vector<8xi32>
    %broadcast_in_dim3A_1124 = vector.shape_cast %reduce_min3A_1123 : vector<8xi32> to vector<8x1xi32>
    %eq3A_1125 = vector.broadcast %broadcast_in_dim3A_1124 : vector<8x1xi32> to vector<8x1024xi32>
    %eq3A_1126 = arith.cmpi eq, %reshape3A_713, %eq3A_1125 : vector<8x1024xi32>
    %jit3A_1127 = arith.constant 0x7F800000 : f32
    %broadcast_in_dim3A_1128 = vector.broadcast %jit3A_1127 : f32 to vector<8x1024xf32>
    %select_n3A_1129 = arith.select %eq3A_1126, %broadcast_in_dim3A_1128, %select_n3A_1113 : vector<8x1024xi1>, vector<8x1024xf32>
    %reduce_min3A_1130 = arith.constant dense<0x7F800000> : vector<8xf32>
    %reduce_min3A_1131 = vector.multi_reduction <minimumf>, %select_n3A_1129, %reduce_min3A_1130 [1] : vector<8x1024xf32> to vector<8xf32>
    %broadcast_in_dim3A_1132 = vector.shape_cast %reduce_min3A_1131 : vector<8xf32> to vector<8x1xf32>
    %eq3A_1133 = vector.broadcast %broadcast_in_dim3A_1132 : vector<8x1xf32> to vector<8x1024xf32>
    %eq3A_1134 = arith.cmpf oeq, %select_n3A_1129, %eq3A_1133 : vector<8x1024xf32>
    %jit3A_1135 = arith.constant 8192 : i32
    %broadcast_in_dim3A_1136 = vector.broadcast %jit3A_1135 : i32 to vector<8x1024xi32>
    %select_n3A_1137 = arith.select %eq3A_1134, %reshape3A_713, %broadcast_in_dim3A_1136 : vector<8x1024xi1>, vector<8x1024xi32>
    %reduce_min3A_1138 = arith.constant dense<2147483647> : vector<8xi32>
    %reduce_min3A_1139 = vector.multi_reduction <minsi>, %select_n3A_1137, %reduce_min3A_1138 [1] : vector<8x1024xi32> to vector<8xi32>
    %broadcast_in_dim3A_1140 = vector.shape_cast %reduce_min3A_1139 : vector<8xi32> to vector<8x1xi32>
    %eq3A_1141 = vector.broadcast %broadcast_in_dim3A_1140 : vector<8x1xi32> to vector<8x1024xi32>
    %eq3A_1142 = arith.cmpi eq, %reshape3A_713, %eq3A_1141 : vector<8x1024xi32>
    %jit3A_1143 = arith.constant 0x7F800000 : f32
    %broadcast_in_dim3A_1144 = vector.broadcast %jit3A_1143 : f32 to vector<8x1024xf32>
    %select_n3A_1145 = arith.select %eq3A_1142, %broadcast_in_dim3A_1144, %select_n3A_1129 : vector<8x1024xi1>, vector<8x1024xf32>
    %reduce_min3A_1146 = arith.constant dense<0x7F800000> : vector<8xf32>
    %reduce_min3A_1147 = vector.multi_reduction <minimumf>, %select_n3A_1145, %reduce_min3A_1146 [1] : vector<8x1024xf32> to vector<8xf32>
    %broadcast_in_dim3A_1148 = vector.shape_cast %reduce_min3A_1147 : vector<8xf32> to vector<8x1xf32>
    %eq3A_1149 = vector.broadcast %broadcast_in_dim3A_1148 : vector<8x1xf32> to vector<8x1024xf32>
    %eq3A_1150 = arith.cmpf oeq, %select_n3A_1145, %eq3A_1149 : vector<8x1024xf32>
    %jit3A_1151 = arith.constant 8192 : i32
    %broadcast_in_dim3A_1152 = vector.broadcast %jit3A_1151 : i32 to vector<8x1024xi32>
    %select_n3A_1153 = arith.select %eq3A_1150, %reshape3A_713, %broadcast_in_dim3A_1152 : vector<8x1024xi1>, vector<8x1024xi32>
    %reduce_min3A_1154 = arith.constant dense<2147483647> : vector<8xi32>
    %reduce_min3A_1155 = vector.multi_reduction <minsi>, %select_n3A_1153, %reduce_min3A_1154 [1] : vector<8x1024xi32> to vector<8xi32>
    %broadcast_in_dim3A_1156 = vector.shape_cast %reduce_min3A_1155 : vector<8xi32> to vector<8x1xi32>
    %eq3A_1157 = vector.broadcast %broadcast_in_dim3A_1156 : vector<8x1xi32> to vector<8x1024xi32>
    %eq3A_1158 = arith.cmpi eq, %reshape3A_713, %eq3A_1157 : vector<8x1024xi32>
    %jit3A_1159 = arith.constant 0x7F800000 : f32
    %broadcast_in_dim3A_1160 = vector.broadcast %jit3A_1159 : f32 to vector<8x1024xf32>
    %select_n3A_1161 = arith.select %eq3A_1158, %broadcast_in_dim3A_1160, %select_n3A_1145 : vector<8x1024xi1>, vector<8x1024xf32>
    %reduce_min3A_1162 = arith.constant dense<0x7F800000> : vector<8xf32>
    %reduce_min3A_1163 = vector.multi_reduction <minimumf>, %select_n3A_1161, %reduce_min3A_1162 [1] : vector<8x1024xf32> to vector<8xf32>
    %broadcast_in_dim3A_1164 = vector.shape_cast %reduce_min3A_1163 : vector<8xf32> to vector<8x1xf32>
    %eq3A_1165 = vector.broadcast %broadcast_in_dim3A_1164 : vector<8x1xf32> to vector<8x1024xf32>
    %eq3A_1166 = arith.cmpf oeq, %select_n3A_1161, %eq3A_1165 : vector<8x1024xf32>
    %jit3A_1167 = arith.constant 8192 : i32
    %broadcast_in_dim3A_1168 = vector.broadcast %jit3A_1167 : i32 to vector<8x1024xi32>
    %select_n3A_1169 = arith.select %eq3A_1166, %reshape3A_713, %broadcast_in_dim3A_1168 : vector<8x1024xi1>, vector<8x1024xi32>
    %reduce_min3A_1170 = arith.constant dense<2147483647> : vector<8xi32>
    %reduce_min3A_1171 = vector.multi_reduction <minsi>, %select_n3A_1169, %reduce_min3A_1170 [1] : vector<8x1024xi32> to vector<8xi32>
    %broadcast_in_dim3A_1172 = vector.shape_cast %reduce_min3A_1171 : vector<8xi32> to vector<8x1xi32>
    %eq3A_1173 = vector.broadcast %broadcast_in_dim3A_1172 : vector<8x1xi32> to vector<8x1024xi32>
    %eq3A_1174 = arith.cmpi eq, %reshape3A_713, %eq3A_1173 : vector<8x1024xi32>
    %jit3A_1175 = arith.constant 0x7F800000 : f32
    %broadcast_in_dim3A_1176 = vector.broadcast %jit3A_1175 : f32 to vector<8x1024xf32>
    %select_n3A_1177 = arith.select %eq3A_1174, %broadcast_in_dim3A_1176, %select_n3A_1161 : vector<8x1024xi1>, vector<8x1024xf32>
    %reduce_min3A_1178 = arith.constant dense<0x7F800000> : vector<8xf32>
    %reduce_min3A_1179 = vector.multi_reduction <minimumf>, %select_n3A_1177, %reduce_min3A_1178 [1] : vector<8x1024xf32> to vector<8xf32>
    %broadcast_in_dim3A_1180 = vector.shape_cast %reduce_min3A_1179 : vector<8xf32> to vector<8x1xf32>
    %eq3A_1181 = vector.broadcast %broadcast_in_dim3A_1180 : vector<8x1xf32> to vector<8x1024xf32>
    %eq3A_1182 = arith.cmpf oeq, %select_n3A_1177, %eq3A_1181 : vector<8x1024xf32>
    %jit3A_1183 = arith.constant 8192 : i32
    %broadcast_in_dim3A_1184 = vector.broadcast %jit3A_1183 : i32 to vector<8x1024xi32>
    %select_n3A_1185 = arith.select %eq3A_1182, %reshape3A_713, %broadcast_in_dim3A_1184 : vector<8x1024xi1>, vector<8x1024xi32>
    %reduce_min3A_1186 = arith.constant dense<2147483647> : vector<8xi32>
    %reduce_min3A_1187 = vector.multi_reduction <minsi>, %select_n3A_1185, %reduce_min3A_1186 [1] : vector<8x1024xi32> to vector<8xi32>
    %broadcast_in_dim3A_1188 = vector.shape_cast %reduce_min3A_1187 : vector<8xi32> to vector<8x1xi32>
    %eq3A_1189 = vector.broadcast %broadcast_in_dim3A_1188 : vector<8x1xi32> to vector<8x1024xi32>
    %eq3A_1190 = arith.cmpi eq, %reshape3A_713, %eq3A_1189 : vector<8x1024xi32>
    %jit3A_1191 = arith.constant 0x7F800000 : f32
    %broadcast_in_dim3A_1192 = vector.broadcast %jit3A_1191 : f32 to vector<8x1024xf32>
    %select_n3A_1193 = arith.select %eq3A_1190, %broadcast_in_dim3A_1192, %select_n3A_1177 : vector<8x1024xi1>, vector<8x1024xf32>
    %reduce_min3A_1194 = arith.constant dense<0x7F800000> : vector<8xf32>
    %reduce_min3A_1195 = vector.multi_reduction <minimumf>, %select_n3A_1193, %reduce_min3A_1194 [1] : vector<8x1024xf32> to vector<8xf32>
    %broadcast_in_dim3A_1196 = vector.shape_cast %reduce_min3A_1195 : vector<8xf32> to vector<8x1xf32>
    %eq3A_1197 = vector.broadcast %broadcast_in_dim3A_1196 : vector<8x1xf32> to vector<8x1024xf32>
    %eq3A_1198 = arith.cmpf oeq, %select_n3A_1193, %eq3A_1197 : vector<8x1024xf32>
    %jit3A_1199 = arith.constant 8192 : i32
    %broadcast_in_dim3A_1200 = vector.broadcast %jit3A_1199 : i32 to vector<8x1024xi32>
    %select_n3A_1201 = arith.select %eq3A_1198, %reshape3A_713, %broadcast_in_dim3A_1200 : vector<8x1024xi1>, vector<8x1024xi32>
    %reduce_min3A_1202 = arith.constant dense<2147483647> : vector<8xi32>
    %reduce_min3A_1203 = vector.multi_reduction <minsi>, %select_n3A_1201, %reduce_min3A_1202 [1] : vector<8x1024xi32> to vector<8xi32>
    %broadcast_in_dim3A_1204 = vector.shape_cast %reduce_min3A_1203 : vector<8xi32> to vector<8x1xi32>
    %eq3A_1205 = vector.broadcast %broadcast_in_dim3A_1204 : vector<8x1xi32> to vector<8x1024xi32>
    %eq3A_1206 = arith.cmpi eq, %reshape3A_713, %eq3A_1205 : vector<8x1024xi32>
    %jit3A_1207 = arith.constant 0x7F800000 : f32
    %broadcast_in_dim3A_1208 = vector.broadcast %jit3A_1207 : f32 to vector<8x1024xf32>
    %select_n3A_1209 = arith.select %eq3A_1206, %broadcast_in_dim3A_1208, %select_n3A_1193 : vector<8x1024xi1>, vector<8x1024xf32>
    %reduce_min3A_1210 = arith.constant dense<0x7F800000> : vector<8xf32>
    %reduce_min3A_1211 = vector.multi_reduction <minimumf>, %select_n3A_1209, %reduce_min3A_1210 [1] : vector<8x1024xf32> to vector<8xf32>
    %broadcast_in_dim3A_1212 = vector.shape_cast %reduce_min3A_1211 : vector<8xf32> to vector<8x1xf32>
    %eq3A_1213 = vector.broadcast %broadcast_in_dim3A_1212 : vector<8x1xf32> to vector<8x1024xf32>
    %eq3A_1214 = arith.cmpf oeq, %select_n3A_1209, %eq3A_1213 : vector<8x1024xf32>
    %jit3A_1215 = arith.constant 8192 : i32
    %broadcast_in_dim3A_1216 = vector.broadcast %jit3A_1215 : i32 to vector<8x1024xi32>
    %select_n3A_1217 = arith.select %eq3A_1214, %reshape3A_713, %broadcast_in_dim3A_1216 : vector<8x1024xi1>, vector<8x1024xi32>
    %reduce_min3A_1218 = arith.constant dense<2147483647> : vector<8xi32>
    %reduce_min3A_1219 = vector.multi_reduction <minsi>, %select_n3A_1217, %reduce_min3A_1218 [1] : vector<8x1024xi32> to vector<8xi32>
    %broadcast_in_dim3A_1220 = vector.shape_cast %reduce_min3A_1219 : vector<8xi32> to vector<8x1xi32>
    %concatenate3A_1221 = tpu.concatenate %broadcast_in_dim3A_716, %broadcast_in_dim3A_732, %broadcast_in_dim3A_748, %broadcast_in_dim3A_764, %broadcast_in_dim3A_780, %broadcast_in_dim3A_796, %broadcast_in_dim3A_812, %broadcast_in_dim3A_828, %broadcast_in_dim3A_844, %broadcast_in_dim3A_860, %broadcast_in_dim3A_876, %broadcast_in_dim3A_892, %broadcast_in_dim3A_908, %broadcast_in_dim3A_924, %broadcast_in_dim3A_940, %broadcast_in_dim3A_956, %broadcast_in_dim3A_972, %broadcast_in_dim3A_988, %broadcast_in_dim3A_1004, %broadcast_in_dim3A_1020, %broadcast_in_dim3A_1036, %broadcast_in_dim3A_1052, %broadcast_in_dim3A_1068, %broadcast_in_dim3A_1084, %broadcast_in_dim3A_1100, %broadcast_in_dim3A_1116, %broadcast_in_dim3A_1132, %broadcast_in_dim3A_1148, %broadcast_in_dim3A_1164, %broadcast_in_dim3A_1180, %broadcast_in_dim3A_1196, %broadcast_in_dim3A_1212 in 1 : vector<8x1xf32>, vector<8x1xf32>, vector<8x1xf32>, vector<8x1xf32>, vector<8x1xf32>, vector<8x1xf32>, vector<8x1xf32>, vector<8x1xf32>, vector<8x1xf32>, vector<8x1xf32>, vector<8x1xf32>, vector<8x1xf32>, vector<8x1xf32>, vector<8x1xf32>, vector<8x1xf32>, vector<8x1xf32>, vector<8x1xf32>, vector<8x1xf32>, vector<8x1xf32>, vector<8x1xf32>, vector<8x1xf32>, vector<8x1xf32>, vector<8x1xf32>, vector<8x1xf32>, vector<8x1xf32>, vector<8x1xf32>, vector<8x1xf32>, vector<8x1xf32>, vector<8x1xf32>, vector<8x1xf32>, vector<8x1xf32>, vector<8x1xf32> -> vector<8x32xf32>
    %concatenate3A_1222 = tpu.concatenate %broadcast_in_dim3A_724, %broadcast_in_dim3A_740, %broadcast_in_dim3A_756, %broadcast_in_dim3A_772, %broadcast_in_dim3A_788, %broadcast_in_dim3A_804, %broadcast_in_dim3A_820, %broadcast_in_dim3A_836, %broadcast_in_dim3A_852, %broadcast_in_dim3A_868, %broadcast_in_dim3A_884, %broadcast_in_dim3A_900, %broadcast_in_dim3A_916, %broadcast_in_dim3A_932, %broadcast_in_dim3A_948, %broadcast_in_dim3A_964, %broadcast_in_dim3A_980, %broadcast_in_dim3A_996, %broadcast_in_dim3A_1012, %broadcast_in_dim3A_1028, %broadcast_in_dim3A_1044, %broadcast_in_dim3A_1060, %broadcast_in_dim3A_1076, %broadcast_in_dim3A_1092, %broadcast_in_dim3A_1108, %broadcast_in_dim3A_1124, %broadcast_in_dim3A_1140, %broadcast_in_dim3A_1156, %broadcast_in_dim3A_1172, %broadcast_in_dim3A_1188, %broadcast_in_dim3A_1204, %broadcast_in_dim3A_1220 in 1 : vector<8x1xi32>, vector<8x1xi32>, vector<8x1xi32>, vector<8x1xi32>, vector<8x1xi32>, vector<8x1xi32>, vector<8x1xi32>, vector<8x1xi32>, vector<8x1xi32>, vector<8x1xi32>, vector<8x1xi32>, vector<8x1xi32>, vector<8x1xi32>, vector<8x1xi32>, vector<8x1xi32>, vector<8x1xi32>, vector<8x1xi32>, vector<8x1xi32>, vector<8x1xi32>, vector<8x1xi32>, vector<8x1xi32>, vector<8x1xi32>, vector<8x1xi32>, vector<8x1xi32>, vector<8x1xi32>, vector<8x1xi32>, vector<8x1xi32>, vector<8x1xi32>, vector<8x1xi32>, vector<8x1xi32>, vector<8x1xi32>, vector<8x1xi32> -> vector<8x32xi32>
    %gt3A = arith.constant 4.000000e-02 : f32
    %gt3A_1223 = vector.broadcast %gt3A : f32 to vector<8x32xf32>
    %gt3A_1224 = arith.cmpf ogt, %concatenate3A_1221, %gt3A_1223 : vector<8x32xf32>
    %slice3A_1225 = vector.extract_strided_slice %concatenate3A_1222 {offsets = [0, 0], sizes = [8, 1], strides = [1, 1]} : vector<8x32xi32> to vector<8x1xi32>
    %broadcast_in_dim3A_1226 = vector.shape_cast %slice3A_1225 : vector<8x1xi32> to vector<8x1xi32>
    %broadcast_in_dim3A_1227 = vector.broadcast %broadcast_in_dim3A_1226 : vector<8x1xi32> to vector<8x32xi32>
    %select_n3A_1228 = arith.select %gt3A_1224, %broadcast_in_dim3A_1227, %concatenate3A_1222 : vector<8x32xi1>, vector<8x32xi32>
    %swap3A = arith.constant 0 : index
    %swap3A_1229 = arith.constant 0 : index
    %swap3A_1230 = arith.constant 0 : index
    %swap3A_1231 = arith.constant 0 : index
    %swap3A_1232 = vector.load %arg8[%swap3A, %swap3A_1229, %swap3A_1230, %swap3A_1231] : memref<1x1x8x32xi32, #tpu.memory_space<vmem>>, vector<1x1x8x32xi32>
    %swap3A_1233 = vector.shape_cast %swap3A_1232 : vector<1x1x8x32xi32> to vector<8x32xi32>
    %swap3A_1234 = vector.shape_cast %select_n3A_1228 : vector<8x32xi32> to vector<1x1x8x32xi32>
    tpu.vector_store %arg8[%swap3A, %swap3A_1229, %swap3A_1230, %swap3A_1231], %swap3A_1234 {strides = array<i32>} : memref<1x1x8x32xi32, #tpu.memory_space<vmem>>, vector<1x1x8x32xi32>,
    return
  }
  func.func @transform_0(%arg0: i32, %arg1: i32) -> (i32, i32, i32) {
    %c0_i32 = arith.constant 0 : i32
    %c0_i32_0 = arith.constant 0 : i32
    %c0_i32_1 = arith.constant 0 : i32
    return %arg0, %c0_i32, %c0_i32_0 : i32, i32, i32
  }
  func.func @transform_1(%arg0: i32, %arg1: i32) -> (i32, i32, i32) {
    %c0_i32 = arith.constant 0 : i32
    %c0_i32_0 = arith.constant 0 : i32
    %c0_i32_1 = arith.constant 0 : i32
    return %arg0, %c0_i32, %c0_i32_0 : i32, i32, i32
  }
  func.func @transform_2(%arg0: i32, %arg1: i32) -> (i32, i32, i32) {
    %c0_i32 = arith.constant 0 : i32
    %c0_i32_0 = arith.constant 0 : i32
    %c0_i32_1 = arith.constant 0 : i32
    return %arg0, %c0_i32, %c0_i32_0 : i32, i32, i32
  }
  func.func @transform_3(%arg0: i32, %arg1: i32) -> (i32, i32, i32, i32) {
    %c0_i32 = arith.constant 0 : i32
    %c0_i32_0 = arith.constant 0 : i32
    %c0_i32_1 = arith.constant 0 : i32
    return %arg0, %arg1, %c0_i32, %c0_i32_0 : i32, i32, i32, i32
  }
  func.func @transform_4(%arg0: i32, %arg1: i32) -> (i32, i32, i32, i32) {
    %c0_i32 = arith.constant 0 : i32
    %c0_i32_0 = arith.constant 0 : i32
    %c0_i32_1 = arith.constant 0 : i32
    return %arg0, %arg1, %c0_i32, %c0_i32_0 : i32, i32, i32, i32
  }
  func.func @transform_5(%arg0: i32, %arg1: i32) -> (i32, i32, i32, i32) {
    %c0_i32 = arith.constant 0 : i32
    %c0_i32_0 = arith.constant 0 : i32
    %c0_i32_1 = arith.constant 0 : i32
    return %arg0, %arg1, %c0_i32, %c0_i32_0 : i32, i32, i32, i32
  }
  func.func @transform_6(%arg0: i32, %arg1: i32) -> (i32, i32, i32, i32) {
    %c0_i32 = arith.constant 0 : i32
    %c0_i32_0 = arith.constant 0 : i32
    %c0_i32_1 = arith.constant 0 : i32
    return %arg0, %arg1, %c0_i32, %c0_i32_0 : i32, i32, i32, i32
  }
}

module attributes {stable_mosaic.version = 14 : i64} {
  func.func @_stats_a_body(%arg0: i32, %arg1: i32, %arg2: memref<2048x48xf32, #tpu.memory_space<vmem>>, %arg3: memref<2048x48xf32, #tpu.memory_space<vmem>>, %arg4: memref<48x32xf32, #tpu.memory_space<vmem>>, %arg5: memref<48x32xf32, #tpu.memory_space<vmem>>, %arg6: memref<1x32xf32, #tpu.memory_space<vmem>>, %arg7: memref<1x32xf32, #tpu.memory_space<vmem>>) attributes {dimension_semantics = [#tpu.dimension_semantics<arbitrary>, #tpu.dimension_semantics<arbitrary>], iteration_bounds = array<i64: 4, 32>, scalar_prefetch = 0 : i64, scratch_operands = 0 : i64, tpu.core_type = #tpu.core_type<tc>, window_params = [{transform_indices = @transform_0, window_bounds = array<i64: 2048, 48>}, {transform_indices = @transform_1, window_bounds = array<i64: 2048, 48>}, {pipeline_mode = #tpu.pipeline_mode<synchronous>, transform_indices = @transform_2, window_bounds = array<i64: 48, 32>}, {pipeline_mode = #tpu.pipeline_mode<synchronous>, transform_indices = @transform_3, window_bounds = array<i64: 48, 32>}, {pipeline_mode = #tpu.pipeline_mode<synchronous>, transform_indices = @transform_4, window_bounds = array<i64: 1, 32>}, {pipeline_mode = #tpu.pipeline_mode<synchronous>, transform_indices = @transform_5, window_bounds = array<i64: 1, 32>}]} {
    %get3A = arith.constant 0 : index
    %get3A_0 = arith.constant 0 : index
    %get3A_1 = vector.load %arg2[%get3A, %get3A_0] : memref<2048x48xf32, #tpu.memory_space<vmem>>, vector<2048x48xf32>
    %get3A_2 = arith.constant 0 : index
    %get3A_3 = arith.constant 0 : index
    %get3A_4 = vector.load %arg4[%get3A_2, %get3A_3] : memref<48x32xf32, #tpu.memory_space<vmem>>, vector<48x32xf32>
    %dot_general3A = arith.constant dense<0.000000e+00> : vector<2048x32xf32>
    %dot_general3A_5 = tpu.matmul %get3A_1, %get3A_4, %dot_general3A {dimension_numbers = #tpu.dot_dimension_numbers<[1], [0], [0], [1], [0, 0, 1, 1], [], []>, transpose_lhs_hint = false} : vector<2048x48xf32>, vector<48x32xf32>, vector<2048x32xf32> -> vector<2048x32xf32>
    %get3A_6 = arith.constant 0 : index
    %get3A_7 = arith.constant 0 : index
    %get3A_8 = vector.load %arg3[%get3A_6, %get3A_7] : memref<2048x48xf32, #tpu.memory_space<vmem>>, vector<2048x48xf32>
    %get3A_9 = arith.constant 0 : index
    %get3A_10 = arith.constant 0 : index
    %get3A_11 = vector.load %arg5[%get3A_9, %get3A_10] : memref<48x32xf32, #tpu.memory_space<vmem>>, vector<48x32xf32>
    %dot_general3A_12 = arith.constant dense<0.000000e+00> : vector<2048x32xf32>
    %dot_general3A_13 = tpu.matmul %get3A_8, %get3A_11, %dot_general3A_12 {dimension_numbers = #tpu.dot_dimension_numbers<[1], [0], [0], [1], [0, 0, 1, 1], [], []>, transpose_lhs_hint = false} : vector<2048x48xf32>, vector<48x32xf32>, vector<2048x32xf32> -> vector<2048x32xf32>
    %add3A = arith.addf %dot_general3A_5, %dot_general3A_13 : vector<2048x32xf32>
    %eq3A = arith.constant 0 : i32
    %eq3A_14 = arith.cmpi eq, %arg0, %eq3A : i32
    %eq3A_15 = arith.constant 0 : i32
    %eq3A_16 = arith.cmpi eq, %arg1, %eq3A_15 : i32
    %and3A = arith.andi %eq3A_14, %eq3A_16 : i1
    %convert_element_type3A = arith.extui %and3A : i1 to i32
    %cond3A = arith.constant 0 : i32
    %cond3A_17 = arith.cmpi ne, %convert_element_type3A, %cond3A : i32
    scf.if %cond3A_17 {
      %broadcast_in_dim3A_35 = arith.constant 0.000000e+00 : f32
      %broadcast_in_dim3A_36 = vector.broadcast %broadcast_in_dim3A_35 : f32 to vector<1x32xf32>
      %swap3A_37 = arith.constant 0 : index
      %swap3A_38 = arith.constant 0 : index
      %swap3A_39 = vector.load %arg6[%swap3A_37, %swap3A_38] : memref<1x32xf32, #tpu.memory_space<vmem>>, vector<1x32xf32>
      tpu.vector_store %arg6[%swap3A_37, %swap3A_38], %broadcast_in_dim3A_36 {strides = array<i32>} : memref<1x32xf32, #tpu.memory_space<vmem>>, vector<1x32xf32>,
      %broadcast_in_dim3A_40 = arith.constant 0.000000e+00 : f32
      %broadcast_in_dim3A_41 = vector.broadcast %broadcast_in_dim3A_40 : f32 to vector<1x32xf32>
      %swap3A_42 = arith.constant 0 : index
      %swap3A_43 = arith.constant 0 : index
      %swap3A_44 = vector.load %arg7[%swap3A_42, %swap3A_43] : memref<1x32xf32, #tpu.memory_space<vmem>>, vector<1x32xf32>
      tpu.vector_store %arg7[%swap3A_42, %swap3A_43], %broadcast_in_dim3A_41 {strides = array<i32>} : memref<1x32xf32, #tpu.memory_space<vmem>>, vector<1x32xf32>,
    } else {
    }
    %get3A_18 = arith.constant 0 : index
    %get3A_19 = arith.constant 0 : index
    %get3A_20 = vector.load %arg6[%get3A_18, %get3A_19] : memref<1x32xf32, #tpu.memory_space<vmem>>, vector<1x32xf32>
    %reduce_sum3A = arith.constant dense<0.000000e+00> : vector<32xf32>
    %reduce_sum3A_21 = vector.multi_reduction <add>, %add3A, %reduce_sum3A [0] : vector<2048x32xf32> to vector<32xf32>
    %broadcast_in_dim3A = vector.shape_cast %reduce_sum3A_21 : vector<32xf32> to vector<1x32xf32>
    %add3A_22 = arith.addf %get3A_20, %broadcast_in_dim3A : vector<1x32xf32>
    %swap3A = arith.constant 0 : index
    %swap3A_23 = arith.constant 0 : index
    %swap3A_24 = vector.load %arg6[%swap3A, %swap3A_23] : memref<1x32xf32, #tpu.memory_space<vmem>>, vector<1x32xf32>
    tpu.vector_store %arg6[%swap3A, %swap3A_23], %add3A_22 {strides = array<i32>} : memref<1x32xf32, #tpu.memory_space<vmem>>, vector<1x32xf32>,
    %get3A_25 = arith.constant 0 : index
    %get3A_26 = arith.constant 0 : index
    %get3A_27 = vector.load %arg7[%get3A_25, %get3A_26] : memref<1x32xf32, #tpu.memory_space<vmem>>, vector<1x32xf32>
    %mul3A = arith.mulf %add3A, %add3A : vector<2048x32xf32>
    %reduce_sum3A_28 = arith.constant dense<0.000000e+00> : vector<32xf32>
    %reduce_sum3A_29 = vector.multi_reduction <add>, %mul3A, %reduce_sum3A_28 [0] : vector<2048x32xf32> to vector<32xf32>
    %broadcast_in_dim3A_30 = vector.shape_cast %reduce_sum3A_29 : vector<32xf32> to vector<1x32xf32>
    %add3A_31 = arith.addf %get3A_27, %broadcast_in_dim3A_30 : vector<1x32xf32>
    %swap3A_32 = arith.constant 0 : index
    %swap3A_33 = arith.constant 0 : index
    %swap3A_34 = vector.load %arg7[%swap3A_32, %swap3A_33] : memref<1x32xf32, #tpu.memory_space<vmem>>, vector<1x32xf32>
    tpu.vector_store %arg7[%swap3A_32, %swap3A_33], %add3A_31 {strides = array<i32>} : memref<1x32xf32, #tpu.memory_space<vmem>>, vector<1x32xf32>,
    return
  }
  func.func @transform_0(%arg0: i32, %arg1: i32) -> (i32, i32) {
    %mul3A = arith.constant 32 : i32
    %mul3A_0 = arith.muli %arg0, %mul3A : i32
    %add3A = arith.addi %mul3A_0, %arg1 : i32
    %c0_i32 = arith.constant 0 : i32
    %c0_i32_1 = arith.constant 0 : i32
    return %add3A, %c0_i32 : i32, i32
  }
  func.func @transform_1(%arg0: i32, %arg1: i32) -> (i32, i32) {
    %add3A = arith.constant 128 : i32
    %add3A_0 = arith.addi %add3A, %arg0 : i32
    %c0_i32 = arith.constant 0 : i32
    %c0_i32_1 = arith.constant 0 : i32
    return %add3A_0, %c0_i32 : i32, i32
  }
  func.func @transform_2(%arg0: i32, %arg1: i32) -> (i32, i32) {
    %c0_i32 = arith.constant 0 : i32
    %c0_i32_0 = arith.constant 0 : i32
    %c0_i32_1 = arith.constant 0 : i32
    return %c0_i32, %c0_i32_0 : i32, i32
  }
  func.func @transform_3(%arg0: i32, %arg1: i32) -> (i32, i32) {
    %c0_i32 = arith.constant 0 : i32
    %c0_i32_0 = arith.constant 0 : i32
    %c0_i32_1 = arith.constant 0 : i32
    return %c0_i32, %c0_i32_0 : i32, i32
  }
  func.func @transform_4(%arg0: i32, %arg1: i32) -> (i32, i32) {
    %c0_i32 = arith.constant 0 : i32
    %c0_i32_0 = arith.constant 0 : i32
    %c0_i32_1 = arith.constant 0 : i32
    return %c0_i32, %c0_i32_0 : i32, i32
  }
  func.func @transform_5(%arg0: i32, %arg1: i32) -> (i32, i32) {
    %c0_i32 = arith.constant 0 : i32
    %c0_i32_0 = arith.constant 0 : i32
    %c0_i32_1 = arith.constant 0 : i32
    return %c0_i32, %c0_i32_0 : i32, i32
  }
}

module attributes {stable_mosaic.version = 14 : i64} {
  func.func @_stats_c_body(%arg0: i32, %arg1: i32, %arg2: memref<2048x48xf32, #tpu.memory_space<vmem>>, %arg3: memref<2048x48xf32, #tpu.memory_space<vmem>>, %arg4: memref<48x32xf32, #tpu.memory_space<vmem>>, %arg5: memref<48x32xf32, #tpu.memory_space<vmem>>, %arg6: memref<1x32xf32, #tpu.memory_space<vmem>>, %arg7: memref<1x32xf32, #tpu.memory_space<vmem>>, %arg8: memref<32x32xf32, #tpu.memory_space<vmem>>, %arg9: memref<1x32xf32, #tpu.memory_space<vmem>>, %arg10: memref<1x32xf32, #tpu.memory_space<vmem>>, %arg11: memref<32x64xf32, #tpu.memory_space<vmem>>, %arg12: memref<1x64xf32, #tpu.memory_space<vmem>>, %arg13: memref<1x64xf32, #tpu.memory_space<vmem>>) attributes {dimension_semantics = [#tpu.dimension_semantics<arbitrary>, #tpu.dimension_semantics<arbitrary>], iteration_bounds = array<i64: 4, 32>, scalar_prefetch = 0 : i64, scratch_operands = 0 : i64, tpu.core_type = #tpu.core_type<tc>, window_params = [{transform_indices = @transform_0, window_bounds = array<i64: 2048, 48>}, {transform_indices = @transform_1, window_bounds = array<i64: 2048, 48>}, {pipeline_mode = #tpu.pipeline_mode<synchronous>, transform_indices = @transform_2, window_bounds = array<i64: 48, 32>}, {pipeline_mode = #tpu.pipeline_mode<synchronous>, transform_indices = @transform_3, window_bounds = array<i64: 48, 32>}, {pipeline_mode = #tpu.pipeline_mode<synchronous>, transform_indices = @transform_4, window_bounds = array<i64: 1, 32>}, {pipeline_mode = #tpu.pipeline_mode<synchronous>, transform_indices = @transform_5, window_bounds = array<i64: 1, 32>}, {pipeline_mode = #tpu.pipeline_mode<synchronous>, transform_indices = @transform_6, window_bounds = array<i64: 32, 32>}, {pipeline_mode = #tpu.pipeline_mode<synchronous>, transform_indices = @transform_7, window_bounds = array<i64: 1, 32>}, {pipeline_mode = #tpu.pipeline_mode<synchronous>, transform_indices = @transform_8, window_bounds = array<i64: 1, 32>}, {pipeline_mode = #tpu.pipeline_mode<synchronous>, transform_indices = @transform_9, window_bounds = array<i64: 32, 64>}, {pipeline_mode = #tpu.pipeline_mode<synchronous>, transform_indices = @transform_10, window_bounds = array<i64: 1, 64>}, {pipeline_mode = #tpu.pipeline_mode<synchronous>, transform_indices = @transform_11, window_bounds = array<i64: 1, 64>}]} {
    %get3A = arith.constant 0 : index
    %get3A_0 = arith.constant 0 : index
    %get3A_1 = vector.load %arg2[%get3A, %get3A_0] : memref<2048x48xf32, #tpu.memory_space<vmem>>, vector<2048x48xf32>
    %get3A_2 = arith.constant 0 : index
    %get3A_3 = arith.constant 0 : index
    %get3A_4 = vector.load %arg4[%get3A_2, %get3A_3] : memref<48x32xf32, #tpu.memory_space<vmem>>, vector<48x32xf32>
    %dot_general3A = arith.constant dense<0.000000e+00> : vector<2048x32xf32>
    %dot_general3A_5 = tpu.matmul %get3A_1, %get3A_4, %dot_general3A {dimension_numbers = #tpu.dot_dimension_numbers<[1], [0], [0], [1], [0, 0, 1, 1], [], []>, transpose_lhs_hint = false} : vector<2048x48xf32>, vector<48x32xf32>, vector<2048x32xf32> -> vector<2048x32xf32>
    %get3A_6 = arith.constant 0 : index
    %get3A_7 = arith.constant 0 : index
    %get3A_8 = vector.load %arg3[%get3A_6, %get3A_7] : memref<2048x48xf32, #tpu.memory_space<vmem>>, vector<2048x48xf32>
    %get3A_9 = arith.constant 0 : index
    %get3A_10 = arith.constant 0 : index
    %get3A_11 = vector.load %arg5[%get3A_9, %get3A_10] : memref<48x32xf32, #tpu.memory_space<vmem>>, vector<48x32xf32>
    %dot_general3A_12 = arith.constant dense<0.000000e+00> : vector<2048x32xf32>
    %dot_general3A_13 = tpu.matmul %get3A_8, %get3A_11, %dot_general3A_12 {dimension_numbers = #tpu.dot_dimension_numbers<[1], [0], [0], [1], [0, 0, 1, 1], [], []>, transpose_lhs_hint = false} : vector<2048x48xf32>, vector<48x32xf32>, vector<2048x32xf32> -> vector<2048x32xf32>
    %add3A = arith.addf %dot_general3A_5, %dot_general3A_13 : vector<2048x32xf32>
    %get3A_14 = arith.constant 0 : index
    %get3A_15 = arith.constant 0 : index
    %get3A_16 = vector.load %arg6[%get3A_14, %get3A_15] : memref<1x32xf32, #tpu.memory_space<vmem>>, vector<1x32xf32>
    %mul3A = vector.broadcast %get3A_16 : vector<1x32xf32> to vector<2048x32xf32>
    %mul3A_17 = arith.mulf %add3A, %mul3A : vector<2048x32xf32>
    %get3A_18 = arith.constant 0 : index
    %get3A_19 = arith.constant 0 : index
    %get3A_20 = vector.load %arg7[%get3A_18, %get3A_19] : memref<1x32xf32, #tpu.memory_space<vmem>>, vector<1x32xf32>
    %add3A_21 = vector.broadcast %get3A_20 : vector<1x32xf32> to vector<2048x32xf32>
    %add3A_22 = arith.addf %mul3A_17, %add3A_21 : vector<2048x32xf32>
    %max3A = arith.constant 0.000000e+00 : f32
    %max3A_23 = vector.broadcast %max3A : f32 to vector<2048x32xf32>
    %max3A_24 = arith.maximumf %add3A_22, %max3A_23 : vector<2048x32xf32>
    %get3A_25 = arith.constant 0 : index
    %get3A_26 = arith.constant 0 : index
    %get3A_27 = vector.load %arg8[%get3A_25, %get3A_26] : memref<32x32xf32, #tpu.memory_space<vmem>>, vector<32x32xf32>
    %dot_general3A_28 = arith.constant dense<0.000000e+00> : vector<2048x32xf32>
    %dot_general3A_29 = tpu.matmul %max3A_24, %get3A_27, %dot_general3A_28 {dimension_numbers = #tpu.dot_dimension_numbers<[1], [0], [0], [1], [0, 0, 1, 1], [], []>, transpose_lhs_hint = false} : vector<2048x32xf32>, vector<32x32xf32>, vector<2048x32xf32> -> vector<2048x32xf32>
    %get3A_30 = arith.constant 0 : index
    %get3A_31 = arith.constant 0 : index
    %get3A_32 = vector.load %arg9[%get3A_30, %get3A_31] : memref<1x32xf32, #tpu.memory_space<vmem>>, vector<1x32xf32>
    %mul3A_33 = vector.broadcast %get3A_32 : vector<1x32xf32> to vector<2048x32xf32>
    %mul3A_34 = arith.mulf %dot_general3A_29, %mul3A_33 : vector<2048x32xf32>
    %get3A_35 = arith.constant 0 : index
    %get3A_36 = arith.constant 0 : index
    %get3A_37 = vector.load %arg10[%get3A_35, %get3A_36] : memref<1x32xf32, #tpu.memory_space<vmem>>, vector<1x32xf32>
    %add3A_38 = vector.broadcast %get3A_37 : vector<1x32xf32> to vector<2048x32xf32>
    %add3A_39 = arith.addf %mul3A_34, %add3A_38 : vector<2048x32xf32>
    %max3A_40 = arith.constant 0.000000e+00 : f32
    %max3A_41 = vector.broadcast %max3A_40 : f32 to vector<2048x32xf32>
    %max3A_42 = arith.maximumf %add3A_39, %max3A_41 : vector<2048x32xf32>
    %get3A_43 = arith.constant 0 : index
    %get3A_44 = arith.constant 0 : index
    %get3A_45 = vector.load %arg11[%get3A_43, %get3A_44] : memref<32x64xf32, #tpu.memory_space<vmem>>, vector<32x64xf32>
    %dot_general3A_46 = arith.constant dense<0.000000e+00> : vector<2048x64xf32>
    %dot_general3A_47 = tpu.matmul %max3A_42, %get3A_45, %dot_general3A_46 {dimension_numbers = #tpu.dot_dimension_numbers<[1], [0], [0], [1], [0, 0, 1, 1], [], []>, transpose_lhs_hint = false} : vector<2048x32xf32>, vector<32x64xf32>, vector<2048x64xf32> -> vector<2048x64xf32>
    %eq3A = arith.constant 0 : i32
    %eq3A_48 = arith.cmpi eq, %arg0, %eq3A : i32
    %eq3A_49 = arith.constant 0 : i32
    %eq3A_50 = arith.cmpi eq, %arg1, %eq3A_49 : i32
    %and3A = arith.andi %eq3A_48, %eq3A_50 : i1
    %convert_element_type3A = arith.extui %and3A : i1 to i32
    %cond3A = arith.constant 0 : i32
    %cond3A_51 = arith.cmpi ne, %convert_element_type3A, %cond3A : i32
    scf.if %cond3A_51 {
      %broadcast_in_dim3A_70 = arith.constant 0.000000e+00 : f32
      %broadcast_in_dim3A_71 = vector.broadcast %broadcast_in_dim3A_70 : f32 to vector<1x64xf32>
      %swap3A_72 = arith.constant 0 : index
      %swap3A_73 = arith.constant 0 : index
      %swap3A_74 = vector.load %arg12[%swap3A_72, %swap3A_73] : memref<1x64xf32, #tpu.memory_space<vmem>>, vector<1x64xf32>
      tpu.vector_store %arg12[%swap3A_72, %swap3A_73], %broadcast_in_dim3A_71 {strides = array<i32>} : memref<1x64xf32, #tpu.memory_space<vmem>>, vector<1x64xf32>,
      %broadcast_in_dim3A_75 = arith.constant 0.000000e+00 : f32
      %broadcast_in_dim3A_76 = vector.broadcast %broadcast_in_dim3A_75 : f32 to vector<1x64xf32>
      %swap3A_77 = arith.constant 0 : index
      %swap3A_78 = arith.constant 0 : index
      %swap3A_79 = vector.load %arg13[%swap3A_77, %swap3A_78] : memref<1x64xf32, #tpu.memory_space<vmem>>, vector<1x64xf32>
      tpu.vector_store %arg13[%swap3A_77, %swap3A_78], %broadcast_in_dim3A_76 {strides = array<i32>} : memref<1x64xf32, #tpu.memory_space<vmem>>, vector<1x64xf32>,
    } else {
    }
    %get3A_52 = arith.constant 0 : index
    %get3A_53 = arith.constant 0 : index
    %get3A_54 = vector.load %arg12[%get3A_52, %get3A_53] : memref<1x64xf32, #tpu.memory_space<vmem>>, vector<1x64xf32>
    %reduce_sum3A = arith.constant dense<0.000000e+00> : vector<64xf32>
    %reduce_sum3A_55 = vector.multi_reduction <add>, %dot_general3A_47, %reduce_sum3A [0] : vector<2048x64xf32> to vector<64xf32>
    %broadcast_in_dim3A = vector.shape_cast %reduce_sum3A_55 : vector<64xf32> to vector<1x64xf32>
    %add3A_56 = arith.addf %get3A_54, %broadcast_in_dim3A : vector<1x64xf32>
    %swap3A = arith.constant 0 : index
    %swap3A_57 = arith.constant 0 : index
    %swap3A_58 = vector.load %arg12[%swap3A, %swap3A_57] : memref<1x64xf32, #tpu.memory_space<vmem>>, vector<1x64xf32>
    tpu.vector_store %arg12[%swap3A, %swap3A_57], %add3A_56 {strides = array<i32>} : memref<1x64xf32, #tpu.memory_space<vmem>>, vector<1x64xf32>,
    %get3A_59 = arith.constant 0 : index
    %get3A_60 = arith.constant 0 : index
    %get3A_61 = vector.load %arg13[%get3A_59, %get3A_60] : memref<1x64xf32, #tpu.memory_space<vmem>>, vector<1x64xf32>
    %mul3A_62 = arith.mulf %dot_general3A_47, %dot_general3A_47 : vector<2048x64xf32>
    %reduce_sum3A_63 = arith.constant dense<0.000000e+00> : vector<64xf32>
    %reduce_sum3A_64 = vector.multi_reduction <add>, %mul3A_62, %reduce_sum3A_63 [0] : vector<2048x64xf32> to vector<64xf32>
    %broadcast_in_dim3A_65 = vector.shape_cast %reduce_sum3A_64 : vector<64xf32> to vector<1x64xf32>
    %add3A_66 = arith.addf %get3A_61, %broadcast_in_dim3A_65 : vector<1x64xf32>
    %swap3A_67 = arith.constant 0 : index
    %swap3A_68 = arith.constant 0 : index
    %swap3A_69 = vector.load %arg13[%swap3A_67, %swap3A_68] : memref<1x64xf32, #tpu.memory_space<vmem>>, vector<1x64xf32>
    tpu.vector_store %arg13[%swap3A_67, %swap3A_68], %add3A_66 {strides = array<i32>} : memref<1x64xf32, #tpu.memory_space<vmem>>, vector<1x64xf32>,
    return
  }
  func.func @transform_0(%arg0: i32, %arg1: i32) -> (i32, i32) {
    %mul3A = arith.constant 32 : i32
    %mul3A_0 = arith.muli %arg0, %mul3A : i32
    %add3A = arith.addi %mul3A_0, %arg1 : i32
    %c0_i32 = arith.constant 0 : i32
    %c0_i32_1 = arith.constant 0 : i32
    return %add3A, %c0_i32 : i32, i32
  }
  func.func @transform_1(%arg0: i32, %arg1: i32) -> (i32, i32) {
    %add3A = arith.constant 128 : i32
    %add3A_0 = arith.addi %add3A, %arg0 : i32
    %c0_i32 = arith.constant 0 : i32
    %c0_i32_1 = arith.constant 0 : i32
    return %add3A_0, %c0_i32 : i32, i32
  }
  func.func @transform_2(%arg0: i32, %arg1: i32) -> (i32, i32) {
    %c0_i32 = arith.constant 0 : i32
    %c0_i32_0 = arith.constant 0 : i32
    %c0_i32_1 = arith.constant 0 : i32
    return %c0_i32, %c0_i32_0 : i32, i32
  }
  func.func @transform_3(%arg0: i32, %arg1: i32) -> (i32, i32) {
    %c0_i32 = arith.constant 0 : i32
    %c0_i32_0 = arith.constant 0 : i32
    %c0_i32_1 = arith.constant 0 : i32
    return %c0_i32, %c0_i32_0 : i32, i32
  }
  func.func @transform_4(%arg0: i32, %arg1: i32) -> (i32, i32) {
    %c0_i32 = arith.constant 0 : i32
    %c0_i32_0 = arith.constant 0 : i32
    %c0_i32_1 = arith.constant 0 : i32
    return %c0_i32, %c0_i32_0 : i32, i32
  }
  func.func @transform_5(%arg0: i32, %arg1: i32) -> (i32, i32) {
    %c0_i32 = arith.constant 0 : i32
    %c0_i32_0 = arith.constant 0 : i32
    %c0_i32_1 = arith.constant 0 : i32
    return %c0_i32, %c0_i32_0 : i32, i32
  }
  func.func @transform_6(%arg0: i32, %arg1: i32) -> (i32, i32) {
    %c0_i32 = arith.constant 0 : i32
    %c0_i32_0 = arith.constant 0 : i32
    %c0_i32_1 = arith.constant 0 : i32
    return %c0_i32, %c0_i32_0 : i32, i32
  }
  func.func @transform_7(%arg0: i32, %arg1: i32) -> (i32, i32) {
    %c0_i32 = arith.constant 0 : i32
    %c0_i32_0 = arith.constant 0 : i32
    %c0_i32_1 = arith.constant 0 : i32
    return %c0_i32, %c0_i32_0 : i32, i32
  }
  func.func @transform_8(%arg0: i32, %arg1: i32) -> (i32, i32) {
    %c0_i32 = arith.constant 0 : i32
    %c0_i32_0 = arith.constant 0 : i32
    %c0_i32_1 = arith.constant 0 : i32
    return %c0_i32, %c0_i32_0 : i32, i32
  }
  func.func @transform_9(%arg0: i32, %arg1: i32) -> (i32, i32) {
    %c0_i32 = arith.constant 0 : i32
    %c0_i32_0 = arith.constant 0 : i32
    %c0_i32_1 = arith.constant 0 : i32
    return %c0_i32, %c0_i32_0 : i32, i32
  }
  func.func @transform_10(%arg0: i32, %arg1: i32) -> (i32, i32) {
    %c0_i32 = arith.constant 0 : i32
    %c0_i32_0 = arith.constant 0 : i32
    %c0_i32_1 = arith.constant 0 : i32
    return %c0_i32, %c0_i32_0 : i32, i32
  }
  func.func @transform_11(%arg0: i32, %arg1: i32) -> (i32, i32) {
    %c0_i32 = arith.constant 0 : i32
    %c0_i32_0 = arith.constant 0 : i32
    %c0_i32_1 = arith.constant 0 : i32
    return %c0_i32, %c0_i32_0 : i32, i32
  }
}

module attributes {stable_mosaic.version = 14 : i64} {
  func.func @_stats_b_body(%arg0: i32, %arg1: i32, %arg2: memref<2048x48xf32, #tpu.memory_space<vmem>>, %arg3: memref<2048x48xf32, #tpu.memory_space<vmem>>, %arg4: memref<48x32xf32, #tpu.memory_space<vmem>>, %arg5: memref<48x32xf32, #tpu.memory_space<vmem>>, %arg6: memref<1x32xf32, #tpu.memory_space<vmem>>, %arg7: memref<1x32xf32, #tpu.memory_space<vmem>>, %arg8: memref<32x32xf32, #tpu.memory_space<vmem>>, %arg9: memref<1x32xf32, #tpu.memory_space<vmem>>, %arg10: memref<1x32xf32, #tpu.memory_space<vmem>>) attributes {dimension_semantics = [#tpu.dimension_semantics<arbitrary>, #tpu.dimension_semantics<arbitrary>], iteration_bounds = array<i64: 4, 32>, scalar_prefetch = 0 : i64, scratch_operands = 0 : i64, tpu.core_type = #tpu.core_type<tc>, window_params = [{transform_indices = @transform_0, window_bounds = array<i64: 2048, 48>}, {transform_indices = @transform_1, window_bounds = array<i64: 2048, 48>}, {pipeline_mode = #tpu.pipeline_mode<synchronous>, transform_indices = @transform_2, window_bounds = array<i64: 48, 32>}, {pipeline_mode = #tpu.pipeline_mode<synchronous>, transform_indices = @transform_3, window_bounds = array<i64: 48, 32>}, {pipeline_mode = #tpu.pipeline_mode<synchronous>, transform_indices = @transform_4, window_bounds = array<i64: 1, 32>}, {pipeline_mode = #tpu.pipeline_mode<synchronous>, transform_indices = @transform_5, window_bounds = array<i64: 1, 32>}, {pipeline_mode = #tpu.pipeline_mode<synchronous>, transform_indices = @transform_6, window_bounds = array<i64: 32, 32>}, {pipeline_mode = #tpu.pipeline_mode<synchronous>, transform_indices = @transform_7, window_bounds = array<i64: 1, 32>}, {pipeline_mode = #tpu.pipeline_mode<synchronous>, transform_indices = @transform_8, window_bounds = array<i64: 1, 32>}]} {
    %get3A = arith.constant 0 : index
    %get3A_0 = arith.constant 0 : index
    %get3A_1 = vector.load %arg2[%get3A, %get3A_0] : memref<2048x48xf32, #tpu.memory_space<vmem>>, vector<2048x48xf32>
    %get3A_2 = arith.constant 0 : index
    %get3A_3 = arith.constant 0 : index
    %get3A_4 = vector.load %arg4[%get3A_2, %get3A_3] : memref<48x32xf32, #tpu.memory_space<vmem>>, vector<48x32xf32>
    %dot_general3A = arith.constant dense<0.000000e+00> : vector<2048x32xf32>
    %dot_general3A_5 = tpu.matmul %get3A_1, %get3A_4, %dot_general3A {dimension_numbers = #tpu.dot_dimension_numbers<[1], [0], [0], [1], [0, 0, 1, 1], [], []>, transpose_lhs_hint = false} : vector<2048x48xf32>, vector<48x32xf32>, vector<2048x32xf32> -> vector<2048x32xf32>
    %get3A_6 = arith.constant 0 : index
    %get3A_7 = arith.constant 0 : index
    %get3A_8 = vector.load %arg3[%get3A_6, %get3A_7] : memref<2048x48xf32, #tpu.memory_space<vmem>>, vector<2048x48xf32>
    %get3A_9 = arith.constant 0 : index
    %get3A_10 = arith.constant 0 : index
    %get3A_11 = vector.load %arg5[%get3A_9, %get3A_10] : memref<48x32xf32, #tpu.memory_space<vmem>>, vector<48x32xf32>
    %dot_general3A_12 = arith.constant dense<0.000000e+00> : vector<2048x32xf32>
    %dot_general3A_13 = tpu.matmul %get3A_8, %get3A_11, %dot_general3A_12 {dimension_numbers = #tpu.dot_dimension_numbers<[1], [0], [0], [1], [0, 0, 1, 1], [], []>, transpose_lhs_hint = false} : vector<2048x48xf32>, vector<48x32xf32>, vector<2048x32xf32> -> vector<2048x32xf32>
    %add3A = arith.addf %dot_general3A_5, %dot_general3A_13 : vector<2048x32xf32>
    %get3A_14 = arith.constant 0 : index
    %get3A_15 = arith.constant 0 : index
    %get3A_16 = vector.load %arg6[%get3A_14, %get3A_15] : memref<1x32xf32, #tpu.memory_space<vmem>>, vector<1x32xf32>
    %mul3A = vector.broadcast %get3A_16 : vector<1x32xf32> to vector<2048x32xf32>
    %mul3A_17 = arith.mulf %add3A, %mul3A : vector<2048x32xf32>
    %get3A_18 = arith.constant 0 : index
    %get3A_19 = arith.constant 0 : index
    %get3A_20 = vector.load %arg7[%get3A_18, %get3A_19] : memref<1x32xf32, #tpu.memory_space<vmem>>, vector<1x32xf32>
    %add3A_21 = vector.broadcast %get3A_20 : vector<1x32xf32> to vector<2048x32xf32>
    %add3A_22 = arith.addf %mul3A_17, %add3A_21 : vector<2048x32xf32>
    %max3A = arith.constant 0.000000e+00 : f32
    %max3A_23 = vector.broadcast %max3A : f32 to vector<2048x32xf32>
    %max3A_24 = arith.maximumf %add3A_22, %max3A_23 : vector<2048x32xf32>
    %get3A_25 = arith.constant 0 : index
    %get3A_26 = arith.constant 0 : index
    %get3A_27 = vector.load %arg8[%get3A_25, %get3A_26] : memref<32x32xf32, #tpu.memory_space<vmem>>, vector<32x32xf32>
    %dot_general3A_28 = arith.constant dense<0.000000e+00> : vector<2048x32xf32>
    %dot_general3A_29 = tpu.matmul %max3A_24, %get3A_27, %dot_general3A_28 {dimension_numbers = #tpu.dot_dimension_numbers<[1], [0], [0], [1], [0, 0, 1, 1], [], []>, transpose_lhs_hint = false} : vector<2048x32xf32>, vector<32x32xf32>, vector<2048x32xf32> -> vector<2048x32xf32>
    %eq3A = arith.constant 0 : i32
    %eq3A_30 = arith.cmpi eq, %arg0, %eq3A : i32
    %eq3A_31 = arith.constant 0 : i32
    %eq3A_32 = arith.cmpi eq, %arg1, %eq3A_31 : i32
    %and3A = arith.andi %eq3A_30, %eq3A_32 : i1
    %convert_element_type3A = arith.extui %and3A : i1 to i32
    %cond3A = arith.constant 0 : i32
    %cond3A_33 = arith.cmpi ne, %convert_element_type3A, %cond3A : i32
    scf.if %cond3A_33 {
      %broadcast_in_dim3A_52 = arith.constant 0.000000e+00 : f32
      %broadcast_in_dim3A_53 = vector.broadcast %broadcast_in_dim3A_52 : f32 to vector<1x32xf32>
      %swap3A_54 = arith.constant 0 : index
      %swap3A_55 = arith.constant 0 : index
      %swap3A_56 = vector.load %arg9[%swap3A_54, %swap3A_55] : memref<1x32xf32, #tpu.memory_space<vmem>>, vector<1x32xf32>
      tpu.vector_store %arg9[%swap3A_54, %swap3A_55], %broadcast_in_dim3A_53 {strides = array<i32>} : memref<1x32xf32, #tpu.memory_space<vmem>>, vector<1x32xf32>,
      %broadcast_in_dim3A_57 = arith.constant 0.000000e+00 : f32
      %broadcast_in_dim3A_58 = vector.broadcast %broadcast_in_dim3A_57 : f32 to vector<1x32xf32>
      %swap3A_59 = arith.constant 0 : index
      %swap3A_60 = arith.constant 0 : index
      %swap3A_61 = vector.load %arg10[%swap3A_59, %swap3A_60] : memref<1x32xf32, #tpu.memory_space<vmem>>, vector<1x32xf32>
      tpu.vector_store %arg10[%swap3A_59, %swap3A_60], %broadcast_in_dim3A_58 {strides = array<i32>} : memref<1x32xf32, #tpu.memory_space<vmem>>, vector<1x32xf32>,
    } else {
    }
    %get3A_34 = arith.constant 0 : index
    %get3A_35 = arith.constant 0 : index
    %get3A_36 = vector.load %arg9[%get3A_34, %get3A_35] : memref<1x32xf32, #tpu.memory_space<vmem>>, vector<1x32xf32>
    %reduce_sum3A = arith.constant dense<0.000000e+00> : vector<32xf32>
    %reduce_sum3A_37 = vector.multi_reduction <add>, %dot_general3A_29, %reduce_sum3A [0] : vector<2048x32xf32> to vector<32xf32>
    %broadcast_in_dim3A = vector.shape_cast %reduce_sum3A_37 : vector<32xf32> to vector<1x32xf32>
    %add3A_38 = arith.addf %get3A_36, %broadcast_in_dim3A : vector<1x32xf32>
    %swap3A = arith.constant 0 : index
    %swap3A_39 = arith.constant 0 : index
    %swap3A_40 = vector.load %arg9[%swap3A, %swap3A_39] : memref<1x32xf32, #tpu.memory_space<vmem>>, vector<1x32xf32>
    tpu.vector_store %arg9[%swap3A, %swap3A_39], %add3A_38 {strides = array<i32>} : memref<1x32xf32, #tpu.memory_space<vmem>>, vector<1x32xf32>,
    %get3A_41 = arith.constant 0 : index
    %get3A_42 = arith.constant 0 : index
    %get3A_43 = vector.load %arg10[%get3A_41, %get3A_42] : memref<1x32xf32, #tpu.memory_space<vmem>>, vector<1x32xf32>
    %mul3A_44 = arith.mulf %dot_general3A_29, %dot_general3A_29 : vector<2048x32xf32>
    %reduce_sum3A_45 = arith.constant dense<0.000000e+00> : vector<32xf32>
    %reduce_sum3A_46 = vector.multi_reduction <add>, %mul3A_44, %reduce_sum3A_45 [0] : vector<2048x32xf32> to vector<32xf32>
    %broadcast_in_dim3A_47 = vector.shape_cast %reduce_sum3A_46 : vector<32xf32> to vector<1x32xf32>
    %add3A_48 = arith.addf %get3A_43, %broadcast_in_dim3A_47 : vector<1x32xf32>
    %swap3A_49 = arith.constant 0 : index
    %swap3A_50 = arith.constant 0 : index
    %swap3A_51 = vector.load %arg10[%swap3A_49, %swap3A_50] : memref<1x32xf32, #tpu.memory_space<vmem>>, vector<1x32xf32>
    tpu.vector_store %arg10[%swap3A_49, %swap3A_50], %add3A_48 {strides = array<i32>} : memref<1x32xf32, #tpu.memory_space<vmem>>, vector<1x32xf32>,
    return
  }
  func.func @transform_0(%arg0: i32, %arg1: i32) -> (i32, i32) {
    %mul3A = arith.constant 32 : i32
    %mul3A_0 = arith.muli %arg0, %mul3A : i32
    %add3A = arith.addi %mul3A_0, %arg1 : i32
    %c0_i32 = arith.constant 0 : i32
    %c0_i32_1 = arith.constant 0 : i32
    return %add3A, %c0_i32 : i32, i32
  }
  func.func @transform_1(%arg0: i32, %arg1: i32) -> (i32, i32) {
    %add3A = arith.constant 128 : i32
    %add3A_0 = arith.addi %add3A, %arg0 : i32
    %c0_i32 = arith.constant 0 : i32
    %c0_i32_1 = arith.constant 0 : i32
    return %add3A_0, %c0_i32 : i32, i32
  }
  func.func @transform_2(%arg0: i32, %arg1: i32) -> (i32, i32) {
    %c0_i32 = arith.constant 0 : i32
    %c0_i32_0 = arith.constant 0 : i32
    %c0_i32_1 = arith.constant 0 : i32
    return %c0_i32, %c0_i32_0 : i32, i32
  }
  func.func @transform_3(%arg0: i32, %arg1: i32) -> (i32, i32) {
    %c0_i32 = arith.constant 0 : i32
    %c0_i32_0 = arith.constant 0 : i32
    %c0_i32_1 = arith.constant 0 : i32
    return %c0_i32, %c0_i32_0 : i32, i32
  }
  func.func @transform_4(%arg0: i32, %arg1: i32) -> (i32, i32) {
    %c0_i32 = arith.constant 0 : i32
    %c0_i32_0 = arith.constant 0 : i32
    %c0_i32_1 = arith.constant 0 : i32
    return %c0_i32, %c0_i32_0 : i32, i32
  }
  func.func @transform_5(%arg0: i32, %arg1: i32) -> (i32, i32) {
    %c0_i32 = arith.constant 0 : i32
    %c0_i32_0 = arith.constant 0 : i32
    %c0_i32_1 = arith.constant 0 : i32
    return %c0_i32, %c0_i32_0 : i32, i32
  }
  func.func @transform_6(%arg0: i32, %arg1: i32) -> (i32, i32) {
    %c0_i32 = arith.constant 0 : i32
    %c0_i32_0 = arith.constant 0 : i32
    %c0_i32_1 = arith.constant 0 : i32
    return %c0_i32, %c0_i32_0 : i32, i32
  }
  func.func @transform_7(%arg0: i32, %arg1: i32) -> (i32, i32) {
    %c0_i32 = arith.constant 0 : i32
    %c0_i32_0 = arith.constant 0 : i32
    %c0_i32_1 = arith.constant 0 : i32
    return %c0_i32, %c0_i32_0 : i32, i32
  }
  func.func @transform_8(%arg0: i32, %arg1: i32) -> (i32, i32) {
    %c0_i32 = arith.constant 0 : i32
    %c0_i32_0 = arith.constant 0 : i32
    %c0_i32_1 = arith.constant 0 : i32
    return %c0_i32, %c0_i32_0 : i32, i32
  }
}

module attributes {stable_mosaic.version = 14 : i64} {
  func.func @_final_body(%arg0: i32, %arg1: i32, %arg2: memref<2048x48xf32, #tpu.memory_space<vmem>>, %arg3: memref<2048x48xf32, #tpu.memory_space<vmem>>, %arg4: memref<48x32xf32, #tpu.memory_space<vmem>>, %arg5: memref<48x32xf32, #tpu.memory_space<vmem>>, %arg6: memref<1x32xf32, #tpu.memory_space<vmem>>, %arg7: memref<1x32xf32, #tpu.memory_space<vmem>>, %arg8: memref<32x32xf32, #tpu.memory_space<vmem>>, %arg9: memref<1x32xf32, #tpu.memory_space<vmem>>, %arg10: memref<1x32xf32, #tpu.memory_space<vmem>>, %arg11: memref<32x64xf32, #tpu.memory_space<vmem>>, %arg12: memref<1x64xf32, #tpu.memory_space<vmem>>, %arg13: memref<1x64xf32, #tpu.memory_space<vmem>>, %arg14: memref<1x2048x64xf32, #tpu.memory_space<vmem>>) attributes {dimension_semantics = [#tpu.dimension_semantics<arbitrary>, #tpu.dimension_semantics<arbitrary>], iteration_bounds = array<i64: 4, 32>, scalar_prefetch = 0 : i64, scratch_operands = 0 : i64, tpu.core_type = #tpu.core_type<tc>, window_params = [{transform_indices = @transform_0, window_bounds = array<i64: 2048, 48>}, {transform_indices = @transform_1, window_bounds = array<i64: 2048, 48>}, {pipeline_mode = #tpu.pipeline_mode<synchronous>, transform_indices = @transform_2, window_bounds = array<i64: 48, 32>}, {pipeline_mode = #tpu.pipeline_mode<synchronous>, transform_indices = @transform_3, window_bounds = array<i64: 48, 32>}, {pipeline_mode = #tpu.pipeline_mode<synchronous>, transform_indices = @transform_4, window_bounds = array<i64: 1, 32>}, {pipeline_mode = #tpu.pipeline_mode<synchronous>, transform_indices = @transform_5, window_bounds = array<i64: 1, 32>}, {pipeline_mode = #tpu.pipeline_mode<synchronous>, transform_indices = @transform_6, window_bounds = array<i64: 32, 32>}, {pipeline_mode = #tpu.pipeline_mode<synchronous>, transform_indices = @transform_7, window_bounds = array<i64: 1, 32>}, {pipeline_mode = #tpu.pipeline_mode<synchronous>, transform_indices = @transform_8, window_bounds = array<i64: 1, 32>}, {pipeline_mode = #tpu.pipeline_mode<synchronous>, transform_indices = @transform_9, window_bounds = array<i64: 32, 64>}, {pipeline_mode = #tpu.pipeline_mode<synchronous>, transform_indices = @transform_10, window_bounds = array<i64: 1, 64>}, {pipeline_mode = #tpu.pipeline_mode<synchronous>, transform_indices = @transform_11, window_bounds = array<i64: 1, 64>}, {transform_indices = @transform_12, window_bounds = array<i64: 1, 2048, 64>}]} {
    %get3A = arith.constant 0 : index
    %get3A_0 = arith.constant 0 : index
    %get3A_1 = vector.load %arg2[%get3A, %get3A_0] : memref<2048x48xf32, #tpu.memory_space<vmem>>, vector<2048x48xf32>
    %get3A_2 = arith.constant 0 : index
    %get3A_3 = arith.constant 0 : index
    %get3A_4 = vector.load %arg4[%get3A_2, %get3A_3] : memref<48x32xf32, #tpu.memory_space<vmem>>, vector<48x32xf32>
    %dot_general3A = arith.constant dense<0.000000e+00> : vector<2048x32xf32>
    %dot_general3A_5 = tpu.matmul %get3A_1, %get3A_4, %dot_general3A {dimension_numbers = #tpu.dot_dimension_numbers<[1], [0], [0], [1], [0, 0, 1, 1], [], []>, transpose_lhs_hint = false} : vector<2048x48xf32>, vector<48x32xf32>, vector<2048x32xf32> -> vector<2048x32xf32>
    %get3A_6 = arith.constant 0 : index
    %get3A_7 = arith.constant 0 : index
    %get3A_8 = vector.load %arg3[%get3A_6, %get3A_7] : memref<2048x48xf32, #tpu.memory_space<vmem>>, vector<2048x48xf32>
    %get3A_9 = arith.constant 0 : index
    %get3A_10 = arith.constant 0 : index
    %get3A_11 = vector.load %arg5[%get3A_9, %get3A_10] : memref<48x32xf32, #tpu.memory_space<vmem>>, vector<48x32xf32>
    %dot_general3A_12 = arith.constant dense<0.000000e+00> : vector<2048x32xf32>
    %dot_general3A_13 = tpu.matmul %get3A_8, %get3A_11, %dot_general3A_12 {dimension_numbers = #tpu.dot_dimension_numbers<[1], [0], [0], [1], [0, 0, 1, 1], [], []>, transpose_lhs_hint = false} : vector<2048x48xf32>, vector<48x32xf32>, vector<2048x32xf32> -> vector<2048x32xf32>
    %add3A = arith.addf %dot_general3A_5, %dot_general3A_13 : vector<2048x32xf32>
    %get3A_14 = arith.constant 0 : index
    %get3A_15 = arith.constant 0 : index
    %get3A_16 = vector.load %arg6[%get3A_14, %get3A_15] : memref<1x32xf32, #tpu.memory_space<vmem>>, vector<1x32xf32>
    %mul3A = vector.broadcast %get3A_16 : vector<1x32xf32> to vector<2048x32xf32>
    %mul3A_17 = arith.mulf %add3A, %mul3A : vector<2048x32xf32>
    %get3A_18 = arith.constant 0 : index
    %get3A_19 = arith.constant 0 : index
    %get3A_20 = vector.load %arg7[%get3A_18, %get3A_19] : memref<1x32xf32, #tpu.memory_space<vmem>>, vector<1x32xf32>
    %add3A_21 = vector.broadcast %get3A_20 : vector<1x32xf32> to vector<2048x32xf32>
    %add3A_22 = arith.addf %mul3A_17, %add3A_21 : vector<2048x32xf32>
    %max3A = arith.constant 0.000000e+00 : f32
    %max3A_23 = vector.broadcast %max3A : f32 to vector<2048x32xf32>
    %max3A_24 = arith.maximumf %add3A_22, %max3A_23 : vector<2048x32xf32>
    %get3A_25 = arith.constant 0 : index
    %get3A_26 = arith.constant 0 : index
    %get3A_27 = vector.load %arg8[%get3A_25, %get3A_26] : memref<32x32xf32, #tpu.memory_space<vmem>>, vector<32x32xf32>
    %dot_general3A_28 = arith.constant dense<0.000000e+00> : vector<2048x32xf32>
    %dot_general3A_29 = tpu.matmul %max3A_24, %get3A_27, %dot_general3A_28 {dimension_numbers = #tpu.dot_dimension_numbers<[1], [0], [0], [1], [0, 0, 1, 1], [], []>, transpose_lhs_hint = false} : vector<2048x32xf32>, vector<32x32xf32>, vector<2048x32xf32> -> vector<2048x32xf32>
    %get3A_30 = arith.constant 0 : index
    %get3A_31 = arith.constant 0 : index
    %get3A_32 = vector.load %arg9[%get3A_30, %get3A_31] : memref<1x32xf32, #tpu.memory_space<vmem>>, vector<1x32xf32>
    %mul3A_33 = vector.broadcast %get3A_32 : vector<1x32xf32> to vector<2048x32xf32>
    %mul3A_34 = arith.mulf %dot_general3A_29, %mul3A_33 : vector<2048x32xf32>
    %get3A_35 = arith.constant 0 : index
    %get3A_36 = arith.constant 0 : index
    %get3A_37 = vector.load %arg10[%get3A_35, %get3A_36] : memref<1x32xf32, #tpu.memory_space<vmem>>, vector<1x32xf32>
    %add3A_38 = vector.broadcast %get3A_37 : vector<1x32xf32> to vector<2048x32xf32>
    %add3A_39 = arith.addf %mul3A_34, %add3A_38 : vector<2048x32xf32>
    %max3A_40 = arith.constant 0.000000e+00 : f32
    %max3A_41 = vector.broadcast %max3A_40 : f32 to vector<2048x32xf32>
    %max3A_42 = arith.maximumf %add3A_39, %max3A_41 : vector<2048x32xf32>
    %get3A_43 = arith.constant 0 : index
    %get3A_44 = arith.constant 0 : index
    %get3A_45 = vector.load %arg11[%get3A_43, %get3A_44] : memref<32x64xf32, #tpu.memory_space<vmem>>, vector<32x64xf32>
    %dot_general3A_46 = arith.constant dense<0.000000e+00> : vector<2048x64xf32>
    %dot_general3A_47 = tpu.matmul %max3A_42, %get3A_45, %dot_general3A_46 {dimension_numbers = #tpu.dot_dimension_numbers<[1], [0], [0], [1], [0, 0, 1, 1], [], []>, transpose_lhs_hint = false} : vector<2048x32xf32>, vector<32x64xf32>, vector<2048x64xf32> -> vector<2048x64xf32>
    %get3A_48 = arith.constant 0 : index
    %get3A_49 = arith.constant 0 : index
    %get3A_50 = vector.load %arg12[%get3A_48, %get3A_49] : memref<1x64xf32, #tpu.memory_space<vmem>>, vector<1x64xf32>
    %mul3A_51 = vector.broadcast %get3A_50 : vector<1x64xf32> to vector<2048x64xf32>
    %mul3A_52 = arith.mulf %dot_general3A_47, %mul3A_51 : vector<2048x64xf32>
    %get3A_53 = arith.constant 0 : index
    %get3A_54 = arith.constant 0 : index
    %get3A_55 = vector.load %arg13[%get3A_53, %get3A_54] : memref<1x64xf32, #tpu.memory_space<vmem>>, vector<1x64xf32>
    %add3A_56 = vector.broadcast %get3A_55 : vector<1x64xf32> to vector<2048x64xf32>
    %add3A_57 = arith.addf %mul3A_52, %add3A_56 : vector<2048x64xf32>
    %max3A_58 = arith.constant 0.000000e+00 : f32
    %max3A_59 = vector.broadcast %max3A_58 : f32 to vector<2048x64xf32>
    %max3A_60 = arith.maximumf %add3A_57, %max3A_59 : vector<2048x64xf32>
    %broadcast_in_dim3A = vector.shape_cast %max3A_60 : vector<2048x64xf32> to vector<1x2048x64xf32>
    %eq3A = arith.constant 0 : i32
    %eq3A_61 = arith.cmpi eq, %arg1, %eq3A : i32
    %convert_element_type3A = arith.extui %eq3A_61 : i1 to i32
    %cond3A = arith.constant 0 : i32
    %cond3A_62 = arith.cmpi ne, %convert_element_type3A, %cond3A : i32
    scf.if %cond3A_62 {
      %swap3A = arith.constant 0 : index
      %swap3A_67 = arith.constant 0 : index
      %swap3A_68 = arith.constant 0 : index
      %swap3A_69 = vector.load %arg14[%swap3A, %swap3A_67, %swap3A_68] : memref<1x2048x64xf32, #tpu.memory_space<vmem>>, vector<1x2048x64xf32>
      tpu.vector_store %arg14[%swap3A, %swap3A_67, %swap3A_68], %broadcast_in_dim3A {strides = array<i32>} : memref<1x2048x64xf32, #tpu.memory_space<vmem>>, vector<1x2048x64xf32>,
    } else {
    }
    %ne3A = arith.constant 0 : i32
    %ne3A_63 = arith.cmpi ne, %arg1, %ne3A : i32
    %convert_element_type3A_64 = arith.extui %ne3A_63 : i1 to i32
    %cond3A_65 = arith.constant 0 : i32
    %cond3A_66 = arith.cmpi ne, %convert_element_type3A_64, %cond3A_65 : i32
    scf.if %cond3A_66 {
      %get3A_67 = arith.constant 0 : index
      %get3A_68 = arith.constant 0 : index
      %get3A_69 = arith.constant 0 : index
      %get3A_70 = vector.load %arg14[%get3A_67, %get3A_68, %get3A_69] : memref<1x2048x64xf32, #tpu.memory_space<vmem>>, vector<1x2048x64xf32>
      %max3A_71 = arith.maximumf %get3A_70, %broadcast_in_dim3A : vector<1x2048x64xf32>
      %swap3A = arith.constant 0 : index
      %swap3A_72 = arith.constant 0 : index
      %swap3A_73 = arith.constant 0 : index
      %swap3A_74 = vector.load %arg14[%swap3A, %swap3A_72, %swap3A_73] : memref<1x2048x64xf32, #tpu.memory_space<vmem>>, vector<1x2048x64xf32>
      tpu.vector_store %arg14[%swap3A, %swap3A_72, %swap3A_73], %max3A_71 {strides = array<i32>} : memref<1x2048x64xf32, #tpu.memory_space<vmem>>, vector<1x2048x64xf32>,
    } else {
    }
    return
  }
  func.func @transform_0(%arg0: i32, %arg1: i32) -> (i32, i32) {
    %mul3A = arith.constant 32 : i32
    %mul3A_0 = arith.muli %arg0, %mul3A : i32
    %add3A = arith.addi %mul3A_0, %arg1 : i32
    %c0_i32 = arith.constant 0 : i32
    %c0_i32_1 = arith.constant 0 : i32
    return %add3A, %c0_i32 : i32, i32
  }
  func.func @transform_1(%arg0: i32, %arg1: i32) -> (i32, i32) {
    %add3A = arith.constant 128 : i32
    %add3A_0 = arith.addi %add3A, %arg0 : i32
    %c0_i32 = arith.constant 0 : i32
    %c0_i32_1 = arith.constant 0 : i32
    return %add3A_0, %c0_i32 : i32, i32
  }
  func.func @transform_2(%arg0: i32, %arg1: i32) -> (i32, i32) {
    %c0_i32 = arith.constant 0 : i32
    %c0_i32_0 = arith.constant 0 : i32
    %c0_i32_1 = arith.constant 0 : i32
    return %c0_i32, %c0_i32_0 : i32, i32
  }
  func.func @transform_3(%arg0: i32, %arg1: i32) -> (i32, i32) {
    %c0_i32 = arith.constant 0 : i32
    %c0_i32_0 = arith.constant 0 : i32
    %c0_i32_1 = arith.constant 0 : i32
    return %c0_i32, %c0_i32_0 : i32, i32
  }
  func.func @transform_4(%arg0: i32, %arg1: i32) -> (i32, i32) {
    %c0_i32 = arith.constant 0 : i32
    %c0_i32_0 = arith.constant 0 : i32
    %c0_i32_1 = arith.constant 0 : i32
    return %c0_i32, %c0_i32_0 : i32, i32
  }
  func.func @transform_5(%arg0: i32, %arg1: i32) -> (i32, i32) {
    %c0_i32 = arith.constant 0 : i32
    %c0_i32_0 = arith.constant 0 : i32
    %c0_i32_1 = arith.constant 0 : i32
    return %c0_i32, %c0_i32_0 : i32, i32
  }
  func.func @transform_6(%arg0: i32, %arg1: i32) -> (i32, i32) {
    %c0_i32 = arith.constant 0 : i32
    %c0_i32_0 = arith.constant 0 : i32
    %c0_i32_1 = arith.constant 0 : i32
    return %c0_i32, %c0_i32_0 : i32, i32
  }
  func.func @transform_7(%arg0: i32, %arg1: i32) -> (i32, i32) {
    %c0_i32 = arith.constant 0 : i32
    %c0_i32_0 = arith.constant 0 : i32
    %c0_i32_1 = arith.constant 0 : i32
    return %c0_i32, %c0_i32_0 : i32, i32
  }
  func.func @transform_8(%arg0: i32, %arg1: i32) -> (i32, i32) {
    %c0_i32 = arith.constant 0 : i32
    %c0_i32_0 = arith.constant 0 : i32
    %c0_i32_1 = arith.constant 0 : i32
    return %c0_i32, %c0_i32_0 : i32, i32
  }
  func.func @transform_9(%arg0: i32, %arg1: i32) -> (i32, i32) {
    %c0_i32 = arith.constant 0 : i32
    %c0_i32_0 = arith.constant 0 : i32
    %c0_i32_1 = arith.constant 0 : i32
    return %c0_i32, %c0_i32_0 : i32, i32
  }
  func.func @transform_10(%arg0: i32, %arg1: i32) -> (i32, i32) {
    %c0_i32 = arith.constant 0 : i32
    %c0_i32_0 = arith.constant 0 : i32
    %c0_i32_1 = arith.constant 0 : i32
    return %c0_i32, %c0_i32_0 : i32, i32
  }
  func.func @transform_11(%arg0: i32, %arg1: i32) -> (i32, i32) {
    %c0_i32 = arith.constant 0 : i32
    %c0_i32_0 = arith.constant 0 : i32
    %c0_i32_1 = arith.constant 0 : i32
    return %c0_i32, %c0_i32_0 : i32, i32
  }
  func.func @transform_12(%arg0: i32, %arg1: i32) -> (i32, i32, i32) {
    %c0_i32 = arith.constant 0 : i32
    %c0_i32_0 = arith.constant 0 : i32
    %c0_i32_1 = arith.constant 0 : i32
    return %arg0, %c0_i32, %c0_i32_0 : i32, i32, i32
  }
}

</mosaic_0001>

<sc_bundles>
// kernel: kernel.9.cloned.1.call-start
scs
__scs_entry_jumppad:
0x0: {  	(pc) =	sbr.rel $0x88, $3  }
0x1: {  	(tag) =	ssettag $0x0;
	lr =	simm.s32 $0x1  }
0x2: {  	[smem:$0x3F96] =	sst lr;
	_ =	strace $0xD0000000  }
0x3: {  	_ = 	snop  }
0x4: {  	_ = 	snop  }
0x5: {  	_ = 	snop  }
0x6: {  	_ = 	snop  }
0x7: {  	_ = 	snop  }
__scs_overlays_trampoline_lowered:
0x8: {  	[smem:$0x3FA5] =	sst s0  }
0x9: {  	[smem:$0x3FA6] =	sst s1  }
0xa: {  	[smem:$0x3FA7] =	sst s2  }
0xb: {  	[smem:$0x3FA8] =	sst s3  }
0xc: {  	[smem:$0x3FA9] =	sst s4  }
0xd: {  	[smem:$0x3FAA] =	sst s5  }
0xe: {  	[smem:$0x3FAB] =	sst s6  }
0xf: {  	[smem:$0x3FAC] =	sst s7  }
0x10: {  	[smem:$0x3FAD] =	sst s8  }
0x11: {  	[smem:$0x3FAE] =	sst s9;
	s0 =	simm.s32 @!p0 $0x0  }
0x12: {  	s1 =	sld [smem:$0x3F94];
	s0 =	simm.s32 @p0 $0x1  }
0x13: {  	[smem:$0x3FAF] =	sst s0;
	s0 =	simm.s32 @!p1 $0x0  }
0x14: {  	s2 =	sld [smem:$0x3F93];
	s0 =	simm.s32 @p1 $0x1  }
0x15: {  	[smem:$0x3FB0] =	sst s0;
	s0 =	simm.s32 @!p2 $0x0  }
0x16: {  	s3 =	sld [smem:$0x3FDB];
	s0 =	simm.s32 @p2 $0x1  }
0x17: {  	s4 =	simm.s32 $0x1BF5;
	[smem:$0x3FB2] =	sst s0  }
0x18: {  	s0 =	sld [smem:$0x3F95];
	_ =	swait.ge [sflag:s4], $0x0  }
0x19: {  	s7 =	sld [smem:$0x3F96]  }
0x1a: {  	s8 =	sadd.s32 $0xFFFFE003, lr  }
0x1b: {  	s9 =	sadd.s32 $0xFFFFFEF7, lr;
	s5 =	simm.s32 $0xFFFFFFFF;
	p2 =	slt.u32 s8, $0xFFFFF086  }
0x1c: {  	p1 =	slt.u32 s9, $0xF7A;
	s5 =	simm.s32 @!p2 $0x0  }
0x1d: {  	s5 =	simm.s32 @p1 $0x1;
	p0 =	seq.s32 s7, s2  }
0x1e: {  	s7 =	smul.u32 @!p0 $0xF7A, s2;
	p2 =	seq.s32 @!p0 s5, $0x0  }
0x1f: {  	s9 =	smul.u32 $0xF7A, s1;
	s8 =	simm.s32 @!p0 $0x1BF5;
	p2 =	por !p2, p0  }
0x20: {  	[sflag:s8] =	ssyncset.s32 @!p0 $0xFFFFF086;
	s6 =	sadd.s32 @!p0 s3, s7;
	s7 =	simm.s32 @!p0 $0x108  }
0x21: {  	s3 =	sadd.s32 s3, s9;
	s6 =	sadd.s32 @!p0 $0x88, s6;
	s7 =	simm.s32 @p2 $0x1082  }
0x22: {  	[simem:s7], [sflag:s8] =	dma.local @!p0 [hbm:s6], $0xF7A  }
0x23: {  	s9 =	sor.u32 $0xD0000000, s2;
	s6 =	simm.s32 $0x108;
	_ =	swait.ge @!p0 [sflag:s8], $0x0  }
0x24: {  	s3 =	sadd.s32 $0x88, s3;
	s6 =	simm.s32 @!p1 $0x1082;
	[sflag:s4] =	ssyncset.s32 $0xFFFFF086  }
0x25: {  	[simem:s6], [sflag:s4] =	dma.local [hbm:s3], $0xF7A  }
0x26: {  	[smem:$0x3F96] =	sst s1;
	(tag) =	ssettag s2;
	_ =	strace s9  }
0x27: {  	s1 =	sld [smem:$0x3FA6]  }
0x28: {  	s2 =	sld [smem:$0x3FA7]  }
0x29: {  	s4 =	sld [smem:$0x3FA9]  }
0x2a: {  	p0 =	seq.s32 s5, $0x0;
	s5 =	sld [smem:$0x3FAA]  }
0x2b: {  	s6 =	sld [smem:$0x3FAB]  }
0x2c: {  	s7 =	sld [smem:$0x3FAC]  }
0x2d: {  	s3 =	simm.s32 $0x108;
	s8 =	sld [smem:$0x3FAD]  }
0x2e: {  	s3 =	simm.s32 @!p0 $0x1082;
	s9 =	sld [smem:$0x3FAE]  }
0x2f: {  	lr =	sadd.s32 s0, s3;
	s0 =	sld [smem:$0x3FA5]  }
0x30: {  	s3 =	sld [smem:$0x3FA8]  }
0x31: {  	[smem:$0x3FB1] =	sst s10  }
0x32: {  	s10 =	sld [smem:$0x3FAF];
	_ =	sdelay $0x3  }
0x33: {  	p0 =	seq.s32 s10, $0x1;
	s10 =	sld [smem:$0x3FB1];
	_ =	sdelay $0x3  }
0x34: {  	[smem:$0x3FB1] =	sst s10  }
0x35: {  	s10 =	sld [smem:$0x3FB0];
	_ =	sdelay $0x3  }
0x36: {  	p1 =	seq.s32 s10, $0x1;
	s10 =	sld [smem:$0x3FB1];
	_ =	sdelay $0x3  }
0x37: {  	[smem:$0x3FB1] =	sst s10  }
0x38: {  	s10 =	sld [smem:$0x3FB2]  }
0x39: {  	_ = 	snop;
	(pc) =	sbr.ind lr, $3  }
0x3a: {  	_ = 	snop  }
0x3b: {  	_ = 	snop  }
0x3c: {  	p2 =	seq.s32 s10, $0x1;
	s10 =	sld [smem:$0x3FB1]  }
0x3d: {  	_ =	shalt  }
0x3e: {  	_ =	shalt  }
0x3f: {  	_ =	shalt  }
0x40: {  	_ =	shalt  }
0x41: {  	_ =	shalt  }
0x42: {  	_ =	shalt  }
0x43: {  	_ =	shalt  }
0x44: {  	_ =	shalt  }
0x45: {  	_ =	shalt  }
0x46: {  	_ =	shalt  }
0x47: {  	_ =	shalt  }
0x48: {  	_ =	shalt  }
0x49: {  	_ =	shalt  }
0x4a: {  	_ =	shalt  }
0x4b: {  	_ =	shalt  }
0x4c: {  	_ =	shalt  }
0x4d: {  	_ =	shalt  }
0x4e: {  	_ =	shalt  }
0x4f: {  	_ =	shalt  }
0x50: {  	_ =	shalt  }
0x51: {  	_ =	shalt  }
0x52: {  	_ =	shalt  }
0x53: {  	_ =	shalt  }
0x54: {  	_ =	shalt  }
0x55: {  	_ =	shalt  }
0x56: {  	_ =	shalt  }
0x57: {  	_ =	shalt  }
0x58: {  	_ =	shalt  }
0x59: {  	_ =	shalt  }
0x5a: {  	_ =	shalt  }
0x5b: {  	_ =	shalt  }
0x5c: {  	_ =	shalt  }
0x5d: {  	_ =	shalt  }
0x5e: {  	_ =	shalt  }
0x5f: {  	_ =	shalt  }
0x60: {  	_ =	shalt  }
0x61: {  	_ =	shalt  }
0x62: {  	_ =	shalt  }
0x63: {  	_ =	shalt  }
0x64: {  	_ =	shalt  }
0x65: {  	_ =	shalt  }
0x66: {  	_ =	shalt  }
0x67: {  	_ =	shalt  }
0x68: {  	_ =	shalt  }
0x69: {  	_ =	shalt  }
0x6a: {  	_ =	shalt  }
0x6b: {  	_ =	shalt  }
0x6c: {  	_ =	shalt  }
0x6d: {  	_ =	shalt  }
0x6e: {  	_ =	shalt  }
0x6f: {  	_ =	shalt  }
0x70: {  	_ =	shalt  }
0x71: {  	_ =	shalt  }
0x72: {  	_ =	shalt  }
0x73: {  	_ =	shalt  }
0x74: {  	_ =	shalt  }
0x75: {  	_ =	shalt  }
0x76: {  	_ =	shalt  }
0x77: {  	_ =	shalt  }
0x78: {  	_ =	shalt  }
0x79: {  	_ =	shalt  }
0x7a: {  	_ =	shalt  }
0x7b: {  	_ =	shalt  }
0x7c: {  	_ =	shalt  }
0x7d: {  	_ =	shalt  }
0x7e: {  	_ =	shalt  }
0x7f: {  	_ =	shalt  }
0x80: {  	_ =	shalt  }
0x81: {  	_ =	shalt  }
0x82: {  	_ =	shalt  }
0x83: {  	_ =	shalt  }
0x84: {  	_ =	shalt  }
0x85: {  	_ =	shalt  }
0x86: {  	_ =	shalt  }
0x87: {  	_ =	shalt  }
.Lfunc_end0:
.L_simem_size_0:
called_computation_lowered:
.L_overlay_start_0:
0x88: {  	s2 =	sld [smem:$0x3FD9]  }
0x89: {  	s3 =	sld [smem:$0x3FFE];
	_ =	sdelay $0x1  }
0x8a: {  	s1 =	srdreg.scid  }
0x8b: {  	s0 =	sand.u32 $0x1, s1  }
0x8c: {  	s14 =	sshll.u32 s0, $0xA;
	s2 =	sadd.s32 s3, s2  }
0x8d: {  	s2 =	sadd.s32 s2, s14  }
0x8e: {  	[smem:$0x3FBD] =	sst s2  }
0x8f: {  	_ = 	snop  }
0x90: {  	s2 =	sld [smem:$0x3FD0];
	_ =	sdelay $0x2  }
0x91: {  	s15 =	simm.s32 $0xA;
	s4 =	simm.s32 $0x10  }
0x92: {  	[smem:s4], [sflag:s15] =	dma.local [hbm:s2], $0x1  }
0x93: {  	_ =	swait.eq [sflag:s15], $0x1  }
0x94: {  	[sflag:s15] =	ssyncset.done $0x0  }
0x95: {  	[sflag:s15] =	ssyncadd.s32 $0xFFFFFFFF  }
0x96: {  	s16 =	sld [smem:$0x12];
	(tm) =	ssettm $0x1  }
0x97: {  	s17 =	sld [smem:$0x3FFB];
	_ =	sdelay $0x3  }
0x98: {  	_ =	strace s17  }
0x99: {  	s3 =	sld [smem:$0x3FFC];
	_ =	sdelay $0x3  }
0x9a: {  	_ =	strace s3  }
0x9b: {  	s3 =	sld [smem:$0x3FFD];
	_ =	sdelay $0x3  }
0x9c: {  	_ =	strace s3  }
0x9d: {  	_ =	strace $0x8FFFFFFF  }
0x9e: {  	s18 =	sld [smem:$0x3FDB];
	_ =	sdelay $0x1  }
0x9f: {  	s19 =	simm.s32 $_scs_section_size  }
0xa0: {  	s5 =	simm.s32 $_size__tile_overlayer_lowered;
	s6 =	simm.s32 $_tile_overlayer_lowered  }
0xa1: {  	s22 =	simm.s32 $0x1BFF;
	s21 =	sshll.u32 s6, $0x1;
	s3 =	sadd.s32 s19, s18  }
0xa2: {  	s7 =	simm.s32 $0x0;
	s20 =	sshll.u32 s5, $0x1;
	s5 =	sadd.s32 s21, s3  }
0xa3: {  	[timem:s7], [sflag:s22] =	dma.local [hbm:s5], s20  }
0xa4: {  	_ =	swait.ge [sflag:s22], s20  }
0xa5: {  	s4 =	ssub.s32 $0x0, s20;
	[sflag:s22] =	ssyncset.done $0x0  }
0xa6: {  	[sflag:s22] =	ssyncadd.s32 s4;
	_ =	sdelay $0x1  }
0xa7: {  	s23 =	simm.s32 $0x1B8B  }
0xa8: {  	_ =	swait.ge [sflag:s23], $0x1  }
0xa9: {  	[sflag:s23] =	ssyncset.done $0x0  }
0xaa: {  	s25 =	simm.s32 $0x1B8E;
	s24 =	sld [smem:$0x3FFE];
	[sflag:s23] =	ssyncadd.s32 $0xFFFFFFFF  }
0xab: {  	s26 =	simm.s32 $execute0_lowered;
	[smem:$0x3FD2] =	sst s25  }
0xac: {  	s5 =	sshll.u32 s26, $0x1;
	_ =	strace $0x80000046;
	[dreg:$0x1] =	wrdreg $0xFFFFFFFF  }
0xad: {  	s28 =	simm.s32 $_size_execute0_lowered;
	s3 =	sadd.s32 s3, s5;
	[dreg:$0x0] =	wrdreg $0x0  }
0xae: {  	s5 =	sshll.u32 s28, $0x1;
	[dreg:$0x2] =	wrdreg s3  }
0xaf: {  	[dreg:$0x3] =	wrdreg s5  }
0xb0: {  	[dreg:$0x4] =	wrdreg $0xC0  }
0xb1: {  	_ =	task [dreg:s7], $0x5FFFF  }
0xb2: {  	[dreg:$0x1] =	wrdreg $0xFFFFFFFF  }
0xb3: {  	[dreg:$0x0] =	wrdreg $0x60  }
0xb4: {  	[dreg:$0x2] =	wrdreg s24  }
0xb5: {  	[dreg:$0x3] =	wrdreg s16  }
0xb6: {  	[dreg:$0x4] =	wrdreg $0x9  }
0xb7: {  	_ =	task.clear_ibuf [dreg:s7], $0x5FFFF;
	_ =	strace $0x90000046  }
0xb8: {  	s29 =	simm.s32 $0x9;
	_ =	strace $0x80000048  }
0xb9: {  	_ =	swait.ge [sflag:s29], $0x1  }
0xba: {  	[sflag:s29] =	ssyncadd.s32 $0xFFFFFFFF  }
0xbb: {  	_ =	strace $0x90000048  }
0xbc: {  	_ =	sfence  }
0xbd: {  	s30 =	sld [smem:$0x0];
	_ =	sdelay $0x2  }
0xbe: {  	s31 =	sshll.u32 s1, $0xD;
	s1 =	sshrl.u32 s1, $0x2  }
0xbf: {  	s3 =	sand.u32 $0x4000, s31;
	s1 =	sadd.s32 s1, s30  }
0xc0: {  	s0 =	sor.u32 s3, s0;
	s1 =	sshll.u32 s1, $0x11  }
0xc1: {  	s0 =	sor.u32 s1, s0  }
0xc2: {  	s0 =	sadd.s32 $0x8F2B, s0  }
0xc3: {  	[sflag:s0] =	ssyncadd.remote.s32 $0x1  }
0xc4: {  	_ =	sfence.sel $0xFFFF  }
0xc5: {  	[dreg:$0x0] =	wrdreg $0xFFFFFFFF;
	(pc) =	sbr.abs _section_cstart, $3  }
0xc6: {  	[dreg:$0x1] =	wrdreg $0xFFFFFFFF  }
0xc7: {  	_ =	task.clear_ibuf [dreg:s7], $0x2FFFF;
	_ =	strace $0x9FFFFFFF  }
0xc8: {  	(tm) =	ssettm $0x7FFFFFFF  }
0xc9: {  	_ =	shalt  }
tec
execute0_lowered:
.L_overlay_start_1:
0x0: {  	(tag) =	ssettag $0x1  }
0x1: {  	s0 =	rddreg [dreg:$0x0]  }
0x2: {  	s1 =	rddreg [dreg:$0x1]  }
0x3: {  	s7 =	stileid.u32;
	s3 =	srdreg.scid  }
0x4: {  	s2 =	simm.s32 $0x0;
	s9 =	simm.s32 $0x1D80;
	s10 =	simm.s32 $0x100  }
0x5: {  	s11 =	simm.s32 $0x3580;
	s12 =	simm.s32 $0x180;
	s13 =	simm.s32 $0x4D80  }
0x6: {  	s14 =	simm.s32 $0x200;
	s15 =	simm.s32 $0x6580;
	s16 =	simm.s32 $0x280  }
0x7: {  	s17 =	simm.s32 $0x7D80;
	s18 =	simm.s32 $0x300;
	s19 =	simm.s32 $0x9580  }
0x8: {  	s20 =	simm.s32 $0x380;
	s21 =	simm.s32 $0xAD80;
	s22 =	simm.s32 $0x400  }
0x9: {  	s23 =	simm.s32 $0xC580;
	s24 =	simm.s32 $0x480;
	s25 =	simm.s32 $0xDD80  }
0xa: {  	s26 =	simm.s32 $0x500;
	s28 =	simm.s32 $0xF580;
	s4 =	smul.u32 $0x18C00, s7  }
0xb: {  	s29 =	simm.s32 $0x1;
	s5 =	sand.u32 $0x1, s3;
	s7 =	smul.u32 $0x840, s7  }
0xc: {  	s30 =	simm.s32 $0x0;
	[smem:$0x7FF] =	sst s2;
	s6 =	smul.u32 $0xC600, s5  }
0xd: {  	s3 =	sadd.s32 $0x2000, s0;
	s8 =	ssub.s32 $0x2, s5;
	s5 =	smul.u32 $0x420, s5  }
0xe: {  	_ =	strace $0x80000047;
	s31 =	sshrl.u32 s8, $0x1;
	s1 =	sadd.s32 s7, s1  }
0xf: {  	s0 =	sadd.s32 s4, s0;
	s4 =	ssub.s32 s8, s31;
	s1 =	sadd.s32 s5, s1  }
0x10: {  	s0 =	sadd.s32 s6, s0;
	s4 =	smax.u32 s4, $0x1;
	[dreg:$0x3] =	wrdreg s1  }
0x11: {  	s7 =	simm.s32 $0x80;
	s0 =	sadd.s32 $0x32000, s0;
	[dreg:$0x4] =	wrdreg s4  }
0x12: {  	s6 =	simm.s32 $0x2;
	s8 =	simm.s32 $0x580;
	[dreg:$0x5] =	wrdreg s0  }
.LBB2_1:
0x13: {  	s0 =	rddreg [dreg:$0x3]  }
0x14: {  	s0 =	sadd.s32 $0x0, s0  }
0x15: {  	[tilespmem:s2], [sflag:$0x2] =	stream.linear.gather [hbm4b:s0+s2], $0x580, $0x38;
	[tilespmem:$0x10D80] =	vst v63  }
0x16: {  	_ =	swait.ge [sflag:s6], $0x580  }
0x17: {  	[sflag:s6] =	ssyncset.done $0x0  }
0x18: {  	[sflag:s6] =	ssyncadd.s32 $0xFFFFFA80  }
0x19: {  	[tilespmem:s8], [sflag:$0x1] =	stream.indirect.gather [hbm4b:s3+s7], $0x30, s2, s7, $0xb8;
	[tilespmem:$0x10D80] =	vst v63  }
0x1a: {  	_ = 	snop  }
0x1b: {  	[tilespmem:s9], [sflag:$0x1] =	stream.indirect.gather [hbm4b:s3+s7], $0x30, s7, s7, $0xb8;
	[tilespmem:$0x10D80] =	vst v63  }
0x1c: {  	_ = 	snop  }
0x1d: {  	[tilespmem:s11], [sflag:$0x1] =	stream.indirect.gather [hbm4b:s3+s7], $0x30, s10, s7, $0xb8;
	[tilespmem:$0x10D80] =	vst v63  }
0x1e: {  	_ = 	snop  }
0x1f: {  	[tilespmem:s13], [sflag:$0x1] =	stream.indirect.gather [hbm4b:s3+s7], $0x30, s12, s7, $0xb8;
	[tilespmem:$0x10D80] =	vst v63  }
0x20: {  	_ = 	snop  }
0x21: {  	[tilespmem:s15], [sflag:$0x1] =	stream.indirect.gather [hbm4b:s3+s7], $0x30, s14, s7, $0xb8;
	[tilespmem:$0x10D80] =	vst v63  }
0x22: {  	_ = 	snop  }
0x23: {  	[tilespmem:s17], [sflag:$0x1] =	stream.indirect.gather [hbm4b:s3+s7], $0x30, s16, s7, $0xb8;
	[tilespmem:$0x10D80] =	vst v63  }
0x24: {  	_ = 	snop  }
0x25: {  	[tilespmem:s19], [sflag:$0x1] =	stream.indirect.gather [hbm4b:s3+s7], $0x30, s18, s7, $0xb8;
	[tilespmem:$0x10D80] =	vst v63  }
0x26: {  	_ = 	snop  }
0x27: {  	[tilespmem:s21], [sflag:$0x1] =	stream.indirect.gather [hbm4b:s3+s7], $0x30, s20, s7, $0xb8;
	[tilespmem:$0x10D80] =	vst v63  }
0x28: {  	_ = 	snop  }
0x29: {  	[tilespmem:s23], [sflag:$0x1] =	stream.indirect.gather [hbm4b:s3+s7], $0x30, s22, s7, $0xb8;
	[tilespmem:$0x10D80] =	vst v63  }
0x2a: {  	_ = 	snop  }
0x2b: {  	[tilespmem:s25], [sflag:$0x1] =	stream.indirect.gather [hbm4b:s3+s7], $0x30, s24, s7, $0xb8;
	[tilespmem:$0x10D80] =	vst v63  }
0x2c: {  	_ = 	snop  }
0x2d: {  	[tilespmem:s28], [sflag:$0x1] =	stream.indirect.gather [hbm4b:s3+s7], $0x30, s26, s7, $0xb8;
	[tilespmem:$0x10D80] =	vst v63  }
0x2e: {  	_ =	swait.ge [sflag:s29], $0x1800  }
0x2f: {  	[sflag:s29] =	ssyncset.done $0x0  }
0x30: {  	[sflag:s29] =	ssyncadd.s32 $0xFFFFE800  }
0x31: {  	_ =	swait.ge [sflag:s29], $0x1800  }
0x32: {  	[sflag:s29] =	ssyncset.done $0x0  }
0x33: {  	[sflag:s29] =	ssyncadd.s32 $0xFFFFE800  }
0x34: {  	_ =	swait.ge [sflag:s29], $0x1800  }
0x35: {  	[sflag:s29] =	ssyncset.done $0x0  }
0x36: {  	[sflag:s29] =	ssyncadd.s32 $0xFFFFE800  }
0x37: {  	_ =	swait.ge [sflag:s29], $0x1800  }
0x38: {  	[sflag:s29] =	ssyncset.done $0x0  }
0x39: {  	[sflag:s29] =	ssyncadd.s32 $0xFFFFE800  }
0x3a: {  	_ =	swait.ge [sflag:s29], $0x1800  }
0x3b: {  	[sflag:s29] =	ssyncset.done $0x0  }
0x3c: {  	[sflag:s29] =	ssyncadd.s32 $0xFFFFE800  }
0x3d: {  	_ =	swait.ge [sflag:s29], $0x1800  }
0x3e: {  	[sflag:s29] =	ssyncset.done $0x0  }
0x3f: {  	[sflag:s29] =	ssyncadd.s32 $0xFFFFE800  }
0x40: {  	_ =	swait.ge [sflag:s29], $0x1800  }
0x41: {  	[sflag:s29] =	ssyncset.done $0x0  }
0x42: {  	[sflag:s29] =	ssyncadd.s32 $0xFFFFE800  }
0x43: {  	_ =	swait.ge [sflag:s29], $0x1800  }
0x44: {  	[sflag:s29] =	ssyncset.done $0x0  }
0x45: {  	[sflag:s29] =	ssyncadd.s32 $0xFFFFE800  }
0x46: {  	_ =	swait.ge [sflag:s29], $0x1800  }
0x47: {  	[sflag:s29] =	ssyncset.done $0x0  }
0x48: {  	[sflag:s29] =	ssyncadd.s32 $0xFFFFE800  }
0x49: {  	_ =	swait.ge [sflag:s29], $0x1800  }
0x4a: {  	[sflag:s29] =	ssyncset.done $0x0  }
0x4b: {  	[sflag:s29] =	ssyncadd.s32 $0xFFFFE800  }
0x4c: {  	_ =	swait.ge [sflag:s29], $0x1800  }
0x4d: {  	[sflag:s29] =	ssyncset.done $0x0  }
0x4e: {  	s31 =	rddreg [dreg:$0x5];
	[sflag:s29] =	ssyncadd.s32 $0xFFFFE800  }
0x4f: {  	[hbm4b:s31+s2] =	stream.linear.scatter [tilespmem:s8], [sflag:$0x2], $0x10800, $0x38;
	[tilespmem:$0x10D80] =	vst v63  }
0x50: {  	s1 =	simm.s32 $0x160;
	_ =	swait.ge [sflag:s6], $0x10800  }
0x51: {  	s0 =	simm.s32 $0xB0;
	s4 =	rddreg [dreg:$0x3];
	[sflag:s6] =	ssyncset.done $0x0  }
.LBB2_2:
0x52: {  	[sflag:s6] =	ssyncadd.s32 $0xFFFEF800;
	s4 =	sadd.s32 s0, s4  }
0x53: {  	[tilespmem:s2], [sflag:$0x2] =	stream.linear.gather [hbm4b:s4+s2], $0x580, $0x38;
	[tilespmem:$0x10D80] =	vst v63  }
0x54: {  	_ =	swait.ge [sflag:s6], $0x580  }
0x55: {  	[sflag:s6] =	ssyncset.done $0x0  }
0x56: {  	[sflag:s6] =	ssyncadd.s32 $0xFFFFFA80  }
0x57: {  	[tilespmem:s8], [sflag:$0x1] =	stream.indirect.gather [hbm4b:s3+s7], $0x30, s2, s7, $0xb8;
	[tilespmem:$0x10D80] =	vst v63  }
0x58: {  	_ = 	snop  }
0x59: {  	[tilespmem:s9], [sflag:$0x1] =	stream.indirect.gather [hbm4b:s3+s7], $0x30, s7, s7, $0xb8;
	[tilespmem:$0x10D80] =	vst v63  }
0x5a: {  	_ = 	snop  }
0x5b: {  	[tilespmem:s11], [sflag:$0x1] =	stream.indirect.gather [hbm4b:s3+s7], $0x30, s10, s7, $0xb8;
	[tilespmem:$0x10D80] =	vst v63  }
0x5c: {  	_ = 	snop  }
0x5d: {  	[tilespmem:s13], [sflag:$0x1] =	stream.indirect.gather [hbm4b:s3+s7], $0x30, s12, s7, $0xb8;
	[tilespmem:$0x10D80] =	vst v63  }
0x5e: {  	_ = 	snop  }
0x5f: {  	[tilespmem:s15], [sflag:$0x1] =	stream.indirect.gather [hbm4b:s3+s7], $0x30, s14, s7, $0xb8;
	[tilespmem:$0x10D80] =	vst v63  }
0x60: {  	_ = 	snop  }
0x61: {  	[tilespmem:s17], [sflag:$0x1] =	stream.indirect.gather [hbm4b:s3+s7], $0x30, s16, s7, $0xb8;
	[tilespmem:$0x10D80] =	vst v63  }
0x62: {  	_ = 	snop  }
0x63: {  	[tilespmem:s19], [sflag:$0x1] =	stream.indirect.gather [hbm4b:s3+s7], $0x30, s18, s7, $0xb8;
	[tilespmem:$0x10D80] =	vst v63  }
0x64: {  	_ = 	snop  }
0x65: {  	[tilespmem:s21], [sflag:$0x1] =	stream.indirect.gather [hbm4b:s3+s7], $0x30, s20, s7, $0xb8;
	[tilespmem:$0x10D80] =	vst v63  }
0x66: {  	_ = 	snop  }
0x67: {  	[tilespmem:s23], [sflag:$0x1] =	stream.indirect.gather [hbm4b:s3+s7], $0x30, s22, s7, $0xb8;
	[tilespmem:$0x10D80] =	vst v63  }
0x68: {  	_ = 	snop  }
0x69: {  	[tilespmem:s25], [sflag:$0x1] =	stream.indirect.gather [hbm4b:s3+s7], $0x30, s24, s7, $0xb8;
	[tilespmem:$0x10D80] =	vst v63  }
0x6a: {  	_ = 	snop  }
0x6b: {  	[tilespmem:s28], [sflag:$0x1] =	stream.indirect.gather [hbm4b:s3+s7], $0x30, s26, s7, $0xb8;
	[tilespmem:$0x10D80] =	vst v63  }
0x6c: {  	_ =	swait.ge [sflag:s29], $0x1800  }
0x6d: {  	[sflag:s29] =	ssyncset.done $0x0  }
0x6e: {  	[sflag:s29] =	ssyncadd.s32 $0xFFFFE800  }
0x6f: {  	_ =	swait.ge [sflag:s29], $0x1800  }
0x70: {  	[sflag:s29] =	ssyncset.done $0x0  }
0x71: {  	[sflag:s29] =	ssyncadd.s32 $0xFFFFE800  }
0x72: {  	_ =	swait.ge [sflag:s29], $0x1800  }
0x73: {  	[sflag:s29] =	ssyncset.done $0x0  }
0x74: {  	[sflag:s29] =	ssyncadd.s32 $0xFFFFE800  }
0x75: {  	_ =	swait.ge [sflag:s29], $0x1800  }
0x76: {  	[sflag:s29] =	ssyncset.done $0x0  }
0x77: {  	[sflag:s29] =	ssyncadd.s32 $0xFFFFE800  }
0x78: {  	_ =	swait.ge [sflag:s29], $0x1800  }
0x79: {  	[sflag:s29] =	ssyncset.done $0x0  }
0x7a: {  	[sflag:s29] =	ssyncadd.s32 $0xFFFFE800  }
0x7b: {  	_ =	swait.ge [sflag:s29], $0x1800  }
0x7c: {  	[sflag:s29] =	ssyncset.done $0x0  }
0x7d: {  	[sflag:s29] =	ssyncadd.s32 $0xFFFFE800  }
0x7e: {  	_ =	swait.ge [sflag:s29], $0x1800  }
0x7f: {  	[sflag:s29] =	ssyncset.done $0x0  }
0x80: {  	[sflag:s29] =	ssyncadd.s32 $0xFFFFE800  }
0x81: {  	_ =	swait.ge [sflag:s29], $0x1800  }
0x82: {  	[sflag:s29] =	ssyncset.done $0x0  }
0x83: {  	[sflag:s29] =	ssyncadd.s32 $0xFFFFE800  }
0x84: {  	_ =	swait.ge [sflag:s29], $0x1800  }
0x85: {  	[sflag:s29] =	ssyncset.done $0x0  }
0x86: {  	[sflag:s29] =	ssyncadd.s32 $0xFFFFE800  }
0x87: {  	_ =	swait.ge [sflag:s29], $0x1800  }
0x88: {  	[sflag:s29] =	ssyncset.done $0x0  }
0x89: {  	[sflag:s29] =	ssyncadd.s32 $0xFFFFE800  }
0x8a: {  	p0 =	sne.s32 s1, $0x370;
	_ =	swait.ge [sflag:s29], $0x1800  }
.Ltmp0:
0x8b: {  	[sflag:s29] =	ssyncset.done $0x0;
	(pc) =	sbr.rel @p0 .LBB2_2-.Ltmp0, $4  }
0x8c: {  	s31 =	sadd.s32 $0x2100, s31;
	[sflag:s29] =	ssyncadd.s32 $0xFFFFE800  }
0x8d: {  	[hbm4b:s31+s2] =	stream.linear.scatter [tilespmem:s8], [sflag:$0x2], $0x10800, $0x38;
	[tilespmem:$0x10D80] =	vst v63  }
0x8e: {  	s5 =	smov.u32 s1;
	s1 =	sadd.s32 $0xB0, s1;
	_ =	swait.ge [sflag:s6], $0x10800  }
0x8f: {  	s0 =	smov.u32 s5;
	s4 =	rddreg [dreg:$0x3];
	[sflag:s6] =	ssyncset.done $0x0  }
0x90: {  	s0 =	sadd.s32 s0, s4;
	[sflag:s6] =	ssyncadd.s32 $0xFFFEF800  }
0x91: {  	[tilespmem:s2], [sflag:$0x2] =	stream.linear.gather [hbm4b:s0+s2], $0x580, $0x38;
	[tilespmem:$0x10D80] =	vst v63  }
0x92: {  	_ =	swait.ge [sflag:s6], $0x580  }
0x93: {  	[sflag:s6] =	ssyncset.done $0x0  }
0x94: {  	[sflag:s6] =	ssyncadd.s32 $0xFFFFFA80  }
0x95: {  	[tilespmem:s8], [sflag:$0x1] =	stream.indirect.gather [hbm4b:s3+s7], $0x30, s2, s7, $0xb8;
	[tilespmem:$0x10D80] =	vst v63  }
0x96: {  	_ = 	snop  }
0x97: {  	[tilespmem:s9], [sflag:$0x1] =	stream.indirect.gather [hbm4b:s3+s7], $0x30, s7, s7, $0xb8;
	[tilespmem:$0x10D80] =	vst v63  }
0x98: {  	_ = 	snop  }
0x99: {  	[tilespmem:s11], [sflag:$0x1] =	stream.indirect.gather [hbm4b:s3+s7], $0x30, s10, s7, $0xb8;
	[tilespmem:$0x10D80] =	vst v63  }
0x9a: {  	_ = 	snop  }
0x9b: {  	[tilespmem:s13], [sflag:$0x1] =	stream.indirect.gather [hbm4b:s3+s7], $0x30, s12, s7, $0xb8;
	[tilespmem:$0x10D80] =	vst v63  }
0x9c: {  	_ = 	snop  }
0x9d: {  	[tilespmem:s15], [sflag:$0x1] =	stream.indirect.gather [hbm4b:s3+s7], $0x30, s14, s7, $0xb8;
	[tilespmem:$0x10D80] =	vst v63  }
0x9e: {  	_ = 	snop  }
0x9f: {  	[tilespmem:s17], [sflag:$0x1] =	stream.indirect.gather [hbm4b:s3+s7], $0x30, s16, s7, $0xb8;
	[tilespmem:$0x10D80] =	vst v63  }
0xa0: {  	_ = 	snop  }
0xa1: {  	[tilespmem:s19], [sflag:$0x1] =	stream.indirect.gather [hbm4b:s3+s7], $0x30, s18, s7, $0xb8;
	[tilespmem:$0x10D80] =	vst v63  }
0xa2: {  	_ = 	snop  }
0xa3: {  	[tilespmem:s21], [sflag:$0x1] =	stream.indirect.gather [hbm4b:s3+s7], $0x30, s20, s7, $0xb8;
	[tilespmem:$0x10D80] =	vst v63  }
0xa4: {  	_ = 	snop  }
0xa5: {  	[tilespmem:s23], [sflag:$0x1] =	stream.indirect.gather [hbm4b:s3+s7], $0x30, s22, s7, $0xb8;
	[tilespmem:$0x10D80] =	vst v63  }
0xa6: {  	_ = 	snop  }
0xa7: {  	[tilespmem:s25], [sflag:$0x1] =	stream.indirect.gather [hbm4b:s3+s7], $0x30, s24, s7, $0xb8;
	[tilespmem:$0x10D80] =	vst v63  }
0xa8: {  	_ = 	snop  }
0xa9: {  	[tilespmem:s28], [sflag:$0x1] =	stream.indirect.gather [hbm4b:s3+s7], $0x30, s26, s7, $0xb8;
	[tilespmem:$0x10D80] =	vst v63  }
0xaa: {  	_ =	swait.ge [sflag:s29], $0x1800  }
0xab: {  	[sflag:s29] =	ssyncset.done $0x0  }
0xac: {  	[sflag:s29] =	ssyncadd.s32 $0xFFFFE800  }
0xad: {  	_ =	swait.ge [sflag:s29], $0x1800  }
0xae: {  	[sflag:s29] =	ssyncset.done $0x0  }
0xaf: {  	[sflag:s29] =	ssyncadd.s32 $0xFFFFE800  }
0xb0: {  	_ =	swait.ge [sflag:s29], $0x1800  }
0xb1: {  	[sflag:s29] =	ssyncset.done $0x0  }
0xb2: {  	[sflag:s29] =	ssyncadd.s32 $0xFFFFE800  }
0xb3: {  	_ =	swait.ge [sflag:s29], $0x1800  }
0xb4: {  	[sflag:s29] =	ssyncset.done $0x0  }
0xb5: {  	[sflag:s29] =	ssyncadd.s32 $0xFFFFE800  }
0xb6: {  	_ =	swait.ge [sflag:s29], $0x1800  }
0xb7: {  	[sflag:s29] =	ssyncset.done $0x0  }
0xb8: {  	[sflag:s29] =	ssyncadd.s32 $0xFFFFE800  }
0xb9: {  	_ =	swait.ge [sflag:s29], $0x1800  }
0xba: {  	[sflag:s29] =	ssyncset.done $0x0  }
0xbb: {  	[sflag:s29] =	ssyncadd.s32 $0xFFFFE800  }
0xbc: {  	_ =	swait.ge [sflag:s29], $0x1800  }
0xbd: {  	[sflag:s29] =	ssyncset.done $0x0  }
0xbe: {  	[sflag:s29] =	ssyncadd.s32 $0xFFFFE800  }
0xbf: {  	_ =	swait.ge [sflag:s29], $0x1800  }
0xc0: {  	[sflag:s29] =	ssyncset.done $0x0  }
0xc1: {  	[sflag:s29] =	ssyncadd.s32 $0xFFFFE800  }
0xc2: {  	_ =	swait.ge [sflag:s29], $0x1800  }
0xc3: {  	[sflag:s29] =	ssyncset.done $0x0  }
0xc4: {  	[sflag:s29] =	ssyncadd.s32 $0xFFFFE800  }
0xc5: {  	_ =	swait.ge [sflag:s29], $0x1800  }
0xc6: {  	[sflag:s29] =	ssyncset.done $0x0  }
0xc7: {  	[sflag:s29] =	ssyncadd.s32 $0xFFFFE800  }
0xc8: {  	_ =	swait.ge [sflag:s29], $0x1800  }
0xc9: {  	[sflag:s29] =	ssyncset.done $0x0  }
0xca: {  	s5 =	sadd.s32 $0x2100, s31;
	[sflag:s29] =	ssyncadd.s32 $0xFFFFE800  }
0xcb: {  	[hbm4b:s5+s2] =	stream.linear.scatter [tilespmem:s8], [sflag:$0x2], $0x10800, $0x38;
	[tilespmem:$0x10D80] =	vst v63  }
0xcc: {  	_ =	swait.ge [sflag:s6], $0x10800  }
0xcd: {  	s30 =	sadd.s32 $0x1, s30;
	s31 =	rddreg [dreg:$0x4]  }
0xce: {  	p0 =	sne.s32 s30, s31  }
.Ltmp1:
0xcf: {  	_ = 	snop;
	(pc) =	sbr.rel @p0 .LBB2_1-.Ltmp1, $3  }
0xd0: {  	_ =	sdelay $0x1  }
0xd1: {  	[sflag:s6] =	ssyncset.done $0x0  }
0xd2: {  	[sflag:s6] =	ssyncadd.s32 $0xFFFEF800  }
0xd3: {  	_ =	sfence.sel $0x180000  }
0xd4: {  	[bflag:$0x0] =	sbarrier.arrive $0xFFFF  }
0xd5: {  	_ =	strace $0x90000047  }
0xd6: {  	s0 =	stileid.u32;
	[bflag:$0x2] =	sbarrier.arrive $0xFFFF  }
0xd7: {  	p0 =	sne.s32 s0, $0x0;
	s0 =	rddreg [dreg:$0x2]  }
0xd8: {  	s0 =	sadd.s32 @!p0 $0x100000, s0  }
0xd9: {  	[sflag:s0] =	ssyncadd.tile.s32 @!p0 $0x1;
	_ =	shalt  }
.Lfunc_end2:
_tile_overlayer_lowered:
.L_overlay_start_2:
0xda: {  	(tag) =	ssettag $0x2  }
0xdb: {  	s0 =	rddreg [dreg:$0x0];
	s2 =	stileid.u32  }
0xdc: {  	s1 =	rddreg [dreg:$0x1];
	p0 =	sne.s32 s2, $0x0  }
0xdd: {  	s3 =	rddreg [dreg:$0x2];
	[bflag:$0x3] =	sbarrier.arrive $0xFFFF;
	s2 =	simm.s32 @!p0 $0x1C02  }
0xde: {  	[timem:s3], [sflag:s2] =	dma.local @!p0 [hbm:s0], s1  }
0xdf: {  	s0 =	simm.s32 @!p0 $0x2  }
0xe0: {  	_ =	swait.ge @!p0 [sflag:s0], s1  }
0xe1: {  	s1 =	ssub.s32 @!p0 $0x0, s1;
	[sflag:s0] =	ssyncset.done @!p0 $0x0  }
0xe2: {  	[sflag:s0] =	ssyncadd.s32 @!p0 s1  }
0xe3: {  	[bflag:$0x3] =	sbarrier.arrive $0xFFFF  }
0xe4: {  	_ =	shalt  }

</sc_bundles>
